<compile_context>
chip_gen: v7x
topology: tpu7x:2x2x1
jax: 0.10.2.dev20260603
libtpu: 0.0.44.dev20260713+nightly
codegen_flags: <defaults>
</compile_context>

<pallas_src>
import functools
import jax
import jax.numpy as jnp
from jax import lax
from jax.experimental import pallas as pl
from jax.experimental.pallas import tpu as pltpu
from jax.experimental.pallas import tpu_sc as plsc

N = 10000
E = 320000
F = 128
NC = 2
NS = 16
NT = NC * NS
EPT = E // NT
K = 80
NCH = EPT // K
TILE_STRIDE = 624
TILE_COPY = 640
NEG_SLOPE = 0.2


def _vgather16(vec, idx):
    dnums = lax.GatherDimensionNumbers(
        offset_dims=(), collapsed_slice_dims=(0,), start_index_map=(0,))
    return lax.gather(vec, idx[:, None], dnums, (1,),
                      mode=lax.GatherScatterMode.PROMISE_IN_BOUNDS)


def _proj_body(x_ref, w_ref, asrc_ref, adst_ref, xw_ref, la_src_ref, la_dst_ref):
    xw = jnp.dot(x_ref[...], w_ref[...], preferred_element_type=jnp.float32)
    xw_ref[...] = xw
    la_src_ref[...] = jnp.sum(xw * asrc_ref[...], axis=1, keepdims=True)
    la_dst_ref[...] = jnp.sum(xw * adst_ref[...], axis=1, keepdims=True)


def _project(x, W, att_src, att_dst):
    blk = 1000
    grid = N // blk
    return pl.pallas_call(
        _proj_body,
        grid=(grid,),
        in_specs=[
            pl.BlockSpec((blk, F), lambda i: (i, 0)),
            pl.BlockSpec((F, F), lambda i: (0, 0)),
            pl.BlockSpec((1, F), lambda i: (0, 0)),
            pl.BlockSpec((1, F), lambda i: (0, 0)),
        ],
        out_specs=[
            pl.BlockSpec((blk, F), lambda i: (i, 0)),
            pl.BlockSpec((blk, 1), lambda i: (i, 0)),
            pl.BlockSpec((blk, 1), lambda i: (i, 0)),
        ],
        out_shape=[
            jax.ShapeDtypeStruct((N, F), jnp.float32),
            jax.ShapeDtypeStruct((N, 1), jnp.float32),
            jax.ShapeDtypeStruct((N, 1), jnp.float32),
        ],
    )(x, W, att_src, att_dst)


def _coef_body(src_hbm, dst_hbm, asrc_hbm, adst_hbm, ex_hbm, den_hbm,
               srcv, dstv, asv, adv, exbuf, denv):
    cid = lax.axis_index("c")
    sid = lax.axis_index("s")
    wid = cid * NS + sid

    zeros16 = jnp.zeros((16,), jnp.float32)
    lane = lax.iota(jnp.int32, 16)

    def zden(r, _):
        denv[pl.ds(r * 16, 16)] = zeros16
        return _
    lax.fori_loop(0, N // 16, zden, None)

    pltpu.sync_copy(src_hbm.at[wid], srcv)
    pltpu.sync_copy(dst_hbm.at[wid], dstv)
    pltpu.sync_copy(asrc_hbm, asv)
    pltpu.sync_copy(adst_hbm, adv)

    def chunk(j, _):
        for k in range(K // 16):
            s16 = srcv[j, pl.ds(k * 16, 16)]
            d16 = dstv[j, pl.ds(k * 16, 16)]
            alpha = plsc.load_gather(asv, [s16]) + plsc.load_gather(adv, [d16])
            alpha = jnp.where(alpha >= 0, alpha, NEG_SLOPE * alpha)
            ex = jnp.exp(alpha)
            exbuf[j, pl.ds(k * 16, 16)] = ex

            keys, vals = plsc.sort_key_val(d16, ex)
            c = plsc.cumsum(vals)
            nxt = jnp.minimum(lane + 1, 15)
            keys_next = _vgather16(keys, nxt)
            run_end = keys != keys_next
            m_last = run_end | (lane == 15)
            plsc.addupdate_scatter(denv, [keys], c, mask=m_last)
            plsc.addupdate_scatter(denv, [keys_next], -c, mask=run_end)
        return _
    lax.fori_loop(0, NCH, chunk, None)

    pltpu.sync_copy(exbuf, ex_hbm.at[wid])
    pltpu.sync_copy(denv, den_hbm.at[wid])


def _coef_pass(src3, dst3, a_src, a_dst):
    mesh = plsc.VectorSubcoreMesh(core_axis_name="c", subcore_axis_name="s")
    fn = pl.kernel(
        _coef_body,
        out_type=[
            jax.ShapeDtypeStruct((NT, NCH, K), jnp.float32),
            jax.ShapeDtypeStruct((NT, N), jnp.float32),
        ],
        mesh=mesh,
        scratch_types=[
            pltpu.VMEM((NCH, K), jnp.int32),
            pltpu.VMEM((NCH, K), jnp.int32),
            pltpu.VMEM((N,), jnp.float32),
            pltpu.VMEM((N,), jnp.float32),
            pltpu.VMEM((NCH, K), jnp.float32),
            pltpu.VMEM((N,), jnp.float32),
        ],
        compiler_params=pltpu.CompilerParams(needs_layout_passes=False),
    )
    return fn(src3, dst3, a_src, a_dst)


def _agg_body(xw_hbm, src_hbm, dst_hbm, ex_hbm, out_hbm,
              sidx, didx, exb, gbuf, sbuf, acc, sem):
    cid = lax.axis_index("c")
    sid = lax.axis_index("s")
    wid = cid * NS + sid

    zeros16 = jnp.zeros((16,), jnp.float32)

    def zrow(r, _):
        for k in range(F // 16):
            sbuf[r, pl.ds(k * 16, 16)] = zeros16
        return _
    lax.fori_loop(0, K, zrow, None)
    for i in range(TILE_COPY // K):
        pltpu.sync_copy(sbuf, acc.at[pl.ds(sid * TILE_STRIDE + i * K, K)])
    plsc.subcore_barrier()

    def chunk(j, _):
        pltpu.sync_copy(src_hbm.at[wid, j], sidx)
        pltpu.sync_copy(dst_hbm.at[wid, j], didx)
        pltpu.sync_copy(ex_hbm.at[wid, j], exb)
        pltpu.async_copy(xw_hbm.at[sidx], gbuf, sem).wait()

        def scale_grp(g, _):
            ex16 = exb[pl.ds(g * 16, 16)]
            base = g * 16
            for rr in range(16):
                r = base + rr
                exs = ex16[rr]
                for k in range(F // 16):
                    sbuf[r, pl.ds(k * 16, 16)] = gbuf[r, pl.ds(k * 16, 16)] * exs
            return _
        lax.fori_loop(0, K // 16, scale_grp, None)

        pltpu.sync_copy(sbuf, acc.at[didx], add=True)
        return _
    lax.fori_loop(0, NCH, chunk, None)

    plsc.subcore_barrier()
    pltpu.sync_copy(acc.at[pl.ds(sid * TILE_STRIDE, TILE_COPY)],
                    out_hbm.at[cid, pl.ds(sid * TILE_STRIDE, TILE_COPY)])


def _agg_pass(xw, src3, dst3, ex3):
    mesh = plsc.VectorSubcoreMesh(core_axis_name="c", subcore_axis_name="s")
    fn = pl.kernel(
        _agg_body,
        out_type=jax.ShapeDtypeStruct((NC, N, F), jnp.float32),
        mesh=mesh,
        scratch_types=[
            pltpu.VMEM((K,), jnp.int32),
            pltpu.VMEM((K,), jnp.int32),
            pltpu.VMEM((K,), jnp.float32),
            pltpu.VMEM((K, F), jnp.float32),
            pltpu.VMEM((K, F), jnp.float32),
            pltpu.VMEM_SHARED((N, F), jnp.float32),
            pltpu.SemaphoreType.DMA,
        ],
        compiler_params=pltpu.CompilerParams(needs_layout_passes=False),
    )
    return fn(xw, src3, dst3, ex3)


def _combine_body(acc_ref, den_ref, bias_ref, out_ref):
    num = acc_ref[0] + acc_ref[1]
    den = jnp.sum(den_ref[...], axis=0)
    out_ref[...] = num / (den[:, None] + 1e-16) + bias_ref[...]


def _combine(accs, dens, bias):
    return pl.pallas_call(
        _combine_body,
        out_shape=jax.ShapeDtypeStruct((N, F), jnp.float32),
    )(accs, dens, bias)


def kernel(x, edge_index, W, att_src, att_dst, bias):
    att_src2 = att_src.reshape(1, F)
    att_dst2 = att_dst.reshape(1, F)
    xw, la_src, la_dst = _project(x, W, att_src2, att_dst2)
    src3 = edge_index[0].reshape(NT, NCH, K)
    dst3 = edge_index[1].reshape(NT, NCH, K)
    ex3, dens = _coef_pass(src3, dst3,
                           la_src.reshape(N), la_dst.reshape(N))
    accs = _agg_pass(xw, src3, dst3, ex3)
    return _combine(accs, dens, bias.reshape(1, F))

# --- scband reference (transcript-rebuilt; emitter-appended) ---
"""Pipeline reference for scband-gatlayer-28647431864951 (READ-ONLY COPY).

The authoritative reference and input builder live on the scoring server;
editing this copy changes nothing except your own understanding.
"""

import jax, jax.numpy as jnp
import numpy as np

N = 10000
E = 320000
IN = 128
OUT = 128
H = 1
NEG_SLOPE = 0.2


def setup_inputs(seed: int = 0) -> dict:
    key = jax.random.key(seed)
    k1, k2, k3, k4, k5 = jax.random.split(key, 5)
    x = jax.random.normal(k1, (N, IN), dtype=jnp.float32)
    edge_index = jax.random.randint(k2, (2, E), 0, N, dtype=jnp.int32)
    W = jax.random.normal(k3, (IN, H * OUT), dtype=jnp.float32) * 0.1
    att_src = jax.random.normal(k4, (1, H, OUT), dtype=jnp.float32) * 0.1
    att_dst = jax.random.normal(k5, (1, H, OUT), dtype=jnp.float32) * 0.1
    bias = jnp.zeros((H * OUT,), dtype=jnp.float32)
    return {"x": x, "edge_index": edge_index, "W": W, "att_src": att_src, "att_dst": att_dst, "bias": bias}


def reference(x, edge_index, W, att_src, att_dst, bias):
    n = x.shape[0]
    h = att_src.shape[1]
    c = att_src.shape[2]
    src = edge_index[0]
    dst = edge_index[1]
    # linear projection -> [N, H, C]
    xw = (x @ W).reshape(n, h, c)
    # per-node attention logits
    a_src = (xw * att_src).sum(-1)  # [N, H]
    a_dst = (xw * att_dst).sum(-1)  # [N, H]
    # per-edge attention (gather)
    alpha = a_src[src] + a_dst[dst]  # [E, H]
    alpha = jnp.where(alpha >= 0, alpha, NEG_SLOPE * alpha)  # leaky_relu
    # segment softmax over incoming edges of each dst node
    amax = jax.ops.segment_max(alpha, dst, num_segments=n)  # [N, H]
    amax = jnp.where(jnp.isfinite(amax), amax, 0.0)
    ex = jnp.exp(alpha - amax[dst])
    denom = jax.ops.segment_sum(ex, dst, num_segments=n)
    coef = ex / (denom[dst] + 1e-16)  # [E, H]
    # message passing: weighted scatter-add of source features
    msgs = xw[src] * coef[:, :, None]  # [E, H, C]
    out = jax.ops.segment_sum(msgs, dst, num_segments=n)  # [N, H, C]
    out = out.reshape(n, h * c) + bias  # concat=True
    return out

if __name__ == "__main__":
    import jax
    _d = setup_inputs()
    print(jax.jit(kernel)(*tuple(_d.values())))

</pallas_src>

<mosaic_0001>
#map = affine_map<(d0, d1) -> (0, 0, 0)>
#map1 = affine_map<(d0, d1) -> (0)>
#map2 = affine_map<(d0, d1) -> (0, 0)>
module attributes {stable_mosaic.version = 14 : i64} {
  func.func @_coef_body(%arg0: i32, %arg1: i32, %arg2: memref<32x125x80xi32, #tpu.memory_space<hbm>>, %arg3: memref<32x125x80xi32, #tpu.memory_space<hbm>>, %arg4: memref<10000xf32, #tpu.memory_space<hbm>>, %arg5: memref<10000xf32, #tpu.memory_space<hbm>>, %arg6: memref<32x125x80xf32, #tpu.memory_space<hbm>>, %arg7: memref<32x10000xf32, #tpu.memory_space<hbm>>, %arg8: memref<125x80xi32, #tpu.memory_space<vmem>>, %arg9: memref<125x80xi32, #tpu.memory_space<vmem>>, %arg10: memref<10000xf32, #tpu.memory_space<vmem>>, %arg11: memref<10000xf32, #tpu.memory_space<vmem>>, %arg12: memref<125x80xf32, #tpu.memory_space<vmem>>, %arg13: memref<10000xf32, #tpu.memory_space<vmem>>) attributes {dimension_semantics = [#tpu.dimension_semantics<core_parallel>, #tpu.dimension_semantics<subcore_parallel>], iteration_bounds = array<i64: 2, 16>, scalar_prefetch = 0 : i64, scratch_operands = 6 : i64, tpu.core_type = #tpu.core_type<sc_vector_subcore>, window_params = [{transform_indices = #map}, {transform_indices = #map}, {transform_indices = #map1}, {transform_indices = #map1}, {transform_indices = #map}, {transform_indices = #map2}]} {
    %mul3A = arith.constant 16 : i32
    %mul3A_0 = arith.muli %arg0, %mul3A : i32
    %add3A = arith.addi %mul3A_0, %arg1 : i32
    %broadcast_in_dim3A = arith.constant 0.000000e+00 : f32
    %broadcast_in_dim3A_1 = vector.broadcast %broadcast_in_dim3A : f32 to vector<16xf32>
    %iota3A = tpu.iota {dimensions = array<i32: 0>} : vector<16xi32>
    %scan3A = arith.constant 0 : i32
    %scan3A_2 = arith.constant 625 : i32
    %scan3A_3 = arith.addi %scan3A, %scan3A_2 : i32
    %scan3A_4 = arith.constant 1 : i32
    scf.for %scan3A_11 = %scan3A to %scan3A_3 step %scan3A_4  : i32 {
      %mul3A_12 = arith.constant 16 : i32
      %mul3A_13 = arith.muli %scan3A_11, %mul3A_12 : i32
      %swap3A = arith.index_cast %mul3A_13 : i32 to index
      %swap3A_14 = tpu.vector_load %arg13[%swap3A] {strides = array<i32>} : memref<10000xf32, #tpu.memory_space<vmem>>, vector<16xf32>,
      tpu.vector_store %arg13[%swap3A], %broadcast_in_dim3A_1 {strides = array<i32>} : memref<10000xf32, #tpu.memory_space<vmem>>, vector<16xf32>,
    }
    %scan3A_5 = arith.constant 625 : i32
    "tpu.region"() ({
      %run_scoped3A = tpu.sem_alloc : memref<!tpu.dma_semaphore, #tpu.memory_space<semaphore_mem>>
      %dma_start3A = arith.constant 0 : i32
      %dma_start3A_11 = arith.constant 0 : i32
      %dma_start3A_12 = tpu.memref_slice %arg2[%add3A, %dma_start3A, %dma_start3A_11] : memref<32x125x80xi32, #tpu.memory_space<hbm>> -> memref<1x125x80xi32, #tpu.memory_space<hbm>>
      %dma_start3A_13 = tpu.memref_squeeze %dma_start3A_12 : memref<1x125x80xi32, #tpu.memory_space<hbm>> -> memref<125x80xi32, #tpu.memory_space<hbm>>
      %dma_start3A_14 = arith.constant 0 : i32
      %dma_start3A_15 = arith.constant 0 : i32
      %dma_start3A_16 = tpu.memref_slice %arg2[%add3A, %dma_start3A_14, %dma_start3A_15] : memref<32x125x80xi32, #tpu.memory_space<hbm>> -> memref<1x125x80xi32, #tpu.memory_space<hbm>>
      %dma_start3A_17 = tpu.memref_squeeze %dma_start3A_16 : memref<1x125x80xi32, #tpu.memory_space<hbm>> -> memref<125x80xi32, #tpu.memory_space<hbm>>
      tpu.enqueue_dma source(%dma_start3A_17 : memref<125x80xi32, #tpu.memory_space<hbm>>) target(%arg8 : memref<125x80xi32, #tpu.memory_space<vmem>>) target_semaphore(%run_scoped3A : memref<!tpu.dma_semaphore, #tpu.memory_space<semaphore_mem>>)
      %dma_wait3A = arith.constant 0 : i32
      %dma_wait3A_18 = arith.constant 0 : i32
      %dma_wait3A_19 = tpu.memref_slice %arg2[%add3A, %dma_wait3A, %dma_wait3A_18] : memref<32x125x80xi32, #tpu.memory_space<hbm>> -> memref<1x125x80xi32, #tpu.memory_space<hbm>>
      %dma_wait3A_20 = tpu.memref_squeeze %dma_wait3A_19 : memref<1x125x80xi32, #tpu.memory_space<hbm>> -> memref<125x80xi32, #tpu.memory_space<hbm>>
      %dma_wait3A_21 = arith.constant 0 : i32
      %dma_wait3A_22 = arith.constant 0 : i32
      %dma_wait3A_23 = tpu.memref_slice %arg2[%add3A, %dma_wait3A_21, %dma_wait3A_22] : memref<32x125x80xi32, #tpu.memory_space<hbm>> -> memref<1x125x80xi32, #tpu.memory_space<hbm>>
      %dma_wait3A_24 = tpu.memref_squeeze %dma_wait3A_23 : memref<1x125x80xi32, #tpu.memory_space<hbm>> -> memref<125x80xi32, #tpu.memory_space<hbm>>
      tpu.wait_dma2 semaphore(%run_scoped3A : memref<!tpu.dma_semaphore, #tpu.memory_space<semaphore_mem>>) src(%dma_wait3A_24 : memref<125x80xi32, #tpu.memory_space<hbm>>) dst(%arg8 : memref<125x80xi32, #tpu.memory_space<vmem>>)
      tpu.yield
    }) : () -> ()
    "tpu.region"() ({
      %run_scoped3A = tpu.sem_alloc : memref<!tpu.dma_semaphore, #tpu.memory_space<semaphore_mem>>
      %dma_start3A = arith.constant 0 : i32
      %dma_start3A_11 = arith.constant 0 : i32
      %dma_start3A_12 = tpu.memref_slice %arg3[%add3A, %dma_start3A, %dma_start3A_11] : memref<32x125x80xi32, #tpu.memory_space<hbm>> -> memref<1x125x80xi32, #tpu.memory_space<hbm>>
      %dma_start3A_13 = tpu.memref_squeeze %dma_start3A_12 : memref<1x125x80xi32, #tpu.memory_space<hbm>> -> memref<125x80xi32, #tpu.memory_space<hbm>>
      %dma_start3A_14 = arith.constant 0 : i32
      %dma_start3A_15 = arith.constant 0 : i32
      %dma_start3A_16 = tpu.memref_slice %arg3[%add3A, %dma_start3A_14, %dma_start3A_15] : memref<32x125x80xi32, #tpu.memory_space<hbm>> -> memref<1x125x80xi32, #tpu.memory_space<hbm>>
      %dma_start3A_17 = tpu.memref_squeeze %dma_start3A_16 : memref<1x125x80xi32, #tpu.memory_space<hbm>> -> memref<125x80xi32, #tpu.memory_space<hbm>>
      tpu.enqueue_dma source(%dma_start3A_17 : memref<125x80xi32, #tpu.memory_space<hbm>>) target(%arg9 : memref<125x80xi32, #tpu.memory_space<vmem>>) target_semaphore(%run_scoped3A : memref<!tpu.dma_semaphore, #tpu.memory_space<semaphore_mem>>)
      %dma_wait3A = arith.constant 0 : i32
      %dma_wait3A_18 = arith.constant 0 : i32
      %dma_wait3A_19 = tpu.memref_slice %arg3[%add3A, %dma_wait3A, %dma_wait3A_18] : memref<32x125x80xi32, #tpu.memory_space<hbm>> -> memref<1x125x80xi32, #tpu.memory_space<hbm>>
      %dma_wait3A_20 = tpu.memref_squeeze %dma_wait3A_19 : memref<1x125x80xi32, #tpu.memory_space<hbm>> -> memref<125x80xi32, #tpu.memory_space<hbm>>
      %dma_wait3A_21 = arith.constant 0 : i32
      %dma_wait3A_22 = arith.constant 0 : i32
      %dma_wait3A_23 = tpu.memref_slice %arg3[%add3A, %dma_wait3A_21, %dma_wait3A_22] : memref<32x125x80xi32, #tpu.memory_space<hbm>> -> memref<1x125x80xi32, #tpu.memory_space<hbm>>
      %dma_wait3A_24 = tpu.memref_squeeze %dma_wait3A_23 : memref<1x125x80xi32, #tpu.memory_space<hbm>> -> memref<125x80xi32, #tpu.memory_space<hbm>>
      tpu.wait_dma2 semaphore(%run_scoped3A : memref<!tpu.dma_semaphore, #tpu.memory_space<semaphore_mem>>) src(%dma_wait3A_24 : memref<125x80xi32, #tpu.memory_space<hbm>>) dst(%arg9 : memref<125x80xi32, #tpu.memory_space<vmem>>)
      tpu.yield
    }) : () -> ()
    "tpu.region"() ({
      %run_scoped3A = tpu.sem_alloc : memref<!tpu.dma_semaphore, #tpu.memory_space<semaphore_mem>>
      tpu.enqueue_dma source(%arg4 : memref<10000xf32, #tpu.memory_space<hbm>>) target(%arg10 : memref<10000xf32, #tpu.memory_space<vmem>>) target_semaphore(%run_scoped3A : memref<!tpu.dma_semaphore, #tpu.memory_space<semaphore_mem>>)
      tpu.wait_dma2 semaphore(%run_scoped3A : memref<!tpu.dma_semaphore, #tpu.memory_space<semaphore_mem>>) src(%arg4 : memref<10000xf32, #tpu.memory_space<hbm>>) dst(%arg10 : memref<10000xf32, #tpu.memory_space<vmem>>)
      tpu.yield
    }) : () -> ()
    "tpu.region"() ({
      %run_scoped3A = tpu.sem_alloc : memref<!tpu.dma_semaphore, #tpu.memory_space<semaphore_mem>>
      tpu.enqueue_dma source(%arg5 : memref<10000xf32, #tpu.memory_space<hbm>>) target(%arg11 : memref<10000xf32, #tpu.memory_space<vmem>>) target_semaphore(%run_scoped3A : memref<!tpu.dma_semaphore, #tpu.memory_space<semaphore_mem>>)
      tpu.wait_dma2 semaphore(%run_scoped3A : memref<!tpu.dma_semaphore, #tpu.memory_space<semaphore_mem>>) src(%arg5 : memref<10000xf32, #tpu.memory_space<hbm>>) dst(%arg11 : memref<10000xf32, #tpu.memory_space<vmem>>)
      tpu.yield
    }) : () -> ()
    %scan3A_6 = arith.constant 0 : i32
    %scan3A_7 = arith.constant 125 : i32
    %scan3A_8 = arith.addi %scan3A_6, %scan3A_7 : i32
    %scan3A_9 = arith.constant 1 : i32
    scf.for %scan3A_11 = %scan3A_6 to %scan3A_8 step %scan3A_9  : i32 {
      %get3A = arith.index_cast %scan3A_11 : i32 to index
      %get3A_12 = arith.constant 0 : index
      %get3A_13 = tpu.vector_load %arg8[%get3A, %get3A_12] {strides = array<i32>} : memref<125x80xi32, #tpu.memory_space<vmem>>, vector<16xi32>,
      %get3A_14 = arith.index_cast %scan3A_11 : i32 to index
      %get3A_15 = arith.constant 0 : index
      %get3A_16 = tpu.vector_load %arg9[%get3A_14, %get3A_15] {strides = array<i32>} : memref<125x80xi32, #tpu.memory_space<vmem>>, vector<16xi32>,
      %gather3A = tpu.vector_load_idx %arg10[%get3A_13] : memref<10000xf32, #tpu.memory_space<vmem>>[vector<16xi32>], vector<16xf32>,
      %gather3A_17 = tpu.vector_load_idx %arg11[%get3A_16] : memref<10000xf32, #tpu.memory_space<vmem>>[vector<16xi32>], vector<16xf32>,
      %add3A_18 = arith.addf %gather3A, %gather3A_17 : vector<16xf32>
      %ge3A = arith.constant 0.000000e+00 : f32
      %ge3A_19 = vector.broadcast %ge3A : f32 to vector<16xf32>
      %ge3A_20 = arith.cmpf oge, %add3A_18, %ge3A_19 : vector<16xf32>
      %mul3A_21 = arith.constant 2.000000e-01 : f32
      %mul3A_22 = vector.broadcast %mul3A_21 : f32 to vector<16xf32>
      %mul3A_23 = arith.mulf %mul3A_22, %add3A_18 : vector<16xf32>
      %select_n3A = arith.select %ge3A_20, %add3A_18, %mul3A_23 : vector<16xi1>, vector<16xf32>
      %exp3A = math.exp %select_n3A : vector<16xf32>
      %swap3A = arith.index_cast %scan3A_11 : i32 to index
      %swap3A_24 = arith.constant 0 : index
      %swap3A_25 = tpu.vector_load %arg12[%swap3A, %swap3A_24] {strides = array<i32>} : memref<125x80xf32, #tpu.memory_space<vmem>>, vector<16xf32>,
      tpu.vector_store %arg12[%swap3A, %swap3A_24], %exp3A {strides = array<i32>} : memref<125x80xf32, #tpu.memory_space<vmem>>, vector<16xf32>,
      %masked_sort3A = arith.constant dense<true> : vector<16xi1>
      %masked_sort3A_26 = arith.constant -2147483648 : i32
      %masked_sort3A_27 = vector.broadcast %masked_sort3A_26 : i32 to vector<16xi32>
      %masked_sort3A_28 = arith.xori %get3A_16, %masked_sort3A_27 : vector<16xi32>
      %masked_sort3A_29, %masked_sort3A_30, %masked_sort3A_31 = tpu.sort %masked_sort3A_28, %exp3A masked %masked_sort3A : (vector<16xi32>, vector<16xf32>, vector<16xi1>) -> (vector<16xi1>, vector<16xi32>, vector<16xf32>)
      %masked_sort3A_32 = arith.xori %masked_sort3A_30, %masked_sort3A_27 : vector<16xi32>
      %broadcast_in_dim3A_33 = arith.constant true
      %broadcast_in_dim3A_34 = vector.broadcast %broadcast_in_dim3A_33 : i1 to vector<16xi1>
      %masked_cumsum3A = tpu.scan <sum>, %masked_sort3A_31 masked %broadcast_in_dim3A_34 : vector<16xf32>, vector<16xi1> -> vector<16xf32>
      %add3A_35 = arith.constant 1 : i32
      %add3A_36 = vector.broadcast %add3A_35 : i32 to vector<16xi32>
      %add3A_37 = arith.addi %iota3A, %add3A_36 : vector<16xi32>
      %min3A = arith.constant 15 : i32
      %min3A_38 = vector.broadcast %min3A : i32 to vector<16xi32>
      %min3A_39 = arith.minsi %add3A_37, %min3A_38 : vector<16xi32>
      %broadcast_in_dim3A_40 = vector.shape_cast %min3A_39 : vector<16xi32> to vector<16x1xi32>
      %gather3A_41 = vector.shape_cast %broadcast_in_dim3A_40 : vector<16x1xi32> to vector<16xi32>
      %gather3A_42 = tpu.dynamic_gather %masked_sort3A_32[%gather3A_41] in [0] : vector<16xi32>, vector<16xi32> -> vector<16xi32>
      %ne3A = arith.cmpi ne, %masked_sort3A_32, %gather3A_42 : vector<16xi32>
      %eq3A = arith.constant 15 : i32
      %eq3A_43 = vector.broadcast %eq3A : i32 to vector<16xi32>
      %eq3A_44 = arith.cmpi eq, %iota3A, %eq3A_43 : vector<16xi32>
      %or3A = arith.ori %ne3A, %eq3A_44 : vector<16xi1>
      tpu.vector_store_idx %arg13[%masked_sort3A_32], %masked_cumsum3A masked %or3A {add = true} : memref<10000xf32, #tpu.memory_space<vmem>>[vector<16xi32>], vector<16xf32>, vector<16xi1>
      %neg3A = arith.constant 0.000000e+00 : f32
      %neg3A_45 = vector.broadcast %neg3A : f32 to vector<16xf32>
      %neg3A_46 = arith.subf %neg3A_45, %masked_cumsum3A : vector<16xf32>
      tpu.vector_store_idx %arg13[%gather3A_42], %neg3A_46 masked %ne3A {add = true} : memref<10000xf32, #tpu.memory_space<vmem>>[vector<16xi32>], vector<16xf32>, vector<16xi1>
      %get3A_47 = arith.index_cast %scan3A_11 : i32 to index
      %get3A_48 = arith.constant 16 : index
      %get3A_49 = tpu.vector_load %arg8[%get3A_47, %get3A_48] {strides = array<i32>} : memref<125x80xi32, #tpu.memory_space<vmem>>, vector<16xi32>,
      %get3A_50 = arith.index_cast %scan3A_11 : i32 to index
      %get3A_51 = arith.constant 16 : index
      %get3A_52 = tpu.vector_load %arg9[%get3A_50, %get3A_51] {strides = array<i32>} : memref<125x80xi32, #tpu.memory_space<vmem>>, vector<16xi32>,
      %gather3A_53 = tpu.vector_load_idx %arg10[%get3A_49] : memref<10000xf32, #tpu.memory_space<vmem>>[vector<16xi32>], vector<16xf32>,
      %gather3A_54 = tpu.vector_load_idx %arg11[%get3A_52] : memref<10000xf32, #tpu.memory_space<vmem>>[vector<16xi32>], vector<16xf32>,
      %add3A_55 = arith.addf %gather3A_53, %gather3A_54 : vector<16xf32>
      %ge3A_56 = arith.constant 0.000000e+00 : f32
      %ge3A_57 = vector.broadcast %ge3A_56 : f32 to vector<16xf32>
      %ge3A_58 = arith.cmpf oge, %add3A_55, %ge3A_57 : vector<16xf32>
      %mul3A_59 = arith.constant 2.000000e-01 : f32
      %mul3A_60 = vector.broadcast %mul3A_59 : f32 to vector<16xf32>
      %mul3A_61 = arith.mulf %mul3A_60, %add3A_55 : vector<16xf32>
      %select_n3A_62 = arith.select %ge3A_58, %add3A_55, %mul3A_61 : vector<16xi1>, vector<16xf32>
      %exp3A_63 = math.exp %select_n3A_62 : vector<16xf32>
      %swap3A_64 = arith.index_cast %scan3A_11 : i32 to index
      %swap3A_65 = arith.constant 16 : index
      %swap3A_66 = tpu.vector_load %arg12[%swap3A_64, %swap3A_65] {strides = array<i32>} : memref<125x80xf32, #tpu.memory_space<vmem>>, vector<16xf32>,
      tpu.vector_store %arg12[%swap3A_64, %swap3A_65], %exp3A_63 {strides = array<i32>} : memref<125x80xf32, #tpu.memory_space<vmem>>, vector<16xf32>,
      %masked_sort3A_67 = arith.constant dense<true> : vector<16xi1>
      %masked_sort3A_68 = arith.constant -2147483648 : i32
      %masked_sort3A_69 = vector.broadcast %masked_sort3A_68 : i32 to vector<16xi32>
      %masked_sort3A_70 = arith.xori %get3A_52, %masked_sort3A_69 : vector<16xi32>
      %masked_sort3A_71, %masked_sort3A_72, %masked_sort3A_73 = tpu.sort %masked_sort3A_70, %exp3A_63 masked %masked_sort3A_67 : (vector<16xi32>, vector<16xf32>, vector<16xi1>) -> (vector<16xi1>, vector<16xi32>, vector<16xf32>)
      %masked_sort3A_74 = arith.xori %masked_sort3A_72, %masked_sort3A_69 : vector<16xi32>
      %broadcast_in_dim3A_75 = arith.constant true
      %broadcast_in_dim3A_76 = vector.broadcast %broadcast_in_dim3A_75 : i1 to vector<16xi1>
      %masked_cumsum3A_77 = tpu.scan <sum>, %masked_sort3A_73 masked %broadcast_in_dim3A_76 : vector<16xf32>, vector<16xi1> -> vector<16xf32>
      %add3A_78 = arith.constant 1 : i32
      %add3A_79 = vector.broadcast %add3A_78 : i32 to vector<16xi32>
      %add3A_80 = arith.addi %iota3A, %add3A_79 : vector<16xi32>
      %min3A_81 = arith.constant 15 : i32
      %min3A_82 = vector.broadcast %min3A_81 : i32 to vector<16xi32>
      %min3A_83 = arith.minsi %add3A_80, %min3A_82 : vector<16xi32>
      %broadcast_in_dim3A_84 = vector.shape_cast %min3A_83 : vector<16xi32> to vector<16x1xi32>
      %gather3A_85 = vector.shape_cast %broadcast_in_dim3A_84 : vector<16x1xi32> to vector<16xi32>
      %gather3A_86 = tpu.dynamic_gather %masked_sort3A_74[%gather3A_85] in [0] : vector<16xi32>, vector<16xi32> -> vector<16xi32>
      %ne3A_87 = arith.cmpi ne, %masked_sort3A_74, %gather3A_86 : vector<16xi32>
      %eq3A_88 = arith.constant 15 : i32
      %eq3A_89 = vector.broadcast %eq3A_88 : i32 to vector<16xi32>
      %eq3A_90 = arith.cmpi eq, %iota3A, %eq3A_89 : vector<16xi32>
      %or3A_91 = arith.ori %ne3A_87, %eq3A_90 : vector<16xi1>
      tpu.vector_store_idx %arg13[%masked_sort3A_74], %masked_cumsum3A_77 masked %or3A_91 {add = true} : memref<10000xf32, #tpu.memory_space<vmem>>[vector<16xi32>], vector<16xf32>, vector<16xi1>
      %neg3A_92 = arith.constant 0.000000e+00 : f32
      %neg3A_93 = vector.broadcast %neg3A_92 : f32 to vector<16xf32>
      %neg3A_94 = arith.subf %neg3A_93, %masked_cumsum3A_77 : vector<16xf32>
      tpu.vector_store_idx %arg13[%gather3A_86], %neg3A_94 masked %ne3A_87 {add = true} : memref<10000xf32, #tpu.memory_space<vmem>>[vector<16xi32>], vector<16xf32>, vector<16xi1>
      %get3A_95 = arith.index_cast %scan3A_11 : i32 to index
      %get3A_96 = arith.constant 32 : index
      %get3A_97 = tpu.vector_load %arg8[%get3A_95, %get3A_96] {strides = array<i32>} : memref<125x80xi32, #tpu.memory_space<vmem>>, vector<16xi32>,
      %get3A_98 = arith.index_cast %scan3A_11 : i32 to index
      %get3A_99 = arith.constant 32 : index
      %get3A_100 = tpu.vector_load %arg9[%get3A_98, %get3A_99] {strides = array<i32>} : memref<125x80xi32, #tpu.memory_space<vmem>>, vector<16xi32>,
      %gather3A_101 = tpu.vector_load_idx %arg10[%get3A_97] : memref<10000xf32, #tpu.memory_space<vmem>>[vector<16xi32>], vector<16xf32>,
      %gather3A_102 = tpu.vector_load_idx %arg11[%get3A_100] : memref<10000xf32, #tpu.memory_space<vmem>>[vector<16xi32>], vector<16xf32>,
      %add3A_103 = arith.addf %gather3A_101, %gather3A_102 : vector<16xf32>
      %ge3A_104 = arith.constant 0.000000e+00 : f32
      %ge3A_105 = vector.broadcast %ge3A_104 : f32 to vector<16xf32>
      %ge3A_106 = arith.cmpf oge, %add3A_103, %ge3A_105 : vector<16xf32>
      %mul3A_107 = arith.constant 2.000000e-01 : f32
      %mul3A_108 = vector.broadcast %mul3A_107 : f32 to vector<16xf32>
      %mul3A_109 = arith.mulf %mul3A_108, %add3A_103 : vector<16xf32>
      %select_n3A_110 = arith.select %ge3A_106, %add3A_103, %mul3A_109 : vector<16xi1>, vector<16xf32>
      %exp3A_111 = math.exp %select_n3A_110 : vector<16xf32>
      %swap3A_112 = arith.index_cast %scan3A_11 : i32 to index
      %swap3A_113 = arith.constant 32 : index
      %swap3A_114 = tpu.vector_load %arg12[%swap3A_112, %swap3A_113] {strides = array<i32>} : memref<125x80xf32, #tpu.memory_space<vmem>>, vector<16xf32>,
      tpu.vector_store %arg12[%swap3A_112, %swap3A_113], %exp3A_111 {strides = array<i32>} : memref<125x80xf32, #tpu.memory_space<vmem>>, vector<16xf32>,
      %masked_sort3A_115 = arith.constant dense<true> : vector<16xi1>
      %masked_sort3A_116 = arith.constant -2147483648 : i32
      %masked_sort3A_117 = vector.broadcast %masked_sort3A_116 : i32 to vector<16xi32>
      %masked_sort3A_118 = arith.xori %get3A_100, %masked_sort3A_117 : vector<16xi32>
      %masked_sort3A_119, %masked_sort3A_120, %masked_sort3A_121 = tpu.sort %masked_sort3A_118, %exp3A_111 masked %masked_sort3A_115 : (vector<16xi32>, vector<16xf32>, vector<16xi1>) -> (vector<16xi1>, vector<16xi32>, vector<16xf32>)
      %masked_sort3A_122 = arith.xori %masked_sort3A_120, %masked_sort3A_117 : vector<16xi32>
      %broadcast_in_dim3A_123 = arith.constant true
      %broadcast_in_dim3A_124 = vector.broadcast %broadcast_in_dim3A_123 : i1 to vector<16xi1>
      %masked_cumsum3A_125 = tpu.scan <sum>, %masked_sort3A_121 masked %broadcast_in_dim3A_124 : vector<16xf32>, vector<16xi1> -> vector<16xf32>
      %add3A_126 = arith.constant 1 : i32
      %add3A_127 = vector.broadcast %add3A_126 : i32 to vector<16xi32>
      %add3A_128 = arith.addi %iota3A, %add3A_127 : vector<16xi32>
      %min3A_129 = arith.constant 15 : i32
      %min3A_130 = vector.broadcast %min3A_129 : i32 to vector<16xi32>
      %min3A_131 = arith.minsi %add3A_128, %min3A_130 : vector<16xi32>
      %broadcast_in_dim3A_132 = vector.shape_cast %min3A_131 : vector<16xi32> to vector<16x1xi32>
      %gather3A_133 = vector.shape_cast %broadcast_in_dim3A_132 : vector<16x1xi32> to vector<16xi32>
      %gather3A_134 = tpu.dynamic_gather %masked_sort3A_122[%gather3A_133] in [0] : vector<16xi32>, vector<16xi32> -> vector<16xi32>
      %ne3A_135 = arith.cmpi ne, %masked_sort3A_122, %gather3A_134 : vector<16xi32>
      %eq3A_136 = arith.constant 15 : i32
      %eq3A_137 = vector.broadcast %eq3A_136 : i32 to vector<16xi32>
      %eq3A_138 = arith.cmpi eq, %iota3A, %eq3A_137 : vector<16xi32>
      %or3A_139 = arith.ori %ne3A_135, %eq3A_138 : vector<16xi1>
      tpu.vector_store_idx %arg13[%masked_sort3A_122], %masked_cumsum3A_125 masked %or3A_139 {add = true} : memref<10000xf32, #tpu.memory_space<vmem>>[vector<16xi32>], vector<16xf32>, vector<16xi1>
      %neg3A_140 = arith.constant 0.000000e+00 : f32
      %neg3A_141 = vector.broadcast %neg3A_140 : f32 to vector<16xf32>
      %neg3A_142 = arith.subf %neg3A_141, %masked_cumsum3A_125 : vector<16xf32>
      tpu.vector_store_idx %arg13[%gather3A_134], %neg3A_142 masked %ne3A_135 {add = true} : memref<10000xf32, #tpu.memory_space<vmem>>[vector<16xi32>], vector<16xf32>, vector<16xi1>
      %get3A_143 = arith.index_cast %scan3A_11 : i32 to index
      %get3A_144 = arith.constant 48 : index
      %get3A_145 = tpu.vector_load %arg8[%get3A_143, %get3A_144] {strides = array<i32>} : memref<125x80xi32, #tpu.memory_space<vmem>>, vector<16xi32>,
      %get3A_146 = arith.index_cast %scan3A_11 : i32 to index
      %get3A_147 = arith.constant 48 : index
      %get3A_148 = tpu.vector_load %arg9[%get3A_146, %get3A_147] {strides = array<i32>} : memref<125x80xi32, #tpu.memory_space<vmem>>, vector<16xi32>,
      %gather3A_149 = tpu.vector_load_idx %arg10[%get3A_145] : memref<10000xf32, #tpu.memory_space<vmem>>[vector<16xi32>], vector<16xf32>,
      %gather3A_150 = tpu.vector_load_idx %arg11[%get3A_148] : memref<10000xf32, #tpu.memory_space<vmem>>[vector<16xi32>], vector<16xf32>,
      %add3A_151 = arith.addf %gather3A_149, %gather3A_150 : vector<16xf32>
      %ge3A_152 = arith.constant 0.000000e+00 : f32
      %ge3A_153 = vector.broadcast %ge3A_152 : f32 to vector<16xf32>
      %ge3A_154 = arith.cmpf oge, %add3A_151, %ge3A_153 : vector<16xf32>
      %mul3A_155 = arith.constant 2.000000e-01 : f32
      %mul3A_156 = vector.broadcast %mul3A_155 : f32 to vector<16xf32>
      %mul3A_157 = arith.mulf %mul3A_156, %add3A_151 : vector<16xf32>
      %select_n3A_158 = arith.select %ge3A_154, %add3A_151, %mul3A_157 : vector<16xi1>, vector<16xf32>
      %exp3A_159 = math.exp %select_n3A_158 : vector<16xf32>
      %swap3A_160 = arith.index_cast %scan3A_11 : i32 to index
      %swap3A_161 = arith.constant 48 : index
      %swap3A_162 = tpu.vector_load %arg12[%swap3A_160, %swap3A_161] {strides = array<i32>} : memref<125x80xf32, #tpu.memory_space<vmem>>, vector<16xf32>,
      tpu.vector_store %arg12[%swap3A_160, %swap3A_161], %exp3A_159 {strides = array<i32>} : memref<125x80xf32, #tpu.memory_space<vmem>>, vector<16xf32>,
      %masked_sort3A_163 = arith.constant dense<true> : vector<16xi1>
      %masked_sort3A_164 = arith.constant -2147483648 : i32
      %masked_sort3A_165 = vector.broadcast %masked_sort3A_164 : i32 to vector<16xi32>
      %masked_sort3A_166 = arith.xori %get3A_148, %masked_sort3A_165 : vector<16xi32>
      %masked_sort3A_167, %masked_sort3A_168, %masked_sort3A_169 = tpu.sort %masked_sort3A_166, %exp3A_159 masked %masked_sort3A_163 : (vector<16xi32>, vector<16xf32>, vector<16xi1>) -> (vector<16xi1>, vector<16xi32>, vector<16xf32>)
      %masked_sort3A_170 = arith.xori %masked_sort3A_168, %masked_sort3A_165 : vector<16xi32>
      %broadcast_in_dim3A_171 = arith.constant true
      %broadcast_in_dim3A_172 = vector.broadcast %broadcast_in_dim3A_171 : i1 to vector<16xi1>
      %masked_cumsum3A_173 = tpu.scan <sum>, %masked_sort3A_169 masked %broadcast_in_dim3A_172 : vector<16xf32>, vector<16xi1> -> vector<16xf32>
      %add3A_174 = arith.constant 1 : i32
      %add3A_175 = vector.broadcast %add3A_174 : i32 to vector<16xi32>
      %add3A_176 = arith.addi %iota3A, %add3A_175 : vector<16xi32>
      %min3A_177 = arith.constant 15 : i32
      %min3A_178 = vector.broadcast %min3A_177 : i32 to vector<16xi32>
      %min3A_179 = arith.minsi %add3A_176, %min3A_178 : vector<16xi32>
      %broadcast_in_dim3A_180 = vector.shape_cast %min3A_179 : vector<16xi32> to vector<16x1xi32>
      %gather3A_181 = vector.shape_cast %broadcast_in_dim3A_180 : vector<16x1xi32> to vector<16xi32>
      %gather3A_182 = tpu.dynamic_gather %masked_sort3A_170[%gather3A_181] in [0] : vector<16xi32>, vector<16xi32> -> vector<16xi32>
      %ne3A_183 = arith.cmpi ne, %masked_sort3A_170, %gather3A_182 : vector<16xi32>
      %eq3A_184 = arith.constant 15 : i32
      %eq3A_185 = vector.broadcast %eq3A_184 : i32 to vector<16xi32>
      %eq3A_186 = arith.cmpi eq, %iota3A, %eq3A_185 : vector<16xi32>
      %or3A_187 = arith.ori %ne3A_183, %eq3A_186 : vector<16xi1>
      tpu.vector_store_idx %arg13[%masked_sort3A_170], %masked_cumsum3A_173 masked %or3A_187 {add = true} : memref<10000xf32, #tpu.memory_space<vmem>>[vector<16xi32>], vector<16xf32>, vector<16xi1>
      %neg3A_188 = arith.constant 0.000000e+00 : f32
      %neg3A_189 = vector.broadcast %neg3A_188 : f32 to vector<16xf32>
      %neg3A_190 = arith.subf %neg3A_189, %masked_cumsum3A_173 : vector<16xf32>
      tpu.vector_store_idx %arg13[%gather3A_182], %neg3A_190 masked %ne3A_183 {add = true} : memref<10000xf32, #tpu.memory_space<vmem>>[vector<16xi32>], vector<16xf32>, vector<16xi1>
      %get3A_191 = arith.index_cast %scan3A_11 : i32 to index
      %get3A_192 = arith.constant 64 : index
      %get3A_193 = tpu.vector_load %arg8[%get3A_191, %get3A_192] {strides = array<i32>} : memref<125x80xi32, #tpu.memory_space<vmem>>, vector<16xi32>,
      %get3A_194 = arith.index_cast %scan3A_11 : i32 to index
      %get3A_195 = arith.constant 64 : index
      %get3A_196 = tpu.vector_load %arg9[%get3A_194, %get3A_195] {strides = array<i32>} : memref<125x80xi32, #tpu.memory_space<vmem>>, vector<16xi32>,
      %gather3A_197 = tpu.vector_load_idx %arg10[%get3A_193] : memref<10000xf32, #tpu.memory_space<vmem>>[vector<16xi32>], vector<16xf32>,
      %gather3A_198 = tpu.vector_load_idx %arg11[%get3A_196] : memref<10000xf32, #tpu.memory_space<vmem>>[vector<16xi32>], vector<16xf32>,
      %add3A_199 = arith.addf %gather3A_197, %gather3A_198 : vector<16xf32>
      %ge3A_200 = arith.constant 0.000000e+00 : f32
      %ge3A_201 = vector.broadcast %ge3A_200 : f32 to vector<16xf32>
      %ge3A_202 = arith.cmpf oge, %add3A_199, %ge3A_201 : vector<16xf32>
      %mul3A_203 = arith.constant 2.000000e-01 : f32
      %mul3A_204 = vector.broadcast %mul3A_203 : f32 to vector<16xf32>
      %mul3A_205 = arith.mulf %mul3A_204, %add3A_199 : vector<16xf32>
      %select_n3A_206 = arith.select %ge3A_202, %add3A_199, %mul3A_205 : vector<16xi1>, vector<16xf32>
      %exp3A_207 = math.exp %select_n3A_206 : vector<16xf32>
      %swap3A_208 = arith.index_cast %scan3A_11 : i32 to index
      %swap3A_209 = arith.constant 64 : index
      %swap3A_210 = tpu.vector_load %arg12[%swap3A_208, %swap3A_209] {strides = array<i32>} : memref<125x80xf32, #tpu.memory_space<vmem>>, vector<16xf32>,
      tpu.vector_store %arg12[%swap3A_208, %swap3A_209], %exp3A_207 {strides = array<i32>} : memref<125x80xf32, #tpu.memory_space<vmem>>, vector<16xf32>,
      %masked_sort3A_211 = arith.constant dense<true> : vector<16xi1>
      %masked_sort3A_212 = arith.constant -2147483648 : i32
      %masked_sort3A_213 = vector.broadcast %masked_sort3A_212 : i32 to vector<16xi32>
      %masked_sort3A_214 = arith.xori %get3A_196, %masked_sort3A_213 : vector<16xi32>
      %masked_sort3A_215, %masked_sort3A_216, %masked_sort3A_217 = tpu.sort %masked_sort3A_214, %exp3A_207 masked %masked_sort3A_211 : (vector<16xi32>, vector<16xf32>, vector<16xi1>) -> (vector<16xi1>, vector<16xi32>, vector<16xf32>)
      %masked_sort3A_218 = arith.xori %masked_sort3A_216, %masked_sort3A_213 : vector<16xi32>
      %broadcast_in_dim3A_219 = arith.constant true
      %broadcast_in_dim3A_220 = vector.broadcast %broadcast_in_dim3A_219 : i1 to vector<16xi1>
      %masked_cumsum3A_221 = tpu.scan <sum>, %masked_sort3A_217 masked %broadcast_in_dim3A_220 : vector<16xf32>, vector<16xi1> -> vector<16xf32>
      %add3A_222 = arith.constant 1 : i32
      %add3A_223 = vector.broadcast %add3A_222 : i32 to vector<16xi32>
      %add3A_224 = arith.addi %iota3A, %add3A_223 : vector<16xi32>
      %min3A_225 = arith.constant 15 : i32
      %min3A_226 = vector.broadcast %min3A_225 : i32 to vector<16xi32>
      %min3A_227 = arith.minsi %add3A_224, %min3A_226 : vector<16xi32>
      %broadcast_in_dim3A_228 = vector.shape_cast %min3A_227 : vector<16xi32> to vector<16x1xi32>
      %gather3A_229 = vector.shape_cast %broadcast_in_dim3A_228 : vector<16x1xi32> to vector<16xi32>
      %gather3A_230 = tpu.dynamic_gather %masked_sort3A_218[%gather3A_229] in [0] : vector<16xi32>, vector<16xi32> -> vector<16xi32>
      %ne3A_231 = arith.cmpi ne, %masked_sort3A_218, %gather3A_230 : vector<16xi32>
      %eq3A_232 = arith.constant 15 : i32
      %eq3A_233 = vector.broadcast %eq3A_232 : i32 to vector<16xi32>
      %eq3A_234 = arith.cmpi eq, %iota3A, %eq3A_233 : vector<16xi32>
      %or3A_235 = arith.ori %ne3A_231, %eq3A_234 : vector<16xi1>
      tpu.vector_store_idx %arg13[%masked_sort3A_218], %masked_cumsum3A_221 masked %or3A_235 {add = true} : memref<10000xf32, #tpu.memory_space<vmem>>[vector<16xi32>], vector<16xf32>, vector<16xi1>
      %neg3A_236 = arith.constant 0.000000e+00 : f32
      %neg3A_237 = vector.broadcast %neg3A_236 : f32 to vector<16xf32>
      %neg3A_238 = arith.subf %neg3A_237, %masked_cumsum3A_221 : vector<16xf32>
      tpu.vector_store_idx %arg13[%gather3A_230], %neg3A_238 masked %ne3A_231 {add = true} : memref<10000xf32, #tpu.memory_space<vmem>>[vector<16xi32>], vector<16xf32>, vector<16xi1>
    }
    %scan3A_10 = arith.constant 125 : i32
    "tpu.region"() ({
      %run_scoped3A = tpu.sem_alloc : memref<!tpu.dma_semaphore, #tpu.memory_space<semaphore_mem>>
      %dma_start3A = arith.constant 0 : i32
      %dma_start3A_11 = arith.constant 0 : i32
      %dma_start3A_12 = tpu.memref_slice %arg6[%add3A, %dma_start3A, %dma_start3A_11] : memref<32x125x80xf32, #tpu.memory_space<hbm>> -> memref<1x125x80xf32, #tpu.memory_space<hbm>>
      %dma_start3A_13 = tpu.memref_squeeze %dma_start3A_12 : memref<1x125x80xf32, #tpu.memory_space<hbm>> -> memref<125x80xf32, #tpu.memory_space<hbm>>
      %dma_start3A_14 = arith.constant 0 : i32
      %dma_start3A_15 = arith.constant 0 : i32
      %dma_start3A_16 = tpu.memref_slice %arg6[%add3A, %dma_start3A_14, %dma_start3A_15] : memref<32x125x80xf32, #tpu.memory_space<hbm>> -> memref<1x125x80xf32, #tpu.memory_space<hbm>>
      %dma_start3A_17 = tpu.memref_squeeze %dma_start3A_16 : memref<1x125x80xf32, #tpu.memory_space<hbm>> -> memref<125x80xf32, #tpu.memory_space<hbm>>
      tpu.enqueue_dma source(%arg12 : memref<125x80xf32, #tpu.memory_space<vmem>>) target(%dma_start3A_17 : memref<125x80xf32, #tpu.memory_space<hbm>>) target_semaphore(%run_scoped3A : memref<!tpu.dma_semaphore, #tpu.memory_space<semaphore_mem>>)
      %dma_wait3A = arith.constant 0 : i32
      %dma_wait3A_18 = arith.constant 0 : i32
      %dma_wait3A_19 = tpu.memref_slice %arg6[%add3A, %dma_wait3A, %dma_wait3A_18] : memref<32x125x80xf32, #tpu.memory_space<hbm>> -> memref<1x125x80xf32, #tpu.memory_space<hbm>>
      %dma_wait3A_20 = tpu.memref_squeeze %dma_wait3A_19 : memref<1x125x80xf32, #tpu.memory_space<hbm>> -> memref<125x80xf32, #tpu.memory_space<hbm>>
      %dma_wait3A_21 = arith.constant 0 : i32
      %dma_wait3A_22 = arith.constant 0 : i32
      %dma_wait3A_23 = tpu.memref_slice %arg6[%add3A, %dma_wait3A_21, %dma_wait3A_22] : memref<32x125x80xf32, #tpu.memory_space<hbm>> -> memref<1x125x80xf32, #tpu.memory_space<hbm>>
      %dma_wait3A_24 = tpu.memref_squeeze %dma_wait3A_23 : memref<1x125x80xf32, #tpu.memory_space<hbm>> -> memref<125x80xf32, #tpu.memory_space<hbm>>
      tpu.wait_dma2 semaphore(%run_scoped3A : memref<!tpu.dma_semaphore, #tpu.memory_space<semaphore_mem>>) src(%arg12 : memref<125x80xf32, #tpu.memory_space<vmem>>) dst(%dma_wait3A_24 : memref<125x80xf32, #tpu.memory_space<hbm>>)
      tpu.yield
    }) : () -> ()
    "tpu.region"() ({
      %run_scoped3A = tpu.sem_alloc : memref<!tpu.dma_semaphore, #tpu.memory_space<semaphore_mem>>
      %dma_start3A = arith.constant 0 : i32
      %dma_start3A_11 = tpu.memref_slice %arg7[%add3A, %dma_start3A] : memref<32x10000xf32, #tpu.memory_space<hbm>> -> memref<1x10000xf32, #tpu.memory_space<hbm>>
      %dma_start3A_12 = tpu.memref_squeeze %dma_start3A_11 : memref<1x10000xf32, #tpu.memory_space<hbm>> -> memref<10000xf32, #tpu.memory_space<hbm>>
      %dma_start3A_13 = arith.constant 0 : i32
      %dma_start3A_14 = tpu.memref_slice %arg7[%add3A, %dma_start3A_13] : memref<32x10000xf32, #tpu.memory_space<hbm>> -> memref<1x10000xf32, #tpu.memory_space<hbm>>
      %dma_start3A_15 = tpu.memref_squeeze %dma_start3A_14 : memref<1x10000xf32, #tpu.memory_space<hbm>> -> memref<10000xf32, #tpu.memory_space<hbm>>
      tpu.enqueue_dma source(%arg13 : memref<10000xf32, #tpu.memory_space<vmem>>) target(%dma_start3A_15 : memref<10000xf32, #tpu.memory_space<hbm>>) target_semaphore(%run_scoped3A : memref<!tpu.dma_semaphore, #tpu.memory_space<semaphore_mem>>)
      %dma_wait3A = arith.constant 0 : i32
      %dma_wait3A_16 = tpu.memref_slice %arg7[%add3A, %dma_wait3A] : memref<32x10000xf32, #tpu.memory_space<hbm>> -> memref<1x10000xf32, #tpu.memory_space<hbm>>
      %dma_wait3A_17 = tpu.memref_squeeze %dma_wait3A_16 : memref<1x10000xf32, #tpu.memory_space<hbm>> -> memref<10000xf32, #tpu.memory_space<hbm>>
      %dma_wait3A_18 = arith.constant 0 : i32
      %dma_wait3A_19 = tpu.memref_slice %arg7[%add3A, %dma_wait3A_18] : memref<32x10000xf32, #tpu.memory_space<hbm>> -> memref<1x10000xf32, #tpu.memory_space<hbm>>
      %dma_wait3A_20 = tpu.memref_squeeze %dma_wait3A_19 : memref<1x10000xf32, #tpu.memory_space<hbm>> -> memref<10000xf32, #tpu.memory_space<hbm>>
      tpu.wait_dma2 semaphore(%run_scoped3A : memref<!tpu.dma_semaphore, #tpu.memory_space<semaphore_mem>>) src(%arg13 : memref<10000xf32, #tpu.memory_space<vmem>>) dst(%dma_wait3A_20 : memref<10000xf32, #tpu.memory_space<hbm>>)
      tpu.yield
    }) : () -> ()
    return
  }
}

#map = affine_map<(d0, d1) -> (0, 0)>
#map1 = affine_map<(d0, d1) -> (0, 0, 0)>
module attributes {stable_mosaic.version = 14 : i64} {
  func.func @_agg_body(%arg0: i32, %arg1: i32, %arg2: memref<10000x128xf32, #tpu.memory_space<hbm>>, %arg3: memref<32x125x80xi32, #tpu.memory_space<hbm>>, %arg4: memref<32x125x80xi32, #tpu.memory_space<hbm>>, %arg5: memref<32x125x80xf32, #tpu.memory_space<hbm>>, %arg6: memref<2x10000x128xf32, #tpu.memory_space<hbm>>, %arg7: memref<80xi32, #tpu.memory_space<vmem>>, %arg8: memref<80xi32, #tpu.memory_space<vmem>>, %arg9: memref<80xf32, #tpu.memory_space<vmem>>, %arg10: memref<80x128xf32, #tpu.memory_space<vmem>>, %arg11: memref<80x128xf32, #tpu.memory_space<vmem>>, %arg12: memref<10000x128xf32, #tpu.memory_space<vmem_shared>>, %arg13: memref<!tpu.dma_semaphore, #tpu.memory_space<semaphore_mem>>) attributes {dimension_semantics = [#tpu.dimension_semantics<core_parallel>, #tpu.dimension_semantics<subcore_parallel>], iteration_bounds = array<i64: 2, 16>, scalar_prefetch = 0 : i64, scratch_operands = 7 : i64, tpu.core_type = #tpu.core_type<sc_vector_subcore>, window_params = [{transform_indices = #map}, {transform_indices = #map1}, {transform_indices = #map1}, {transform_indices = #map1}, {transform_indices = #map1}]} {
    %mul3A = arith.constant 16 : i32
    %mul3A_0 = arith.muli %arg0, %mul3A : i32
    %add3A = arith.addi %mul3A_0, %arg1 : i32
    %broadcast_in_dim3A = arith.constant 0.000000e+00 : f32
    %broadcast_in_dim3A_1 = vector.broadcast %broadcast_in_dim3A : f32 to vector<16xf32>
    %scan3A = arith.constant 0 : i32
    %scan3A_2 = arith.constant 80 : i32
    %scan3A_3 = arith.addi %scan3A, %scan3A_2 : i32
    %scan3A_4 = arith.constant 1 : i32
    scf.for %scan3A_48 = %scan3A to %scan3A_3 step %scan3A_4  : i32 {
      %swap3A = arith.index_cast %scan3A_48 : i32 to index
      %swap3A_49 = arith.constant 0 : index
      %swap3A_50 = tpu.vector_load %arg11[%swap3A, %swap3A_49] {strides = array<i32>} : memref<80x128xf32, #tpu.memory_space<vmem>>, vector<16xf32>,
      tpu.vector_store %arg11[%swap3A, %swap3A_49], %broadcast_in_dim3A_1 {strides = array<i32>} : memref<80x128xf32, #tpu.memory_space<vmem>>, vector<16xf32>,
      %swap3A_51 = arith.index_cast %scan3A_48 : i32 to index
      %swap3A_52 = arith.constant 16 : index
      %swap3A_53 = tpu.vector_load %arg11[%swap3A_51, %swap3A_52] {strides = array<i32>} : memref<80x128xf32, #tpu.memory_space<vmem>>, vector<16xf32>,
      tpu.vector_store %arg11[%swap3A_51, %swap3A_52], %broadcast_in_dim3A_1 {strides = array<i32>} : memref<80x128xf32, #tpu.memory_space<vmem>>, vector<16xf32>,
      %swap3A_54 = arith.index_cast %scan3A_48 : i32 to index
      %swap3A_55 = arith.constant 32 : index
      %swap3A_56 = tpu.vector_load %arg11[%swap3A_54, %swap3A_55] {strides = array<i32>} : memref<80x128xf32, #tpu.memory_space<vmem>>, vector<16xf32>,
      tpu.vector_store %arg11[%swap3A_54, %swap3A_55], %broadcast_in_dim3A_1 {strides = array<i32>} : memref<80x128xf32, #tpu.memory_space<vmem>>, vector<16xf32>,
      %swap3A_57 = arith.index_cast %scan3A_48 : i32 to index
      %swap3A_58 = arith.constant 48 : index
      %swap3A_59 = tpu.vector_load %arg11[%swap3A_57, %swap3A_58] {strides = array<i32>} : memref<80x128xf32, #tpu.memory_space<vmem>>, vector<16xf32>,
      tpu.vector_store %arg11[%swap3A_57, %swap3A_58], %broadcast_in_dim3A_1 {strides = array<i32>} : memref<80x128xf32, #tpu.memory_space<vmem>>, vector<16xf32>,
      %swap3A_60 = arith.index_cast %scan3A_48 : i32 to index
      %swap3A_61 = arith.constant 64 : index
      %swap3A_62 = tpu.vector_load %arg11[%swap3A_60, %swap3A_61] {strides = array<i32>} : memref<80x128xf32, #tpu.memory_space<vmem>>, vector<16xf32>,
      tpu.vector_store %arg11[%swap3A_60, %swap3A_61], %broadcast_in_dim3A_1 {strides = array<i32>} : memref<80x128xf32, #tpu.memory_space<vmem>>, vector<16xf32>,
      %swap3A_63 = arith.index_cast %scan3A_48 : i32 to index
      %swap3A_64 = arith.constant 80 : index
      %swap3A_65 = tpu.vector_load %arg11[%swap3A_63, %swap3A_64] {strides = array<i32>} : memref<80x128xf32, #tpu.memory_space<vmem>>, vector<16xf32>,
      tpu.vector_store %arg11[%swap3A_63, %swap3A_64], %broadcast_in_dim3A_1 {strides = array<i32>} : memref<80x128xf32, #tpu.memory_space<vmem>>, vector<16xf32>,
      %swap3A_66 = arith.index_cast %scan3A_48 : i32 to index
      %swap3A_67 = arith.constant 96 : index
      %swap3A_68 = tpu.vector_load %arg11[%swap3A_66, %swap3A_67] {strides = array<i32>} : memref<80x128xf32, #tpu.memory_space<vmem>>, vector<16xf32>,
      tpu.vector_store %arg11[%swap3A_66, %swap3A_67], %broadcast_in_dim3A_1 {strides = array<i32>} : memref<80x128xf32, #tpu.memory_space<vmem>>, vector<16xf32>,
      %swap3A_69 = arith.index_cast %scan3A_48 : i32 to index
      %swap3A_70 = arith.constant 112 : index
      %swap3A_71 = tpu.vector_load %arg11[%swap3A_69, %swap3A_70] {strides = array<i32>} : memref<80x128xf32, #tpu.memory_space<vmem>>, vector<16xf32>,
      tpu.vector_store %arg11[%swap3A_69, %swap3A_70], %broadcast_in_dim3A_1 {strides = array<i32>} : memref<80x128xf32, #tpu.memory_space<vmem>>, vector<16xf32>,
    }
    %scan3A_5 = arith.constant 80 : i32
    %mul3A_6 = arith.constant 624 : i32
    %mul3A_7 = arith.muli %arg1, %mul3A_6 : i32
    %add3A_8 = arith.constant 0 : i32
    %add3A_9 = arith.addi %mul3A_7, %add3A_8 : i32
    "tpu.region"() ({
      %run_scoped3A = tpu.sem_alloc : memref<!tpu.dma_semaphore, #tpu.memory_space<semaphore_mem>>
      %dma_start3A = arith.constant 0 : i32
      %dma_start3A_48 = tpu.memref_slice %arg12[%add3A_9, %dma_start3A] : memref<10000x128xf32, #tpu.memory_space<vmem_shared>> -> memref<80x128xf32, #tpu.memory_space<vmem_shared>>
      %dma_start3A_49 = arith.constant 0 : i32
      %dma_start3A_50 = tpu.memref_slice %arg12[%add3A_9, %dma_start3A_49] : memref<10000x128xf32, #tpu.memory_space<vmem_shared>> -> memref<80x128xf32, #tpu.memory_space<vmem_shared>>
      tpu.enqueue_dma source(%arg11 : memref<80x128xf32, #tpu.memory_space<vmem>>) target(%dma_start3A_50 : memref<80x128xf32, #tpu.memory_space<vmem_shared>>) target_semaphore(%run_scoped3A : memref<!tpu.dma_semaphore, #tpu.memory_space<semaphore_mem>>)
      %dma_wait3A = arith.constant 0 : i32
      %dma_wait3A_51 = tpu.memref_slice %arg12[%add3A_9, %dma_wait3A] : memref<10000x128xf32, #tpu.memory_space<vmem_shared>> -> memref<80x128xf32, #tpu.memory_space<vmem_shared>>
      %dma_wait3A_52 = arith.constant 0 : i32
      %dma_wait3A_53 = tpu.memref_slice %arg12[%add3A_9, %dma_wait3A_52] : memref<10000x128xf32, #tpu.memory_space<vmem_shared>> -> memref<80x128xf32, #tpu.memory_space<vmem_shared>>
      tpu.wait_dma2 semaphore(%run_scoped3A : memref<!tpu.dma_semaphore, #tpu.memory_space<semaphore_mem>>) src(%arg11 : memref<80x128xf32, #tpu.memory_space<vmem>>) dst(%dma_wait3A_53 : memref<80x128xf32, #tpu.memory_space<vmem_shared>>)
      tpu.yield
    }) : () -> ()
    %mul3A_10 = arith.constant 624 : i32
    %mul3A_11 = arith.muli %arg1, %mul3A_10 : i32
    %add3A_12 = arith.constant 80 : i32
    %add3A_13 = arith.addi %mul3A_11, %add3A_12 : i32
    "tpu.region"() ({
      %run_scoped3A = tpu.sem_alloc : memref<!tpu.dma_semaphore, #tpu.memory_space<semaphore_mem>>
      %dma_start3A = arith.constant 0 : i32
      %dma_start3A_48 = tpu.memref_slice %arg12[%add3A_13, %dma_start3A] : memref<10000x128xf32, #tpu.memory_space<vmem_shared>> -> memref<80x128xf32, #tpu.memory_space<vmem_shared>>
      %dma_start3A_49 = arith.constant 0 : i32
      %dma_start3A_50 = tpu.memref_slice %arg12[%add3A_13, %dma_start3A_49] : memref<10000x128xf32, #tpu.memory_space<vmem_shared>> -> memref<80x128xf32, #tpu.memory_space<vmem_shared>>
      tpu.enqueue_dma source(%arg11 : memref<80x128xf32, #tpu.memory_space<vmem>>) target(%dma_start3A_50 : memref<80x128xf32, #tpu.memory_space<vmem_shared>>) target_semaphore(%run_scoped3A : memref<!tpu.dma_semaphore, #tpu.memory_space<semaphore_mem>>)
      %dma_wait3A = arith.constant 0 : i32
      %dma_wait3A_51 = tpu.memref_slice %arg12[%add3A_13, %dma_wait3A] : memref<10000x128xf32, #tpu.memory_space<vmem_shared>> -> memref<80x128xf32, #tpu.memory_space<vmem_shared>>
      %dma_wait3A_52 = arith.constant 0 : i32
      %dma_wait3A_53 = tpu.memref_slice %arg12[%add3A_13, %dma_wait3A_52] : memref<10000x128xf32, #tpu.memory_space<vmem_shared>> -> memref<80x128xf32, #tpu.memory_space<vmem_shared>>
      tpu.wait_dma2 semaphore(%run_scoped3A : memref<!tpu.dma_semaphore, #tpu.memory_space<semaphore_mem>>) src(%arg11 : memref<80x128xf32, #tpu.memory_space<vmem>>) dst(%dma_wait3A_53 : memref<80x128xf32, #tpu.memory_space<vmem_shared>>)
      tpu.yield
    }) : () -> ()
    %mul3A_14 = arith.constant 624 : i32
    %mul3A_15 = arith.muli %arg1, %mul3A_14 : i32
    %add3A_16 = arith.constant 160 : i32
    %add3A_17 = arith.addi %mul3A_15, %add3A_16 : i32
    "tpu.region"() ({
      %run_scoped3A = tpu.sem_alloc : memref<!tpu.dma_semaphore, #tpu.memory_space<semaphore_mem>>
      %dma_start3A = arith.constant 0 : i32
      %dma_start3A_48 = tpu.memref_slice %arg12[%add3A_17, %dma_start3A] : memref<10000x128xf32, #tpu.memory_space<vmem_shared>> -> memref<80x128xf32, #tpu.memory_space<vmem_shared>>
      %dma_start3A_49 = arith.constant 0 : i32
      %dma_start3A_50 = tpu.memref_slice %arg12[%add3A_17, %dma_start3A_49] : memref<10000x128xf32, #tpu.memory_space<vmem_shared>> -> memref<80x128xf32, #tpu.memory_space<vmem_shared>>
      tpu.enqueue_dma source(%arg11 : memref<80x128xf32, #tpu.memory_space<vmem>>) target(%dma_start3A_50 : memref<80x128xf32, #tpu.memory_space<vmem_shared>>) target_semaphore(%run_scoped3A : memref<!tpu.dma_semaphore, #tpu.memory_space<semaphore_mem>>)
      %dma_wait3A = arith.constant 0 : i32
      %dma_wait3A_51 = tpu.memref_slice %arg12[%add3A_17, %dma_wait3A] : memref<10000x128xf32, #tpu.memory_space<vmem_shared>> -> memref<80x128xf32, #tpu.memory_space<vmem_shared>>
      %dma_wait3A_52 = arith.constant 0 : i32
      %dma_wait3A_53 = tpu.memref_slice %arg12[%add3A_17, %dma_wait3A_52] : memref<10000x128xf32, #tpu.memory_space<vmem_shared>> -> memref<80x128xf32, #tpu.memory_space<vmem_shared>>
      tpu.wait_dma2 semaphore(%run_scoped3A : memref<!tpu.dma_semaphore, #tpu.memory_space<semaphore_mem>>) src(%arg11 : memref<80x128xf32, #tpu.memory_space<vmem>>) dst(%dma_wait3A_53 : memref<80x128xf32, #tpu.memory_space<vmem_shared>>)
      tpu.yield
    }) : () -> ()
    %mul3A_18 = arith.constant 624 : i32
    %mul3A_19 = arith.muli %arg1, %mul3A_18 : i32
    %add3A_20 = arith.constant 240 : i32
    %add3A_21 = arith.addi %mul3A_19, %add3A_20 : i32
    "tpu.region"() ({
      %run_scoped3A = tpu.sem_alloc : memref<!tpu.dma_semaphore, #tpu.memory_space<semaphore_mem>>
      %dma_start3A = arith.constant 0 : i32
      %dma_start3A_48 = tpu.memref_slice %arg12[%add3A_21, %dma_start3A] : memref<10000x128xf32, #tpu.memory_space<vmem_shared>> -> memref<80x128xf32, #tpu.memory_space<vmem_shared>>
      %dma_start3A_49 = arith.constant 0 : i32
      %dma_start3A_50 = tpu.memref_slice %arg12[%add3A_21, %dma_start3A_49] : memref<10000x128xf32, #tpu.memory_space<vmem_shared>> -> memref<80x128xf32, #tpu.memory_space<vmem_shared>>
      tpu.enqueue_dma source(%arg11 : memref<80x128xf32, #tpu.memory_space<vmem>>) target(%dma_start3A_50 : memref<80x128xf32, #tpu.memory_space<vmem_shared>>) target_semaphore(%run_scoped3A : memref<!tpu.dma_semaphore, #tpu.memory_space<semaphore_mem>>)
      %dma_wait3A = arith.constant 0 : i32
      %dma_wait3A_51 = tpu.memref_slice %arg12[%add3A_21, %dma_wait3A] : memref<10000x128xf32, #tpu.memory_space<vmem_shared>> -> memref<80x128xf32, #tpu.memory_space<vmem_shared>>
      %dma_wait3A_52 = arith.constant 0 : i32
      %dma_wait3A_53 = tpu.memref_slice %arg12[%add3A_21, %dma_wait3A_52] : memref<10000x128xf32, #tpu.memory_space<vmem_shared>> -> memref<80x128xf32, #tpu.memory_space<vmem_shared>>
      tpu.wait_dma2 semaphore(%run_scoped3A : memref<!tpu.dma_semaphore, #tpu.memory_space<semaphore_mem>>) src(%arg11 : memref<80x128xf32, #tpu.memory_space<vmem>>) dst(%dma_wait3A_53 : memref<80x128xf32, #tpu.memory_space<vmem_shared>>)
      tpu.yield
    }) : () -> ()
    %mul3A_22 = arith.constant 624 : i32
    %mul3A_23 = arith.muli %arg1, %mul3A_22 : i32
    %add3A_24 = arith.constant 320 : i32
    %add3A_25 = arith.addi %mul3A_23, %add3A_24 : i32
    "tpu.region"() ({
      %run_scoped3A = tpu.sem_alloc : memref<!tpu.dma_semaphore, #tpu.memory_space<semaphore_mem>>
      %dma_start3A = arith.constant 0 : i32
      %dma_start3A_48 = tpu.memref_slice %arg12[%add3A_25, %dma_start3A] : memref<10000x128xf32, #tpu.memory_space<vmem_shared>> -> memref<80x128xf32, #tpu.memory_space<vmem_shared>>
      %dma_start3A_49 = arith.constant 0 : i32
      %dma_start3A_50 = tpu.memref_slice %arg12[%add3A_25, %dma_start3A_49] : memref<10000x128xf32, #tpu.memory_space<vmem_shared>> -> memref<80x128xf32, #tpu.memory_space<vmem_shared>>
      tpu.enqueue_dma source(%arg11 : memref<80x128xf32, #tpu.memory_space<vmem>>) target(%dma_start3A_50 : memref<80x128xf32, #tpu.memory_space<vmem_shared>>) target_semaphore(%run_scoped3A : memref<!tpu.dma_semaphore, #tpu.memory_space<semaphore_mem>>)
      %dma_wait3A = arith.constant 0 : i32
      %dma_wait3A_51 = tpu.memref_slice %arg12[%add3A_25, %dma_wait3A] : memref<10000x128xf32, #tpu.memory_space<vmem_shared>> -> memref<80x128xf32, #tpu.memory_space<vmem_shared>>
      %dma_wait3A_52 = arith.constant 0 : i32
      %dma_wait3A_53 = tpu.memref_slice %arg12[%add3A_25, %dma_wait3A_52] : memref<10000x128xf32, #tpu.memory_space<vmem_shared>> -> memref<80x128xf32, #tpu.memory_space<vmem_shared>>
      tpu.wait_dma2 semaphore(%run_scoped3A : memref<!tpu.dma_semaphore, #tpu.memory_space<semaphore_mem>>) src(%arg11 : memref<80x128xf32, #tpu.memory_space<vmem>>) dst(%dma_wait3A_53 : memref<80x128xf32, #tpu.memory_space<vmem_shared>>)
      tpu.yield
    }) : () -> ()
    %mul3A_26 = arith.constant 624 : i32
    %mul3A_27 = arith.muli %arg1, %mul3A_26 : i32
    %add3A_28 = arith.constant 400 : i32
    %add3A_29 = arith.addi %mul3A_27, %add3A_28 : i32
    "tpu.region"() ({
      %run_scoped3A = tpu.sem_alloc : memref<!tpu.dma_semaphore, #tpu.memory_space<semaphore_mem>>
      %dma_start3A = arith.constant 0 : i32
      %dma_start3A_48 = tpu.memref_slice %arg12[%add3A_29, %dma_start3A] : memref<10000x128xf32, #tpu.memory_space<vmem_shared>> -> memref<80x128xf32, #tpu.memory_space<vmem_shared>>
      %dma_start3A_49 = arith.constant 0 : i32
      %dma_start3A_50 = tpu.memref_slice %arg12[%add3A_29, %dma_start3A_49] : memref<10000x128xf32, #tpu.memory_space<vmem_shared>> -> memref<80x128xf32, #tpu.memory_space<vmem_shared>>
      tpu.enqueue_dma source(%arg11 : memref<80x128xf32, #tpu.memory_space<vmem>>) target(%dma_start3A_50 : memref<80x128xf32, #tpu.memory_space<vmem_shared>>) target_semaphore(%run_scoped3A : memref<!tpu.dma_semaphore, #tpu.memory_space<semaphore_mem>>)
      %dma_wait3A = arith.constant 0 : i32
      %dma_wait3A_51 = tpu.memref_slice %arg12[%add3A_29, %dma_wait3A] : memref<10000x128xf32, #tpu.memory_space<vmem_shared>> -> memref<80x128xf32, #tpu.memory_space<vmem_shared>>
      %dma_wait3A_52 = arith.constant 0 : i32
      %dma_wait3A_53 = tpu.memref_slice %arg12[%add3A_29, %dma_wait3A_52] : memref<10000x128xf32, #tpu.memory_space<vmem_shared>> -> memref<80x128xf32, #tpu.memory_space<vmem_shared>>
      tpu.wait_dma2 semaphore(%run_scoped3A : memref<!tpu.dma_semaphore, #tpu.memory_space<semaphore_mem>>) src(%arg11 : memref<80x128xf32, #tpu.memory_space<vmem>>) dst(%dma_wait3A_53 : memref<80x128xf32, #tpu.memory_space<vmem_shared>>)
      tpu.yield
    }) : () -> ()
    %mul3A_30 = arith.constant 624 : i32
    %mul3A_31 = arith.muli %arg1, %mul3A_30 : i32
    %add3A_32 = arith.constant 480 : i32
    %add3A_33 = arith.addi %mul3A_31, %add3A_32 : i32
    "tpu.region"() ({
      %run_scoped3A = tpu.sem_alloc : memref<!tpu.dma_semaphore, #tpu.memory_space<semaphore_mem>>
      %dma_start3A = arith.constant 0 : i32
      %dma_start3A_48 = tpu.memref_slice %arg12[%add3A_33, %dma_start3A] : memref<10000x128xf32, #tpu.memory_space<vmem_shared>> -> memref<80x128xf32, #tpu.memory_space<vmem_shared>>
      %dma_start3A_49 = arith.constant 0 : i32
      %dma_start3A_50 = tpu.memref_slice %arg12[%add3A_33, %dma_start3A_49] : memref<10000x128xf32, #tpu.memory_space<vmem_shared>> -> memref<80x128xf32, #tpu.memory_space<vmem_shared>>
      tpu.enqueue_dma source(%arg11 : memref<80x128xf32, #tpu.memory_space<vmem>>) target(%dma_start3A_50 : memref<80x128xf32, #tpu.memory_space<vmem_shared>>) target_semaphore(%run_scoped3A : memref<!tpu.dma_semaphore, #tpu.memory_space<semaphore_mem>>)
      %dma_wait3A = arith.constant 0 : i32
      %dma_wait3A_51 = tpu.memref_slice %arg12[%add3A_33, %dma_wait3A] : memref<10000x128xf32, #tpu.memory_space<vmem_shared>> -> memref<80x128xf32, #tpu.memory_space<vmem_shared>>
      %dma_wait3A_52 = arith.constant 0 : i32
      %dma_wait3A_53 = tpu.memref_slice %arg12[%add3A_33, %dma_wait3A_52] : memref<10000x128xf32, #tpu.memory_space<vmem_shared>> -> memref<80x128xf32, #tpu.memory_space<vmem_shared>>
      tpu.wait_dma2 semaphore(%run_scoped3A : memref<!tpu.dma_semaphore, #tpu.memory_space<semaphore_mem>>) src(%arg11 : memref<80x128xf32, #tpu.memory_space<vmem>>) dst(%dma_wait3A_53 : memref<80x128xf32, #tpu.memory_space<vmem_shared>>)
      tpu.yield
    }) : () -> ()
    %mul3A_34 = arith.constant 624 : i32
    %mul3A_35 = arith.muli %arg1, %mul3A_34 : i32
    %add3A_36 = arith.constant 560 : i32
    %add3A_37 = arith.addi %mul3A_35, %add3A_36 : i32
    "tpu.region"() ({
      %run_scoped3A = tpu.sem_alloc : memref<!tpu.dma_semaphore, #tpu.memory_space<semaphore_mem>>
      %dma_start3A = arith.constant 0 : i32
      %dma_start3A_48 = tpu.memref_slice %arg12[%add3A_37, %dma_start3A] : memref<10000x128xf32, #tpu.memory_space<vmem_shared>> -> memref<80x128xf32, #tpu.memory_space<vmem_shared>>
      %dma_start3A_49 = arith.constant 0 : i32
      %dma_start3A_50 = tpu.memref_slice %arg12[%add3A_37, %dma_start3A_49] : memref<10000x128xf32, #tpu.memory_space<vmem_shared>> -> memref<80x128xf32, #tpu.memory_space<vmem_shared>>
      tpu.enqueue_dma source(%arg11 : memref<80x128xf32, #tpu.memory_space<vmem>>) target(%dma_start3A_50 : memref<80x128xf32, #tpu.memory_space<vmem_shared>>) target_semaphore(%run_scoped3A : memref<!tpu.dma_semaphore, #tpu.memory_space<semaphore_mem>>)
      %dma_wait3A = arith.constant 0 : i32
      %dma_wait3A_51 = tpu.memref_slice %arg12[%add3A_37, %dma_wait3A] : memref<10000x128xf32, #tpu.memory_space<vmem_shared>> -> memref<80x128xf32, #tpu.memory_space<vmem_shared>>
      %dma_wait3A_52 = arith.constant 0 : i32
      %dma_wait3A_53 = tpu.memref_slice %arg12[%add3A_37, %dma_wait3A_52] : memref<10000x128xf32, #tpu.memory_space<vmem_shared>> -> memref<80x128xf32, #tpu.memory_space<vmem_shared>>
      tpu.wait_dma2 semaphore(%run_scoped3A : memref<!tpu.dma_semaphore, #tpu.memory_space<semaphore_mem>>) src(%arg11 : memref<80x128xf32, #tpu.memory_space<vmem>>) dst(%dma_wait3A_53 : memref<80x128xf32, #tpu.memory_space<vmem_shared>>)
      tpu.yield
    }) : () -> ()
    %barrier3A = arith.constant 0 : index
    tpu.barrier barrier_id(%barrier3A)
    %scan3A_38 = arith.constant 0 : i32
    %scan3A_39 = arith.constant 125 : i32
    %scan3A_40 = arith.addi %scan3A_38, %scan3A_39 : i32
    %scan3A_41 = arith.constant 1 : i32
    scf.for %scan3A_48 = %scan3A_38 to %scan3A_40 step %scan3A_41  : i32 {
      "tpu.region"() ({
        %run_scoped3A = tpu.sem_alloc : memref<!tpu.dma_semaphore, #tpu.memory_space<semaphore_mem>>
        %dma_start3A_58 = arith.constant 0 : i32
        %dma_start3A_59 = tpu.memref_slice %arg3[%add3A, %scan3A_48, %dma_start3A_58] : memref<32x125x80xi32, #tpu.memory_space<hbm>> -> memref<1x1x80xi32, #tpu.memory_space<hbm>>
        %dma_start3A_60 = tpu.memref_squeeze %dma_start3A_59 : memref<1x1x80xi32, #tpu.memory_space<hbm>> -> memref<80xi32, #tpu.memory_space<hbm>>
        %dma_start3A_61 = arith.constant 0 : i32
        %dma_start3A_62 = tpu.memref_slice %arg3[%add3A, %scan3A_48, %dma_start3A_61] : memref<32x125x80xi32, #tpu.memory_space<hbm>> -> memref<1x1x80xi32, #tpu.memory_space<hbm>>
        %dma_start3A_63 = tpu.memref_squeeze %dma_start3A_62 : memref<1x1x80xi32, #tpu.memory_space<hbm>> -> memref<80xi32, #tpu.memory_space<hbm>>
        tpu.enqueue_dma source(%dma_start3A_63 : memref<80xi32, #tpu.memory_space<hbm>>) target(%arg7 : memref<80xi32, #tpu.memory_space<vmem>>) target_semaphore(%run_scoped3A : memref<!tpu.dma_semaphore, #tpu.memory_space<semaphore_mem>>)
        %dma_wait3A_64 = arith.constant 0 : i32
        %dma_wait3A_65 = tpu.memref_slice %arg3[%add3A, %scan3A_48, %dma_wait3A_64] : memref<32x125x80xi32, #tpu.memory_space<hbm>> -> memref<1x1x80xi32, #tpu.memory_space<hbm>>
        %dma_wait3A_66 = tpu.memref_squeeze %dma_wait3A_65 : memref<1x1x80xi32, #tpu.memory_space<hbm>> -> memref<80xi32, #tpu.memory_space<hbm>>
        %dma_wait3A_67 = arith.constant 0 : i32
        %dma_wait3A_68 = tpu.memref_slice %arg3[%add3A, %scan3A_48, %dma_wait3A_67] : memref<32x125x80xi32, #tpu.memory_space<hbm>> -> memref<1x1x80xi32, #tpu.memory_space<hbm>>
        %dma_wait3A_69 = tpu.memref_squeeze %dma_wait3A_68 : memref<1x1x80xi32, #tpu.memory_space<hbm>> -> memref<80xi32, #tpu.memory_space<hbm>>
        tpu.wait_dma2 semaphore(%run_scoped3A : memref<!tpu.dma_semaphore, #tpu.memory_space<semaphore_mem>>) src(%dma_wait3A_69 : memref<80xi32, #tpu.memory_space<hbm>>) dst(%arg7 : memref<80xi32, #tpu.memory_space<vmem>>)
        tpu.yield
      }) : () -> ()
      "tpu.region"() ({
        %run_scoped3A = tpu.sem_alloc : memref<!tpu.dma_semaphore, #tpu.memory_space<semaphore_mem>>
        %dma_start3A_58 = arith.constant 0 : i32
        %dma_start3A_59 = tpu.memref_slice %arg4[%add3A, %scan3A_48, %dma_start3A_58] : memref<32x125x80xi32, #tpu.memory_space<hbm>> -> memref<1x1x80xi32, #tpu.memory_space<hbm>>
        %dma_start3A_60 = tpu.memref_squeeze %dma_start3A_59 : memref<1x1x80xi32, #tpu.memory_space<hbm>> -> memref<80xi32, #tpu.memory_space<hbm>>
        %dma_start3A_61 = arith.constant 0 : i32
        %dma_start3A_62 = tpu.memref_slice %arg4[%add3A, %scan3A_48, %dma_start3A_61] : memref<32x125x80xi32, #tpu.memory_space<hbm>> -> memref<1x1x80xi32, #tpu.memory_space<hbm>>
        %dma_start3A_63 = tpu.memref_squeeze %dma_start3A_62 : memref<1x1x80xi32, #tpu.memory_space<hbm>> -> memref<80xi32, #tpu.memory_space<hbm>>
        tpu.enqueue_dma source(%dma_start3A_63 : memref<80xi32, #tpu.memory_space<hbm>>) target(%arg8 : memref<80xi32, #tpu.memory_space<vmem>>) target_semaphore(%run_scoped3A : memref<!tpu.dma_semaphore, #tpu.memory_space<semaphore_mem>>)
        %dma_wait3A_64 = arith.constant 0 : i32
        %dma_wait3A_65 = tpu.memref_slice %arg4[%add3A, %scan3A_48, %dma_wait3A_64] : memref<32x125x80xi32, #tpu.memory_space<hbm>> -> memref<1x1x80xi32, #tpu.memory_space<hbm>>
        %dma_wait3A_66 = tpu.memref_squeeze %dma_wait3A_65 : memref<1x1x80xi32, #tpu.memory_space<hbm>> -> memref<80xi32, #tpu.memory_space<hbm>>
        %dma_wait3A_67 = arith.constant 0 : i32
        %dma_wait3A_68 = tpu.memref_slice %arg4[%add3A, %scan3A_48, %dma_wait3A_67] : memref<32x125x80xi32, #tpu.memory_space<hbm>> -> memref<1x1x80xi32, #tpu.memory_space<hbm>>
        %dma_wait3A_69 = tpu.memref_squeeze %dma_wait3A_68 : memref<1x1x80xi32, #tpu.memory_space<hbm>> -> memref<80xi32, #tpu.memory_space<hbm>>
        tpu.wait_dma2 semaphore(%run_scoped3A : memref<!tpu.dma_semaphore, #tpu.memory_space<semaphore_mem>>) src(%dma_wait3A_69 : memref<80xi32, #tpu.memory_space<hbm>>) dst(%arg8 : memref<80xi32, #tpu.memory_space<vmem>>)
        tpu.yield
      }) : () -> ()
      "tpu.region"() ({
        %run_scoped3A = tpu.sem_alloc : memref<!tpu.dma_semaphore, #tpu.memory_space<semaphore_mem>>
        %dma_start3A_58 = arith.constant 0 : i32
        %dma_start3A_59 = tpu.memref_slice %arg5[%add3A, %scan3A_48, %dma_start3A_58] : memref<32x125x80xf32, #tpu.memory_space<hbm>> -> memref<1x1x80xf32, #tpu.memory_space<hbm>>
        %dma_start3A_60 = tpu.memref_squeeze %dma_start3A_59 : memref<1x1x80xf32, #tpu.memory_space<hbm>> -> memref<80xf32, #tpu.memory_space<hbm>>
        %dma_start3A_61 = arith.constant 0 : i32
        %dma_start3A_62 = tpu.memref_slice %arg5[%add3A, %scan3A_48, %dma_start3A_61] : memref<32x125x80xf32, #tpu.memory_space<hbm>> -> memref<1x1x80xf32, #tpu.memory_space<hbm>>
        %dma_start3A_63 = tpu.memref_squeeze %dma_start3A_62 : memref<1x1x80xf32, #tpu.memory_space<hbm>> -> memref<80xf32, #tpu.memory_space<hbm>>
        tpu.enqueue_dma source(%dma_start3A_63 : memref<80xf32, #tpu.memory_space<hbm>>) target(%arg9 : memref<80xf32, #tpu.memory_space<vmem>>) target_semaphore(%run_scoped3A : memref<!tpu.dma_semaphore, #tpu.memory_space<semaphore_mem>>)
        %dma_wait3A_64 = arith.constant 0 : i32
        %dma_wait3A_65 = tpu.memref_slice %arg5[%add3A, %scan3A_48, %dma_wait3A_64] : memref<32x125x80xf32, #tpu.memory_space<hbm>> -> memref<1x1x80xf32, #tpu.memory_space<hbm>>
        %dma_wait3A_66 = tpu.memref_squeeze %dma_wait3A_65 : memref<1x1x80xf32, #tpu.memory_space<hbm>> -> memref<80xf32, #tpu.memory_space<hbm>>
        %dma_wait3A_67 = arith.constant 0 : i32
        %dma_wait3A_68 = tpu.memref_slice %arg5[%add3A, %scan3A_48, %dma_wait3A_67] : memref<32x125x80xf32, #tpu.memory_space<hbm>> -> memref<1x1x80xf32, #tpu.memory_space<hbm>>
        %dma_wait3A_69 = tpu.memref_squeeze %dma_wait3A_68 : memref<1x1x80xf32, #tpu.memory_space<hbm>> -> memref<80xf32, #tpu.memory_space<hbm>>
        tpu.wait_dma2 semaphore(%run_scoped3A : memref<!tpu.dma_semaphore, #tpu.memory_space<semaphore_mem>>) src(%dma_wait3A_69 : memref<80xf32, #tpu.memory_space<hbm>>) dst(%arg9 : memref<80xf32, #tpu.memory_space<vmem>>)
        tpu.yield
      }) : () -> ()
      %dma_start3A = arith.constant 0 : i32
      %dma_start3A_49 = arith.constant 0 : i32
      %dma_start3A_50 = tpu.memref_slice %arg2[%dma_start3A, %dma_start3A_49] : memref<10000x128xf32, #tpu.memory_space<hbm>> -> memref<10000x128xf32, #tpu.memory_space<hbm>>
      tpu.enqueue_indirect_dma source(%dma_start3A_50 : memref<10000x128xf32, #tpu.memory_space<hbm>>) target(%arg10 : memref<80x128xf32, #tpu.memory_space<vmem>>) offsets(%arg7 : memref<80xi32, #tpu.memory_space<vmem>>) semaphore(%arg13 : memref<!tpu.dma_semaphore, #tpu.memory_space<semaphore_mem>>)
      %dma_wait3A = arith.constant 0 : i32
      %dma_wait3A_51 = arith.constant 0 : i32
      %dma_wait3A_52 = tpu.memref_slice %arg2[%dma_wait3A, %dma_wait3A_51] : memref<10000x128xf32, #tpu.memory_space<hbm>> -> memref<10000x128xf32, #tpu.memory_space<hbm>>
      tpu.wait_indirect_dma semaphore(%arg13 : memref<!tpu.dma_semaphore, #tpu.memory_space<semaphore_mem>>) src(%dma_wait3A_52 : memref<10000x128xf32, #tpu.memory_space<hbm>>) dst(%arg10 : memref<80x128xf32, #tpu.memory_space<vmem>>)
      %scan3A_53 = arith.constant 0 : i32
      %scan3A_54 = arith.constant 5 : i32
      %scan3A_55 = arith.addi %scan3A_53, %scan3A_54 : i32
      %scan3A_56 = arith.constant 1 : i32
      scf.for %scan3A_58 = %scan3A_53 to %scan3A_55 step %scan3A_56  : i32 {
        %mul3A_59 = arith.constant 16 : i32
        %mul3A_60 = arith.muli %scan3A_58, %mul3A_59 : i32
        %get3A = arith.index_cast %mul3A_60 : i32 to index
        %get3A_61 = tpu.vector_load %arg9[%get3A] {strides = array<i32>} : memref<80xf32, #tpu.memory_space<vmem>>, vector<16xf32>,
        %mul3A_62 = arith.constant 16 : i32
        %mul3A_63 = arith.muli %scan3A_58, %mul3A_62 : i32
        %add3A_64 = arith.constant 0 : i32
        %add3A_65 = arith.addi %mul3A_63, %add3A_64 : i32
        %slice3A = vector.extract_strided_slice %get3A_61 {offsets = [0], sizes = [1], strides = [1]} : vector<16xf32> to vector<1xf32>
        %squeeze3A = vector.extract %slice3A[0] : f32 from vector<1xf32>
        %get3A_66 = arith.index_cast %add3A_65 : i32 to index
        %get3A_67 = arith.constant 0 : index
        %get3A_68 = tpu.vector_load %arg10[%get3A_66, %get3A_67] {strides = array<i32>} : memref<80x128xf32, #tpu.memory_space<vmem>>, vector<16xf32>,
        %mul3A_69 = vector.broadcast %squeeze3A : f32 to vector<16xf32>
        %mul3A_70 = arith.mulf %get3A_68, %mul3A_69 : vector<16xf32>
        %swap3A = arith.index_cast %add3A_65 : i32 to index
        %swap3A_71 = arith.constant 0 : index
        %swap3A_72 = tpu.vector_load %arg11[%swap3A, %swap3A_71] {strides = array<i32>} : memref<80x128xf32, #tpu.memory_space<vmem>>, vector<16xf32>,
        tpu.vector_store %arg11[%swap3A, %swap3A_71], %mul3A_70 {strides = array<i32>} : memref<80x128xf32, #tpu.memory_space<vmem>>, vector<16xf32>,
        %get3A_73 = arith.index_cast %add3A_65 : i32 to index
        %get3A_74 = arith.constant 16 : index
        %get3A_75 = tpu.vector_load %arg10[%get3A_73, %get3A_74] {strides = array<i32>} : memref<80x128xf32, #tpu.memory_space<vmem>>, vector<16xf32>,
        %mul3A_76 = vector.broadcast %squeeze3A : f32 to vector<16xf32>
        %mul3A_77 = arith.mulf %get3A_75, %mul3A_76 : vector<16xf32>
        %swap3A_78 = arith.index_cast %add3A_65 : i32 to index
        %swap3A_79 = arith.constant 16 : index
        %swap3A_80 = tpu.vector_load %arg11[%swap3A_78, %swap3A_79] {strides = array<i32>} : memref<80x128xf32, #tpu.memory_space<vmem>>, vector<16xf32>,
        tpu.vector_store %arg11[%swap3A_78, %swap3A_79], %mul3A_77 {strides = array<i32>} : memref<80x128xf32, #tpu.memory_space<vmem>>, vector<16xf32>,
        %get3A_81 = arith.index_cast %add3A_65 : i32 to index
        %get3A_82 = arith.constant 32 : index
        %get3A_83 = tpu.vector_load %arg10[%get3A_81, %get3A_82] {strides = array<i32>} : memref<80x128xf32, #tpu.memory_space<vmem>>, vector<16xf32>,
        %mul3A_84 = vector.broadcast %squeeze3A : f32 to vector<16xf32>
        %mul3A_85 = arith.mulf %get3A_83, %mul3A_84 : vector<16xf32>
        %swap3A_86 = arith.index_cast %add3A_65 : i32 to index
        %swap3A_87 = arith.constant 32 : index
        %swap3A_88 = tpu.vector_load %arg11[%swap3A_86, %swap3A_87] {strides = array<i32>} : memref<80x128xf32, #tpu.memory_space<vmem>>, vector<16xf32>,
        tpu.vector_store %arg11[%swap3A_86, %swap3A_87], %mul3A_85 {strides = array<i32>} : memref<80x128xf32, #tpu.memory_space<vmem>>, vector<16xf32>,
        %get3A_89 = arith.index_cast %add3A_65 : i32 to index
        %get3A_90 = arith.constant 48 : index
        %get3A_91 = tpu.vector_load %arg10[%get3A_89, %get3A_90] {strides = array<i32>} : memref<80x128xf32, #tpu.memory_space<vmem>>, vector<16xf32>,
        %mul3A_92 = vector.broadcast %squeeze3A : f32 to vector<16xf32>
        %mul3A_93 = arith.mulf %get3A_91, %mul3A_92 : vector<16xf32>
        %swap3A_94 = arith.index_cast %add3A_65 : i32 to index
        %swap3A_95 = arith.constant 48 : index
        %swap3A_96 = tpu.vector_load %arg11[%swap3A_94, %swap3A_95] {strides = array<i32>} : memref<80x128xf32, #tpu.memory_space<vmem>>, vector<16xf32>,
        tpu.vector_store %arg11[%swap3A_94, %swap3A_95], %mul3A_93 {strides = array<i32>} : memref<80x128xf32, #tpu.memory_space<vmem>>, vector<16xf32>,
        %get3A_97 = arith.index_cast %add3A_65 : i32 to index
        %get3A_98 = arith.constant 64 : index
        %get3A_99 = tpu.vector_load %arg10[%get3A_97, %get3A_98] {strides = array<i32>} : memref<80x128xf32, #tpu.memory_space<vmem>>, vector<16xf32>,
        %mul3A_100 = vector.broadcast %squeeze3A : f32 to vector<16xf32>
        %mul3A_101 = arith.mulf %get3A_99, %mul3A_100 : vector<16xf32>
        %swap3A_102 = arith.index_cast %add3A_65 : i32 to index
        %swap3A_103 = arith.constant 64 : index
        %swap3A_104 = tpu.vector_load %arg11[%swap3A_102, %swap3A_103] {strides = array<i32>} : memref<80x128xf32, #tpu.memory_space<vmem>>, vector<16xf32>,
        tpu.vector_store %arg11[%swap3A_102, %swap3A_103], %mul3A_101 {strides = array<i32>} : memref<80x128xf32, #tpu.memory_space<vmem>>, vector<16xf32>,
        %get3A_105 = arith.index_cast %add3A_65 : i32 to index
        %get3A_106 = arith.constant 80 : index
        %get3A_107 = tpu.vector_load %arg10[%get3A_105, %get3A_106] {strides = array<i32>} : memref<80x128xf32, #tpu.memory_space<vmem>>, vector<16xf32>,
        %mul3A_108 = vector.broadcast %squeeze3A : f32 to vector<16xf32>
        %mul3A_109 = arith.mulf %get3A_107, %mul3A_108 : vector<16xf32>
        %swap3A_110 = arith.index_cast %add3A_65 : i32 to index
        %swap3A_111 = arith.constant 80 : index
        %swap3A_112 = tpu.vector_load %arg11[%swap3A_110, %swap3A_111] {strides = array<i32>} : memref<80x128xf32, #tpu.memory_space<vmem>>, vector<16xf32>,
        tpu.vector_store %arg11[%swap3A_110, %swap3A_111], %mul3A_109 {strides = array<i32>} : memref<80x128xf32, #tpu.memory_space<vmem>>, vector<16xf32>,
        %get3A_113 = arith.index_cast %add3A_65 : i32 to index
        %get3A_114 = arith.constant 96 : index
        %get3A_115 = tpu.vector_load %arg10[%get3A_113, %get3A_114] {strides = array<i32>} : memref<80x128xf32, #tpu.memory_space<vmem>>, vector<16xf32>,
        %mul3A_116 = vector.broadcast %squeeze3A : f32 to vector<16xf32>
        %mul3A_117 = arith.mulf %get3A_115, %mul3A_116 : vector<16xf32>
        %swap3A_118 = arith.index_cast %add3A_65 : i32 to index
        %swap3A_119 = arith.constant 96 : index
        %swap3A_120 = tpu.vector_load %arg11[%swap3A_118, %swap3A_119] {strides = array<i32>} : memref<80x128xf32, #tpu.memory_space<vmem>>, vector<16xf32>,
        tpu.vector_store %arg11[%swap3A_118, %swap3A_119], %mul3A_117 {strides = array<i32>} : memref<80x128xf32, #tpu.memory_space<vmem>>, vector<16xf32>,
        %get3A_121 = arith.index_cast %add3A_65 : i32 to index
        %get3A_122 = arith.constant 112 : index
        %get3A_123 = tpu.vector_load %arg10[%get3A_121, %get3A_122] {strides = array<i32>} : memref<80x128xf32, #tpu.memory_space<vmem>>, vector<16xf32>,
        %mul3A_124 = vector.broadcast %squeeze3A : f32 to vector<16xf32>
        %mul3A_125 = arith.mulf %get3A_123, %mul3A_124 : vector<16xf32>
        %swap3A_126 = arith.index_cast %add3A_65 : i32 to index
        %swap3A_127 = arith.constant 112 : index
        %swap3A_128 = tpu.vector_load %arg11[%swap3A_126, %swap3A_127] {strides = array<i32>} : memref<80x128xf32, #tpu.memory_space<vmem>>, vector<16xf32>,
        tpu.vector_store %arg11[%swap3A_126, %swap3A_127], %mul3A_125 {strides = array<i32>} : memref<80x128xf32, #tpu.memory_space<vmem>>, vector<16xf32>,
        %add3A_129 = arith.constant 1 : i32
        %add3A_130 = arith.addi %mul3A_63, %add3A_129 : i32
        %slice3A_131 = vector.extract_strided_slice %get3A_61 {offsets = [1], sizes = [1], strides = [1]} : vector<16xf32> to vector<1xf32>
        %squeeze3A_132 = vector.extract %slice3A_131[0] : f32 from vector<1xf32>
        %get3A_133 = arith.index_cast %add3A_130 : i32 to index
        %get3A_134 = arith.constant 0 : index
        %get3A_135 = tpu.vector_load %arg10[%get3A_133, %get3A_134] {strides = array<i32>} : memref<80x128xf32, #tpu.memory_space<vmem>>, vector<16xf32>,
        %mul3A_136 = vector.broadcast %squeeze3A_132 : f32 to vector<16xf32>
        %mul3A_137 = arith.mulf %get3A_135, %mul3A_136 : vector<16xf32>
        %swap3A_138 = arith.index_cast %add3A_130 : i32 to index
        %swap3A_139 = arith.constant 0 : index
        %swap3A_140 = tpu.vector_load %arg11[%swap3A_138, %swap3A_139] {strides = array<i32>} : memref<80x128xf32, #tpu.memory_space<vmem>>, vector<16xf32>,
        tpu.vector_store %arg11[%swap3A_138, %swap3A_139], %mul3A_137 {strides = array<i32>} : memref<80x128xf32, #tpu.memory_space<vmem>>, vector<16xf32>,
        %get3A_141 = arith.index_cast %add3A_130 : i32 to index
        %get3A_142 = arith.constant 16 : index
        %get3A_143 = tpu.vector_load %arg10[%get3A_141, %get3A_142] {strides = array<i32>} : memref<80x128xf32, #tpu.memory_space<vmem>>, vector<16xf32>,
        %mul3A_144 = vector.broadcast %squeeze3A_132 : f32 to vector<16xf32>
        %mul3A_145 = arith.mulf %get3A_143, %mul3A_144 : vector<16xf32>
        %swap3A_146 = arith.index_cast %add3A_130 : i32 to index
        %swap3A_147 = arith.constant 16 : index
        %swap3A_148 = tpu.vector_load %arg11[%swap3A_146, %swap3A_147] {strides = array<i32>} : memref<80x128xf32, #tpu.memory_space<vmem>>, vector<16xf32>,
        tpu.vector_store %arg11[%swap3A_146, %swap3A_147], %mul3A_145 {strides = array<i32>} : memref<80x128xf32, #tpu.memory_space<vmem>>, vector<16xf32>,
        %get3A_149 = arith.index_cast %add3A_130 : i32 to index
        %get3A_150 = arith.constant 32 : index
        %get3A_151 = tpu.vector_load %arg10[%get3A_149, %get3A_150] {strides = array<i32>} : memref<80x128xf32, #tpu.memory_space<vmem>>, vector<16xf32>,
        %mul3A_152 = vector.broadcast %squeeze3A_132 : f32 to vector<16xf32>
        %mul3A_153 = arith.mulf %get3A_151, %mul3A_152 : vector<16xf32>
        %swap3A_154 = arith.index_cast %add3A_130 : i32 to index
        %swap3A_155 = arith.constant 32 : index
        %swap3A_156 = tpu.vector_load %arg11[%swap3A_154, %swap3A_155] {strides = array<i32>} : memref<80x128xf32, #tpu.memory_space<vmem>>, vector<16xf32>,
        tpu.vector_store %arg11[%swap3A_154, %swap3A_155], %mul3A_153 {strides = array<i32>} : memref<80x128xf32, #tpu.memory_space<vmem>>, vector<16xf32>,
        %get3A_157 = arith.index_cast %add3A_130 : i32 to index
        %get3A_158 = arith.constant 48 : index
        %get3A_159 = tpu.vector_load %arg10[%get3A_157, %get3A_158] {strides = array<i32>} : memref<80x128xf32, #tpu.memory_space<vmem>>, vector<16xf32>,
        %mul3A_160 = vector.broadcast %squeeze3A_132 : f32 to vector<16xf32>
        %mul3A_161 = arith.mulf %get3A_159, %mul3A_160 : vector<16xf32>
        %swap3A_162 = arith.index_cast %add3A_130 : i32 to index
        %swap3A_163 = arith.constant 48 : index
        %swap3A_164 = tpu.vector_load %arg11[%swap3A_162, %swap3A_163] {strides = array<i32>} : memref<80x128xf32, #tpu.memory_space<vmem>>, vector<16xf32>,
        tpu.vector_store %arg11[%swap3A_162, %swap3A_163], %mul3A_161 {strides = array<i32>} : memref<80x128xf32, #tpu.memory_space<vmem>>, vector<16xf32>,
        %get3A_165 = arith.index_cast %add3A_130 : i32 to index
        %get3A_166 = arith.constant 64 : index
        %get3A_167 = tpu.vector_load %arg10[%get3A_165, %get3A_166] {strides = array<i32>} : memref<80x128xf32, #tpu.memory_space<vmem>>, vector<16xf32>,
        %mul3A_168 = vector.broadcast %squeeze3A_132 : f32 to vector<16xf32>
        %mul3A_169 = arith.mulf %get3A_167, %mul3A_168 : vector<16xf32>
        %swap3A_170 = arith.index_cast %add3A_130 : i32 to index
        %swap3A_171 = arith.constant 64 : index
        %swap3A_172 = tpu.vector_load %arg11[%swap3A_170, %swap3A_171] {strides = array<i32>} : memref<80x128xf32, #tpu.memory_space<vmem>>, vector<16xf32>,
        tpu.vector_store %arg11[%swap3A_170, %swap3A_171], %mul3A_169 {strides = array<i32>} : memref<80x128xf32, #tpu.memory_space<vmem>>, vector<16xf32>,
        %get3A_173 = arith.index_cast %add3A_130 : i32 to index
        %get3A_174 = arith.constant 80 : index
        %get3A_175 = tpu.vector_load %arg10[%get3A_173, %get3A_174] {strides = array<i32>} : memref<80x128xf32, #tpu.memory_space<vmem>>, vector<16xf32>,
        %mul3A_176 = vector.broadcast %squeeze3A_132 : f32 to vector<16xf32>
        %mul3A_177 = arith.mulf %get3A_175, %mul3A_176 : vector<16xf32>
        %swap3A_178 = arith.index_cast %add3A_130 : i32 to index
        %swap3A_179 = arith.constant 80 : index
        %swap3A_180 = tpu.vector_load %arg11[%swap3A_178, %swap3A_179] {strides = array<i32>} : memref<80x128xf32, #tpu.memory_space<vmem>>, vector<16xf32>,
        tpu.vector_store %arg11[%swap3A_178, %swap3A_179], %mul3A_177 {strides = array<i32>} : memref<80x128xf32, #tpu.memory_space<vmem>>, vector<16xf32>,
        %get3A_181 = arith.index_cast %add3A_130 : i32 to index
        %get3A_182 = arith.constant 96 : index
        %get3A_183 = tpu.vector_load %arg10[%get3A_181, %get3A_182] {strides = array<i32>} : memref<80x128xf32, #tpu.memory_space<vmem>>, vector<16xf32>,
        %mul3A_184 = vector.broadcast %squeeze3A_132 : f32 to vector<16xf32>
        %mul3A_185 = arith.mulf %get3A_183, %mul3A_184 : vector<16xf32>
        %swap3A_186 = arith.index_cast %add3A_130 : i32 to index
        %swap3A_187 = arith.constant 96 : index
        %swap3A_188 = tpu.vector_load %arg11[%swap3A_186, %swap3A_187] {strides = array<i32>} : memref<80x128xf32, #tpu.memory_space<vmem>>, vector<16xf32>,
        tpu.vector_store %arg11[%swap3A_186, %swap3A_187], %mul3A_185 {strides = array<i32>} : memref<80x128xf32, #tpu.memory_space<vmem>>, vector<16xf32>,
        %get3A_189 = arith.index_cast %add3A_130 : i32 to index
        %get3A_190 = arith.constant 112 : index
        %get3A_191 = tpu.vector_load %arg10[%get3A_189, %get3A_190] {strides = array<i32>} : memref<80x128xf32, #tpu.memory_space<vmem>>, vector<16xf32>,
        %mul3A_192 = vector.broadcast %squeeze3A_132 : f32 to vector<16xf32>
        %mul3A_193 = arith.mulf %get3A_191, %mul3A_192 : vector<16xf32>
        %swap3A_194 = arith.index_cast %add3A_130 : i32 to index
        %swap3A_195 = arith.constant 112 : index
        %swap3A_196 = tpu.vector_load %arg11[%swap3A_194, %swap3A_195] {strides = array<i32>} : memref<80x128xf32, #tpu.memory_space<vmem>>, vector<16xf32>,
        tpu.vector_store %arg11[%swap3A_194, %swap3A_195], %mul3A_193 {strides = array<i32>} : memref<80x128xf32, #tpu.memory_space<vmem>>, vector<16xf32>,
        %add3A_197 = arith.constant 2 : i32
        %add3A_198 = arith.addi %mul3A_63, %add3A_197 : i32
        %slice3A_199 = vector.extract_strided_slice %get3A_61 {offsets = [2], sizes = [1], strides = [1]} : vector<16xf32> to vector<1xf32>
        %squeeze3A_200 = vector.extract %slice3A_199[0] : f32 from vector<1xf32>
        %get3A_201 = arith.index_cast %add3A_198 : i32 to index
        %get3A_202 = arith.constant 0 : index
        %get3A_203 = tpu.vector_load %arg10[%get3A_201, %get3A_202] {strides = array<i32>} : memref<80x128xf32, #tpu.memory_space<vmem>>, vector<16xf32>,
        %mul3A_204 = vector.broadcast %squeeze3A_200 : f32 to vector<16xf32>
        %mul3A_205 = arith.mulf %get3A_203, %mul3A_204 : vector<16xf32>
        %swap3A_206 = arith.index_cast %add3A_198 : i32 to index
        %swap3A_207 = arith.constant 0 : index
        %swap3A_208 = tpu.vector_load %arg11[%swap3A_206, %swap3A_207] {strides = array<i32>} : memref<80x128xf32, #tpu.memory_space<vmem>>, vector<16xf32>,
        tpu.vector_store %arg11[%swap3A_206, %swap3A_207], %mul3A_205 {strides = array<i32>} : memref<80x128xf32, #tpu.memory_space<vmem>>, vector<16xf32>,
        %get3A_209 = arith.index_cast %add3A_198 : i32 to index
        %get3A_210 = arith.constant 16 : index
        %get3A_211 = tpu.vector_load %arg10[%get3A_209, %get3A_210] {strides = array<i32>} : memref<80x128xf32, #tpu.memory_space<vmem>>, vector<16xf32>,
        %mul3A_212 = vector.broadcast %squeeze3A_200 : f32 to vector<16xf32>
        %mul3A_213 = arith.mulf %get3A_211, %mul3A_212 : vector<16xf32>
        %swap3A_214 = arith.index_cast %add3A_198 : i32 to index
        %swap3A_215 = arith.constant 16 : index
        %swap3A_216 = tpu.vector_load %arg11[%swap3A_214, %swap3A_215] {strides = array<i32>} : memref<80x128xf32, #tpu.memory_space<vmem>>, vector<16xf32>,
        tpu.vector_store %arg11[%swap3A_214, %swap3A_215], %mul3A_213 {strides = array<i32>} : memref<80x128xf32, #tpu.memory_space<vmem>>, vector<16xf32>,
        %get3A_217 = arith.index_cast %add3A_198 : i32 to index
        %get3A_218 = arith.constant 32 : index
        %get3A_219 = tpu.vector_load %arg10[%get3A_217, %get3A_218] {strides = array<i32>} : memref<80x128xf32, #tpu.memory_space<vmem>>, vector<16xf32>,
        %mul3A_220 = vector.broadcast %squeeze3A_200 : f32 to vector<16xf32>
        %mul3A_221 = arith.mulf %get3A_219, %mul3A_220 : vector<16xf32>
        %swap3A_222 = arith.index_cast %add3A_198 : i32 to index
        %swap3A_223 = arith.constant 32 : index
        %swap3A_224 = tpu.vector_load %arg11[%swap3A_222, %swap3A_223] {strides = array<i32>} : memref<80x128xf32, #tpu.memory_space<vmem>>, vector<16xf32>,
        tpu.vector_store %arg11[%swap3A_222, %swap3A_223], %mul3A_221 {strides = array<i32>} : memref<80x128xf32, #tpu.memory_space<vmem>>, vector<16xf32>,
        %get3A_225 = arith.index_cast %add3A_198 : i32 to index
        %get3A_226 = arith.constant 48 : index
        %get3A_227 = tpu.vector_load %arg10[%get3A_225, %get3A_226] {strides = array<i32>} : memref<80x128xf32, #tpu.memory_space<vmem>>, vector<16xf32>,
        %mul3A_228 = vector.broadcast %squeeze3A_200 : f32 to vector<16xf32>
        %mul3A_229 = arith.mulf %get3A_227, %mul3A_228 : vector<16xf32>
        %swap3A_230 = arith.index_cast %add3A_198 : i32 to index
        %swap3A_231 = arith.constant 48 : index
        %swap3A_232 = tpu.vector_load %arg11[%swap3A_230, %swap3A_231] {strides = array<i32>} : memref<80x128xf32, #tpu.memory_space<vmem>>, vector<16xf32>,
        tpu.vector_store %arg11[%swap3A_230, %swap3A_231], %mul3A_229 {strides = array<i32>} : memref<80x128xf32, #tpu.memory_space<vmem>>, vector<16xf32>,
        %get3A_233 = arith.index_cast %add3A_198 : i32 to index
        %get3A_234 = arith.constant 64 : index
        %get3A_235 = tpu.vector_load %arg10[%get3A_233, %get3A_234] {strides = array<i32>} : memref<80x128xf32, #tpu.memory_space<vmem>>, vector<16xf32>,
        %mul3A_236 = vector.broadcast %squeeze3A_200 : f32 to vector<16xf32>
        %mul3A_237 = arith.mulf %get3A_235, %mul3A_236 : vector<16xf32>
        %swap3A_238 = arith.index_cast %add3A_198 : i32 to index
        %swap3A_239 = arith.constant 64 : index
        %swap3A_240 = tpu.vector_load %arg11[%swap3A_238, %swap3A_239] {strides = array<i32>} : memref<80x128xf32, #tpu.memory_space<vmem>>, vector<16xf32>,
        tpu.vector_store %arg11[%swap3A_238, %swap3A_239], %mul3A_237 {strides = array<i32>} : memref<80x128xf32, #tpu.memory_space<vmem>>, vector<16xf32>,
        %get3A_241 = arith.index_cast %add3A_198 : i32 to index
        %get3A_242 = arith.constant 80 : index
        %get3A_243 = tpu.vector_load %arg10[%get3A_241, %get3A_242] {strides = array<i32>} : memref<80x128xf32, #tpu.memory_space<vmem>>, vector<16xf32>,
        %mul3A_244 = vector.broadcast %squeeze3A_200 : f32 to vector<16xf32>
        %mul3A_245 = arith.mulf %get3A_243, %mul3A_244 : vector<16xf32>
        %swap3A_246 = arith.index_cast %add3A_198 : i32 to index
        %swap3A_247 = arith.constant 80 : index
        %swap3A_248 = tpu.vector_load %arg11[%swap3A_246, %swap3A_247] {strides = array<i32>} : memref<80x128xf32, #tpu.memory_space<vmem>>, vector<16xf32>,
        tpu.vector_store %arg11[%swap3A_246, %swap3A_247], %mul3A_245 {strides = array<i32>} : memref<80x128xf32, #tpu.memory_space<vmem>>, vector<16xf32>,
        %get3A_249 = arith.index_cast %add3A_198 : i32 to index
        %get3A_250 = arith.constant 96 : index
        %get3A_251 = tpu.vector_load %arg10[%get3A_249, %get3A_250] {strides = array<i32>} : memref<80x128xf32, #tpu.memory_space<vmem>>, vector<16xf32>,
        %mul3A_252 = vector.broadcast %squeeze3A_200 : f32 to vector<16xf32>
        %mul3A_253 = arith.mulf %get3A_251, %mul3A_252 : vector<16xf32>
        %swap3A_254 = arith.index_cast %add3A_198 : i32 to index
        %swap3A_255 = arith.constant 96 : index
        %swap3A_256 = tpu.vector_load %arg11[%swap3A_254, %swap3A_255] {strides = array<i32>} : memref<80x128xf32, #tpu.memory_space<vmem>>, vector<16xf32>,
        tpu.vector_store %arg11[%swap3A_254, %swap3A_255], %mul3A_253 {strides = array<i32>} : memref<80x128xf32, #tpu.memory_space<vmem>>, vector<16xf32>,
        %get3A_257 = arith.index_cast %add3A_198 : i32 to index
        %get3A_258 = arith.constant 112 : index
        %get3A_259 = tpu.vector_load %arg10[%get3A_257, %get3A_258] {strides = array<i32>} : memref<80x128xf32, #tpu.memory_space<vmem>>, vector<16xf32>,
        %mul3A_260 = vector.broadcast %squeeze3A_200 : f32 to vector<16xf32>
        %mul3A_261 = arith.mulf %get3A_259, %mul3A_260 : vector<16xf32>
        %swap3A_262 = arith.index_cast %add3A_198 : i32 to index
        %swap3A_263 = arith.constant 112 : index
        %swap3A_264 = tpu.vector_load %arg11[%swap3A_262, %swap3A_263] {strides = array<i32>} : memref<80x128xf32, #tpu.memory_space<vmem>>, vector<16xf32>,
        tpu.vector_store %arg11[%swap3A_262, %swap3A_263], %mul3A_261 {strides = array<i32>} : memref<80x128xf32, #tpu.memory_space<vmem>>, vector<16xf32>,
        %add3A_265 = arith.constant 3 : i32
        %add3A_266 = arith.addi %mul3A_63, %add3A_265 : i32
        %slice3A_267 = vector.extract_strided_slice %get3A_61 {offsets = [3], sizes = [1], strides = [1]} : vector<16xf32> to vector<1xf32>
        %squeeze3A_268 = vector.extract %slice3A_267[0] : f32 from vector<1xf32>
        %get3A_269 = arith.index_cast %add3A_266 : i32 to index
        %get3A_270 = arith.constant 0 : index
        %get3A_271 = tpu.vector_load %arg10[%get3A_269, %get3A_270] {strides = array<i32>} : memref<80x128xf32, #tpu.memory_space<vmem>>, vector<16xf32>,
        %mul3A_272 = vector.broadcast %squeeze3A_268 : f32 to vector<16xf32>
        %mul3A_273 = arith.mulf %get3A_271, %mul3A_272 : vector<16xf32>
        %swap3A_274 = arith.index_cast %add3A_266 : i32 to index
        %swap3A_275 = arith.constant 0 : index
        %swap3A_276 = tpu.vector_load %arg11[%swap3A_274, %swap3A_275] {strides = array<i32>} : memref<80x128xf32, #tpu.memory_space<vmem>>, vector<16xf32>,
        tpu.vector_store %arg11[%swap3A_274, %swap3A_275], %mul3A_273 {strides = array<i32>} : memref<80x128xf32, #tpu.memory_space<vmem>>, vector<16xf32>,
        %get3A_277 = arith.index_cast %add3A_266 : i32 to index
        %get3A_278 = arith.constant 16 : index
        %get3A_279 = tpu.vector_load %arg10[%get3A_277, %get3A_278] {strides = array<i32>} : memref<80x128xf32, #tpu.memory_space<vmem>>, vector<16xf32>,
        %mul3A_280 = vector.broadcast %squeeze3A_268 : f32 to vector<16xf32>
        %mul3A_281 = arith.mulf %get3A_279, %mul3A_280 : vector<16xf32>
        %swap3A_282 = arith.index_cast %add3A_266 : i32 to index
        %swap3A_283 = arith.constant 16 : index
        %swap3A_284 = tpu.vector_load %arg11[%swap3A_282, %swap3A_283] {strides = array<i32>} : memref<80x128xf32, #tpu.memory_space<vmem>>, vector<16xf32>,
        tpu.vector_store %arg11[%swap3A_282, %swap3A_283], %mul3A_281 {strides = array<i32>} : memref<80x128xf32, #tpu.memory_space<vmem>>, vector<16xf32>,
        %get3A_285 = arith.index_cast %add3A_266 : i32 to index
        %get3A_286 = arith.constant 32 : index
        %get3A_287 = tpu.vector_load %arg10[%get3A_285, %get3A_286] {strides = array<i32>} : memref<80x128xf32, #tpu.memory_space<vmem>>, vector<16xf32>,
        %mul3A_288 = vector.broadcast %squeeze3A_268 : f32 to vector<16xf32>
        %mul3A_289 = arith.mulf %get3A_287, %mul3A_288 : vector<16xf32>
        %swap3A_290 = arith.index_cast %add3A_266 : i32 to index
        %swap3A_291 = arith.constant 32 : index
        %swap3A_292 = tpu.vector_load %arg11[%swap3A_290, %swap3A_291] {strides = array<i32>} : memref<80x128xf32, #tpu.memory_space<vmem>>, vector<16xf32>,
        tpu.vector_store %arg11[%swap3A_290, %swap3A_291], %mul3A_289 {strides = array<i32>} : memref<80x128xf32, #tpu.memory_space<vmem>>, vector<16xf32>,
        %get3A_293 = arith.index_cast %add3A_266 : i32 to index
        %get3A_294 = arith.constant 48 : index
        %get3A_295 = tpu.vector_load %arg10[%get3A_293, %get3A_294] {strides = array<i32>} : memref<80x128xf32, #tpu.memory_space<vmem>>, vector<16xf32>,
        %mul3A_296 = vector.broadcast %squeeze3A_268 : f32 to vector<16xf32>
        %mul3A_297 = arith.mulf %get3A_295, %mul3A_296 : vector<16xf32>
        %swap3A_298 = arith.index_cast %add3A_266 : i32 to index
        %swap3A_299 = arith.constant 48 : index
        %swap3A_300 = tpu.vector_load %arg11[%swap3A_298, %swap3A_299] {strides = array<i32>} : memref<80x128xf32, #tpu.memory_space<vmem>>, vector<16xf32>,
        tpu.vector_store %arg11[%swap3A_298, %swap3A_299], %mul3A_297 {strides = array<i32>} : memref<80x128xf32, #tpu.memory_space<vmem>>, vector<16xf32>,
        %get3A_301 = arith.index_cast %add3A_266 : i32 to index
        %get3A_302 = arith.constant 64 : index
        %get3A_303 = tpu.vector_load %arg10[%get3A_301, %get3A_302] {strides = array<i32>} : memref<80x128xf32, #tpu.memory_space<vmem>>, vector<16xf32>,
        %mul3A_304 = vector.broadcast %squeeze3A_268 : f32 to vector<16xf32>
        %mul3A_305 = arith.mulf %get3A_303, %mul3A_304 : vector<16xf32>
        %swap3A_306 = arith.index_cast %add3A_266 : i32 to index
        %swap3A_307 = arith.constant 64 : index
        %swap3A_308 = tpu.vector_load %arg11[%swap3A_306, %swap3A_307] {strides = array<i32>} : memref<80x128xf32, #tpu.memory_space<vmem>>, vector<16xf32>,
        tpu.vector_store %arg11[%swap3A_306, %swap3A_307], %mul3A_305 {strides = array<i32>} : memref<80x128xf32, #tpu.memory_space<vmem>>, vector<16xf32>,
        %get3A_309 = arith.index_cast %add3A_266 : i32 to index
        %get3A_310 = arith.constant 80 : index
        %get3A_311 = tpu.vector_load %arg10[%get3A_309, %get3A_310] {strides = array<i32>} : memref<80x128xf32, #tpu.memory_space<vmem>>, vector<16xf32>,
        %mul3A_312 = vector.broadcast %squeeze3A_268 : f32 to vector<16xf32>
        %mul3A_313 = arith.mulf %get3A_311, %mul3A_312 : vector<16xf32>
        %swap3A_314 = arith.index_cast %add3A_266 : i32 to index
        %swap3A_315 = arith.constant 80 : index
        %swap3A_316 = tpu.vector_load %arg11[%swap3A_314, %swap3A_315] {strides = array<i32>} : memref<80x128xf32, #tpu.memory_space<vmem>>, vector<16xf32>,
        tpu.vector_store %arg11[%swap3A_314, %swap3A_315], %mul3A_313 {strides = array<i32>} : memref<80x128xf32, #tpu.memory_space<vmem>>, vector<16xf32>,
        %get3A_317 = arith.index_cast %add3A_266 : i32 to index
        %get3A_318 = arith.constant 96 : index
        %get3A_319 = tpu.vector_load %arg10[%get3A_317, %get3A_318] {strides = array<i32>} : memref<80x128xf32, #tpu.memory_space<vmem>>, vector<16xf32>,
        %mul3A_320 = vector.broadcast %squeeze3A_268 : f32 to vector<16xf32>
        %mul3A_321 = arith.mulf %get3A_319, %mul3A_320 : vector<16xf32>
        %swap3A_322 = arith.index_cast %add3A_266 : i32 to index
        %swap3A_323 = arith.constant 96 : index
        %swap3A_324 = tpu.vector_load %arg11[%swap3A_322, %swap3A_323] {strides = array<i32>} : memref<80x128xf32, #tpu.memory_space<vmem>>, vector<16xf32>,
        tpu.vector_store %arg11[%swap3A_322, %swap3A_323], %mul3A_321 {strides = array<i32>} : memref<80x128xf32, #tpu.memory_space<vmem>>, vector<16xf32>,
        %get3A_325 = arith.index_cast %add3A_266 : i32 to index
        %get3A_326 = arith.constant 112 : index
        %get3A_327 = tpu.vector_load %arg10[%get3A_325, %get3A_326] {strides = array<i32>} : memref<80x128xf32, #tpu.memory_space<vmem>>, vector<16xf32>,
        %mul3A_328 = vector.broadcast %squeeze3A_268 : f32 to vector<16xf32>
        %mul3A_329 = arith.mulf %get3A_327, %mul3A_328 : vector<16xf32>
        %swap3A_330 = arith.index_cast %add3A_266 : i32 to index
        %swap3A_331 = arith.constant 112 : index
        %swap3A_332 = tpu.vector_load %arg11[%swap3A_330, %swap3A_331] {strides = array<i32>} : memref<80x128xf32, #tpu.memory_space<vmem>>, vector<16xf32>,
        tpu.vector_store %arg11[%swap3A_330, %swap3A_331], %mul3A_329 {strides = array<i32>} : memref<80x128xf32, #tpu.memory_space<vmem>>, vector<16xf32>,
        %add3A_333 = arith.constant 4 : i32
        %add3A_334 = arith.addi %mul3A_63, %add3A_333 : i32
        %slice3A_335 = vector.extract_strided_slice %get3A_61 {offsets = [4], sizes = [1], strides = [1]} : vector<16xf32> to vector<1xf32>
        %squeeze3A_336 = vector.extract %slice3A_335[0] : f32 from vector<1xf32>
        %get3A_337 = arith.index_cast %add3A_334 : i32 to index
        %get3A_338 = arith.constant 0 : index
        %get3A_339 = tpu.vector_load %arg10[%get3A_337, %get3A_338] {strides = array<i32>} : memref<80x128xf32, #tpu.memory_space<vmem>>, vector<16xf32>,
        %mul3A_340 = vector.broadcast %squeeze3A_336 : f32 to vector<16xf32>
        %mul3A_341 = arith.mulf %get3A_339, %mul3A_340 : vector<16xf32>
        %swap3A_342 = arith.index_cast %add3A_334 : i32 to index
        %swap3A_343 = arith.constant 0 : index
        %swap3A_344 = tpu.vector_load %arg11[%swap3A_342, %swap3A_343] {strides = array<i32>} : memref<80x128xf32, #tpu.memory_space<vmem>>, vector<16xf32>,
        tpu.vector_store %arg11[%swap3A_342, %swap3A_343], %mul3A_341 {strides = array<i32>} : memref<80x128xf32, #tpu.memory_space<vmem>>, vector<16xf32>,
        %get3A_345 = arith.index_cast %add3A_334 : i32 to index
        %get3A_346 = arith.constant 16 : index
        %get3A_347 = tpu.vector_load %arg10[%get3A_345, %get3A_346] {strides = array<i32>} : memref<80x128xf32, #tpu.memory_space<vmem>>, vector<16xf32>,
        %mul3A_348 = vector.broadcast %squeeze3A_336 : f32 to vector<16xf32>
        %mul3A_349 = arith.mulf %get3A_347, %mul3A_348 : vector<16xf32>
        %swap3A_350 = arith.index_cast %add3A_334 : i32 to index
        %swap3A_351 = arith.constant 16 : index
        %swap3A_352 = tpu.vector_load %arg11[%swap3A_350, %swap3A_351] {strides = array<i32>} : memref<80x128xf32, #tpu.memory_space<vmem>>, vector<16xf32>,
        tpu.vector_store %arg11[%swap3A_350, %swap3A_351], %mul3A_349 {strides = array<i32>} : memref<80x128xf32, #tpu.memory_space<vmem>>, vector<16xf32>,
        %get3A_353 = arith.index_cast %add3A_334 : i32 to index
        %get3A_354 = arith.constant 32 : index
        %get3A_355 = tpu.vector_load %arg10[%get3A_353, %get3A_354] {strides = array<i32>} : memref<80x128xf32, #tpu.memory_space<vmem>>, vector<16xf32>,
        %mul3A_356 = vector.broadcast %squeeze3A_336 : f32 to vector<16xf32>
        %mul3A_357 = arith.mulf %get3A_355, %mul3A_356 : vector<16xf32>
        %swap3A_358 = arith.index_cast %add3A_334 : i32 to index
        %swap3A_359 = arith.constant 32 : index
        %swap3A_360 = tpu.vector_load %arg11[%swap3A_358, %swap3A_359] {strides = array<i32>} : memref<80x128xf32, #tpu.memory_space<vmem>>, vector<16xf32>,
        tpu.vector_store %arg11[%swap3A_358, %swap3A_359], %mul3A_357 {strides = array<i32>} : memref<80x128xf32, #tpu.memory_space<vmem>>, vector<16xf32>,
        %get3A_361 = arith.index_cast %add3A_334 : i32 to index
        %get3A_362 = arith.constant 48 : index
        %get3A_363 = tpu.vector_load %arg10[%get3A_361, %get3A_362] {strides = array<i32>} : memref<80x128xf32, #tpu.memory_space<vmem>>, vector<16xf32>,
        %mul3A_364 = vector.broadcast %squeeze3A_336 : f32 to vector<16xf32>
        %mul3A_365 = arith.mulf %get3A_363, %mul3A_364 : vector<16xf32>
        %swap3A_366 = arith.index_cast %add3A_334 : i32 to index
        %swap3A_367 = arith.constant 48 : index
        %swap3A_368 = tpu.vector_load %arg11[%swap3A_366, %swap3A_367] {strides = array<i32>} : memref<80x128xf32, #tpu.memory_space<vmem>>, vector<16xf32>,
        tpu.vector_store %arg11[%swap3A_366, %swap3A_367], %mul3A_365 {strides = array<i32>} : memref<80x128xf32, #tpu.memory_space<vmem>>, vector<16xf32>,
        %get3A_369 = arith.index_cast %add3A_334 : i32 to index
        %get3A_370 = arith.constant 64 : index
        %get3A_371 = tpu.vector_load %arg10[%get3A_369, %get3A_370] {strides = array<i32>} : memref<80x128xf32, #tpu.memory_space<vmem>>, vector<16xf32>,
        %mul3A_372 = vector.broadcast %squeeze3A_336 : f32 to vector<16xf32>
        %mul3A_373 = arith.mulf %get3A_371, %mul3A_372 : vector<16xf32>
        %swap3A_374 = arith.index_cast %add3A_334 : i32 to index
        %swap3A_375 = arith.constant 64 : index
        %swap3A_376 = tpu.vector_load %arg11[%swap3A_374, %swap3A_375] {strides = array<i32>} : memref<80x128xf32, #tpu.memory_space<vmem>>, vector<16xf32>,
        tpu.vector_store %arg11[%swap3A_374, %swap3A_375], %mul3A_373 {strides = array<i32>} : memref<80x128xf32, #tpu.memory_space<vmem>>, vector<16xf32>,
        %get3A_377 = arith.index_cast %add3A_334 : i32 to index
        %get3A_378 = arith.constant 80 : index
        %get3A_379 = tpu.vector_load %arg10[%get3A_377, %get3A_378] {strides = array<i32>} : memref<80x128xf32, #tpu.memory_space<vmem>>, vector<16xf32>,
        %mul3A_380 = vector.broadcast %squeeze3A_336 : f32 to vector<16xf32>
        %mul3A_381 = arith.mulf %get3A_379, %mul3A_380 : vector<16xf32>
        %swap3A_382 = arith.index_cast %add3A_334 : i32 to index
        %swap3A_383 = arith.constant 80 : index
        %swap3A_384 = tpu.vector_load %arg11[%swap3A_382, %swap3A_383] {strides = array<i32>} : memref<80x128xf32, #tpu.memory_space<vmem>>, vector<16xf32>,
        tpu.vector_store %arg11[%swap3A_382, %swap3A_383], %mul3A_381 {strides = array<i32>} : memref<80x128xf32, #tpu.memory_space<vmem>>, vector<16xf32>,
        %get3A_385 = arith.index_cast %add3A_334 : i32 to index
        %get3A_386 = arith.constant 96 : index
        %get3A_387 = tpu.vector_load %arg10[%get3A_385, %get3A_386] {strides = array<i32>} : memref<80x128xf32, #tpu.memory_space<vmem>>, vector<16xf32>,
        %mul3A_388 = vector.broadcast %squeeze3A_336 : f32 to vector<16xf32>
        %mul3A_389 = arith.mulf %get3A_387, %mul3A_388 : vector<16xf32>
        %swap3A_390 = arith.index_cast %add3A_334 : i32 to index
        %swap3A_391 = arith.constant 96 : index
        %swap3A_392 = tpu.vector_load %arg11[%swap3A_390, %swap3A_391] {strides = array<i32>} : memref<80x128xf32, #tpu.memory_space<vmem>>, vector<16xf32>,
        tpu.vector_store %arg11[%swap3A_390, %swap3A_391], %mul3A_389 {strides = array<i32>} : memref<80x128xf32, #tpu.memory_space<vmem>>, vector<16xf32>,
        %get3A_393 = arith.index_cast %add3A_334 : i32 to index
        %get3A_394 = arith.constant 112 : index
        %get3A_395 = tpu.vector_load %arg10[%get3A_393, %get3A_394] {strides = array<i32>} : memref<80x128xf32, #tpu.memory_space<vmem>>, vector<16xf32>,
        %mul3A_396 = vector.broadcast %squeeze3A_336 : f32 to vector<16xf32>
        %mul3A_397 = arith.mulf %get3A_395, %mul3A_396 : vector<16xf32>
        %swap3A_398 = arith.index_cast %add3A_334 : i32 to index
        %swap3A_399 = arith.constant 112 : index
        %swap3A_400 = tpu.vector_load %arg11[%swap3A_398, %swap3A_399] {strides = array<i32>} : memref<80x128xf32, #tpu.memory_space<vmem>>, vector<16xf32>,
        tpu.vector_store %arg11[%swap3A_398, %swap3A_399], %mul3A_397 {strides = array<i32>} : memref<80x128xf32, #tpu.memory_space<vmem>>, vector<16xf32>,
        %add3A_401 = arith.constant 5 : i32
        %add3A_402 = arith.addi %mul3A_63, %add3A_401 : i32
        %slice3A_403 = vector.extract_strided_slice %get3A_61 {offsets = [5], sizes = [1], strides = [1]} : vector<16xf32> to vector<1xf32>
        %squeeze3A_404 = vector.extract %slice3A_403[0] : f32 from vector<1xf32>
        %get3A_405 = arith.index_cast %add3A_402 : i32 to index
        %get3A_406 = arith.constant 0 : index
        %get3A_407 = tpu.vector_load %arg10[%get3A_405, %get3A_406] {strides = array<i32>} : memref<80x128xf32, #tpu.memory_space<vmem>>, vector<16xf32>,
        %mul3A_408 = vector.broadcast %squeeze3A_404 : f32 to vector<16xf32>
        %mul3A_409 = arith.mulf %get3A_407, %mul3A_408 : vector<16xf32>
        %swap3A_410 = arith.index_cast %add3A_402 : i32 to index
        %swap3A_411 = arith.constant 0 : index
        %swap3A_412 = tpu.vector_load %arg11[%swap3A_410, %swap3A_411] {strides = array<i32>} : memref<80x128xf32, #tpu.memory_space<vmem>>, vector<16xf32>,
        tpu.vector_store %arg11[%swap3A_410, %swap3A_411], %mul3A_409 {strides = array<i32>} : memref<80x128xf32, #tpu.memory_space<vmem>>, vector<16xf32>,
        %get3A_413 = arith.index_cast %add3A_402 : i32 to index
        %get3A_414 = arith.constant 16 : index
        %get3A_415 = tpu.vector_load %arg10[%get3A_413, %get3A_414] {strides = array<i32>} : memref<80x128xf32, #tpu.memory_space<vmem>>, vector<16xf32>,
        %mul3A_416 = vector.broadcast %squeeze3A_404 : f32 to vector<16xf32>
        %mul3A_417 = arith.mulf %get3A_415, %mul3A_416 : vector<16xf32>
        %swap3A_418 = arith.index_cast %add3A_402 : i32 to index
        %swap3A_419 = arith.constant 16 : index
        %swap3A_420 = tpu.vector_load %arg11[%swap3A_418, %swap3A_419] {strides = array<i32>} : memref<80x128xf32, #tpu.memory_space<vmem>>, vector<16xf32>,
        tpu.vector_store %arg11[%swap3A_418, %swap3A_419], %mul3A_417 {strides = array<i32>} : memref<80x128xf32, #tpu.memory_space<vmem>>, vector<16xf32>,
        %get3A_421 = arith.index_cast %add3A_402 : i32 to index
        %get3A_422 = arith.constant 32 : index
        %get3A_423 = tpu.vector_load %arg10[%get3A_421, %get3A_422] {strides = array<i32>} : memref<80x128xf32, #tpu.memory_space<vmem>>, vector<16xf32>,
        %mul3A_424 = vector.broadcast %squeeze3A_404 : f32 to vector<16xf32>
        %mul3A_425 = arith.mulf %get3A_423, %mul3A_424 : vector<16xf32>
        %swap3A_426 = arith.index_cast %add3A_402 : i32 to index
        %swap3A_427 = arith.constant 32 : index
        %swap3A_428 = tpu.vector_load %arg11[%swap3A_426, %swap3A_427] {strides = array<i32>} : memref<80x128xf32, #tpu.memory_space<vmem>>, vector<16xf32>,
        tpu.vector_store %arg11[%swap3A_426, %swap3A_427], %mul3A_425 {strides = array<i32>} : memref<80x128xf32, #tpu.memory_space<vmem>>, vector<16xf32>,
        %get3A_429 = arith.index_cast %add3A_402 : i32 to index
        %get3A_430 = arith.constant 48 : index
        %get3A_431 = tpu.vector_load %arg10[%get3A_429, %get3A_430] {strides = array<i32>} : memref<80x128xf32, #tpu.memory_space<vmem>>, vector<16xf32>,
        %mul3A_432 = vector.broadcast %squeeze3A_404 : f32 to vector<16xf32>
        %mul3A_433 = arith.mulf %get3A_431, %mul3A_432 : vector<16xf32>
        %swap3A_434 = arith.index_cast %add3A_402 : i32 to index
        %swap3A_435 = arith.constant 48 : index
        %swap3A_436 = tpu.vector_load %arg11[%swap3A_434, %swap3A_435] {strides = array<i32>} : memref<80x128xf32, #tpu.memory_space<vmem>>, vector<16xf32>,
        tpu.vector_store %arg11[%swap3A_434, %swap3A_435], %mul3A_433 {strides = array<i32>} : memref<80x128xf32, #tpu.memory_space<vmem>>, vector<16xf32>,
        %get3A_437 = arith.index_cast %add3A_402 : i32 to index
        %get3A_438 = arith.constant 64 : index
        %get3A_439 = tpu.vector_load %arg10[%get3A_437, %get3A_438] {strides = array<i32>} : memref<80x128xf32, #tpu.memory_space<vmem>>, vector<16xf32>,
        %mul3A_440 = vector.broadcast %squeeze3A_404 : f32 to vector<16xf32>
        %mul3A_441 = arith.mulf %get3A_439, %mul3A_440 : vector<16xf32>
        %swap3A_442 = arith.index_cast %add3A_402 : i32 to index
        %swap3A_443 = arith.constant 64 : index
        %swap3A_444 = tpu.vector_load %arg11[%swap3A_442, %swap3A_443] {strides = array<i32>} : memref<80x128xf32, #tpu.memory_space<vmem>>, vector<16xf32>,
        tpu.vector_store %arg11[%swap3A_442, %swap3A_443], %mul3A_441 {strides = array<i32>} : memref<80x128xf32, #tpu.memory_space<vmem>>, vector<16xf32>,
        %get3A_445 = arith.index_cast %add3A_402 : i32 to index
        %get3A_446 = arith.constant 80 : index
        %get3A_447 = tpu.vector_load %arg10[%get3A_445, %get3A_446] {strides = array<i32>} : memref<80x128xf32, #tpu.memory_space<vmem>>, vector<16xf32>,
        %mul3A_448 = vector.broadcast %squeeze3A_404 : f32 to vector<16xf32>
        %mul3A_449 = arith.mulf %get3A_447, %mul3A_448 : vector<16xf32>
        %swap3A_450 = arith.index_cast %add3A_402 : i32 to index
        %swap3A_451 = arith.constant 80 : index
        %swap3A_452 = tpu.vector_load %arg11[%swap3A_450, %swap3A_451] {strides = array<i32>} : memref<80x128xf32, #tpu.memory_space<vmem>>, vector<16xf32>,
        tpu.vector_store %arg11[%swap3A_450, %swap3A_451], %mul3A_449 {strides = array<i32>} : memref<80x128xf32, #tpu.memory_space<vmem>>, vector<16xf32>,
        %get3A_453 = arith.index_cast %add3A_402 : i32 to index
        %get3A_454 = arith.constant 96 : index
        %get3A_455 = tpu.vector_load %arg10[%get3A_453, %get3A_454] {strides = array<i32>} : memref<80x128xf32, #tpu.memory_space<vmem>>, vector<16xf32>,
        %mul3A_456 = vector.broadcast %squeeze3A_404 : f32 to vector<16xf32>
        %mul3A_457 = arith.mulf %get3A_455, %mul3A_456 : vector<16xf32>
        %swap3A_458 = arith.index_cast %add3A_402 : i32 to index
        %swap3A_459 = arith.constant 96 : index
        %swap3A_460 = tpu.vector_load %arg11[%swap3A_458, %swap3A_459] {strides = array<i32>} : memref<80x128xf32, #tpu.memory_space<vmem>>, vector<16xf32>,
        tpu.vector_store %arg11[%swap3A_458, %swap3A_459], %mul3A_457 {strides = array<i32>} : memref<80x128xf32, #tpu.memory_space<vmem>>, vector<16xf32>,
        %get3A_461 = arith.index_cast %add3A_402 : i32 to index
        %get3A_462 = arith.constant 112 : index
        %get3A_463 = tpu.vector_load %arg10[%get3A_461, %get3A_462] {strides = array<i32>} : memref<80x128xf32, #tpu.memory_space<vmem>>, vector<16xf32>,
        %mul3A_464 = vector.broadcast %squeeze3A_404 : f32 to vector<16xf32>
        %mul3A_465 = arith.mulf %get3A_463, %mul3A_464 : vector<16xf32>
        %swap3A_466 = arith.index_cast %add3A_402 : i32 to index
        %swap3A_467 = arith.constant 112 : index
        %swap3A_468 = tpu.vector_load %arg11[%swap3A_466, %swap3A_467] {strides = array<i32>} : memref<80x128xf32, #tpu.memory_space<vmem>>, vector<16xf32>,
        tpu.vector_store %arg11[%swap3A_466, %swap3A_467], %mul3A_465 {strides = array<i32>} : memref<80x128xf32, #tpu.memory_space<vmem>>, vector<16xf32>,
        %add3A_469 = arith.constant 6 : i32
        %add3A_470 = arith.addi %mul3A_63, %add3A_469 : i32
        %slice3A_471 = vector.extract_strided_slice %get3A_61 {offsets = [6], sizes = [1], strides = [1]} : vector<16xf32> to vector<1xf32>
        %squeeze3A_472 = vector.extract %slice3A_471[0] : f32 from vector<1xf32>
        %get3A_473 = arith.index_cast %add3A_470 : i32 to index
        %get3A_474 = arith.constant 0 : index
        %get3A_475 = tpu.vector_load %arg10[%get3A_473, %get3A_474] {strides = array<i32>} : memref<80x128xf32, #tpu.memory_space<vmem>>, vector<16xf32>,
        %mul3A_476 = vector.broadcast %squeeze3A_472 : f32 to vector<16xf32>
        %mul3A_477 = arith.mulf %get3A_475, %mul3A_476 : vector<16xf32>
        %swap3A_478 = arith.index_cast %add3A_470 : i32 to index
        %swap3A_479 = arith.constant 0 : index
        %swap3A_480 = tpu.vector_load %arg11[%swap3A_478, %swap3A_479] {strides = array<i32>} : memref<80x128xf32, #tpu.memory_space<vmem>>, vector<16xf32>,
        tpu.vector_store %arg11[%swap3A_478, %swap3A_479], %mul3A_477 {strides = array<i32>} : memref<80x128xf32, #tpu.memory_space<vmem>>, vector<16xf32>,
        %get3A_481 = arith.index_cast %add3A_470 : i32 to index
        %get3A_482 = arith.constant 16 : index
        %get3A_483 = tpu.vector_load %arg10[%get3A_481, %get3A_482] {strides = array<i32>} : memref<80x128xf32, #tpu.memory_space<vmem>>, vector<16xf32>,
        %mul3A_484 = vector.broadcast %squeeze3A_472 : f32 to vector<16xf32>
        %mul3A_485 = arith.mulf %get3A_483, %mul3A_484 : vector<16xf32>
        %swap3A_486 = arith.index_cast %add3A_470 : i32 to index
        %swap3A_487 = arith.constant 16 : index
        %swap3A_488 = tpu.vector_load %arg11[%swap3A_486, %swap3A_487] {strides = array<i32>} : memref<80x128xf32, #tpu.memory_space<vmem>>, vector<16xf32>,
        tpu.vector_store %arg11[%swap3A_486, %swap3A_487], %mul3A_485 {strides = array<i32>} : memref<80x128xf32, #tpu.memory_space<vmem>>, vector<16xf32>,
        %get3A_489 = arith.index_cast %add3A_470 : i32 to index
        %get3A_490 = arith.constant 32 : index
        %get3A_491 = tpu.vector_load %arg10[%get3A_489, %get3A_490] {strides = array<i32>} : memref<80x128xf32, #tpu.memory_space<vmem>>, vector<16xf32>,
        %mul3A_492 = vector.broadcast %squeeze3A_472 : f32 to vector<16xf32>
        %mul3A_493 = arith.mulf %get3A_491, %mul3A_492 : vector<16xf32>
        %swap3A_494 = arith.index_cast %add3A_470 : i32 to index
        %swap3A_495 = arith.constant 32 : index
        %swap3A_496 = tpu.vector_load %arg11[%swap3A_494, %swap3A_495] {strides = array<i32>} : memref<80x128xf32, #tpu.memory_space<vmem>>, vector<16xf32>,
        tpu.vector_store %arg11[%swap3A_494, %swap3A_495], %mul3A_493 {strides = array<i32>} : memref<80x128xf32, #tpu.memory_space<vmem>>, vector<16xf32>,
        %get3A_497 = arith.index_cast %add3A_470 : i32 to index
        %get3A_498 = arith.constant 48 : index
        %get3A_499 = tpu.vector_load %arg10[%get3A_497, %get3A_498] {strides = array<i32>} : memref<80x128xf32, #tpu.memory_space<vmem>>, vector<16xf32>,
        %mul3A_500 = vector.broadcast %squeeze3A_472 : f32 to vector<16xf32>
        %mul3A_501 = arith.mulf %get3A_499, %mul3A_500 : vector<16xf32>
        %swap3A_502 = arith.index_cast %add3A_470 : i32 to index
        %swap3A_503 = arith.constant 48 : index
        %swap3A_504 = tpu.vector_load %arg11[%swap3A_502, %swap3A_503] {strides = array<i32>} : memref<80x128xf32, #tpu.memory_space<vmem>>, vector<16xf32>,
        tpu.vector_store %arg11[%swap3A_502, %swap3A_503], %mul3A_501 {strides = array<i32>} : memref<80x128xf32, #tpu.memory_space<vmem>>, vector<16xf32>,
        %get3A_505 = arith.index_cast %add3A_470 : i32 to index
        %get3A_506 = arith.constant 64 : index
        %get3A_507 = tpu.vector_load %arg10[%get3A_505, %get3A_506] {strides = array<i32>} : memref<80x128xf32, #tpu.memory_space<vmem>>, vector<16xf32>,
        %mul3A_508 = vector.broadcast %squeeze3A_472 : f32 to vector<16xf32>
        %mul3A_509 = arith.mulf %get3A_507, %mul3A_508 : vector<16xf32>
        %swap3A_510 = arith.index_cast %add3A_470 : i32 to index
        %swap3A_511 = arith.constant 64 : index
        %swap3A_512 = tpu.vector_load %arg11[%swap3A_510, %swap3A_511] {strides = array<i32>} : memref<80x128xf32, #tpu.memory_space<vmem>>, vector<16xf32>,
        tpu.vector_store %arg11[%swap3A_510, %swap3A_511], %mul3A_509 {strides = array<i32>} : memref<80x128xf32, #tpu.memory_space<vmem>>, vector<16xf32>,
        %get3A_513 = arith.index_cast %add3A_470 : i32 to index
        %get3A_514 = arith.constant 80 : index
        %get3A_515 = tpu.vector_load %arg10[%get3A_513, %get3A_514] {strides = array<i32>} : memref<80x128xf32, #tpu.memory_space<vmem>>, vector<16xf32>,
        %mul3A_516 = vector.broadcast %squeeze3A_472 : f32 to vector<16xf32>
        %mul3A_517 = arith.mulf %get3A_515, %mul3A_516 : vector<16xf32>
        %swap3A_518 = arith.index_cast %add3A_470 : i32 to index
        %swap3A_519 = arith.constant 80 : index
        %swap3A_520 = tpu.vector_load %arg11[%swap3A_518, %swap3A_519] {strides = array<i32>} : memref<80x128xf32, #tpu.memory_space<vmem>>, vector<16xf32>,
        tpu.vector_store %arg11[%swap3A_518, %swap3A_519], %mul3A_517 {strides = array<i32>} : memref<80x128xf32, #tpu.memory_space<vmem>>, vector<16xf32>,
        %get3A_521 = arith.index_cast %add3A_470 : i32 to index
        %get3A_522 = arith.constant 96 : index
        %get3A_523 = tpu.vector_load %arg10[%get3A_521, %get3A_522] {strides = array<i32>} : memref<80x128xf32, #tpu.memory_space<vmem>>, vector<16xf32>,
        %mul3A_524 = vector.broadcast %squeeze3A_472 : f32 to vector<16xf32>
        %mul3A_525 = arith.mulf %get3A_523, %mul3A_524 : vector<16xf32>
        %swap3A_526 = arith.index_cast %add3A_470 : i32 to index
        %swap3A_527 = arith.constant 96 : index
        %swap3A_528 = tpu.vector_load %arg11[%swap3A_526, %swap3A_527] {strides = array<i32>} : memref<80x128xf32, #tpu.memory_space<vmem>>, vector<16xf32>,
        tpu.vector_store %arg11[%swap3A_526, %swap3A_527], %mul3A_525 {strides = array<i32>} : memref<80x128xf32, #tpu.memory_space<vmem>>, vector<16xf32>,
        %get3A_529 = arith.index_cast %add3A_470 : i32 to index
        %get3A_530 = arith.constant 112 : index
        %get3A_531 = tpu.vector_load %arg10[%get3A_529, %get3A_530] {strides = array<i32>} : memref<80x128xf32, #tpu.memory_space<vmem>>, vector<16xf32>,
        %mul3A_532 = vector.broadcast %squeeze3A_472 : f32 to vector<16xf32>
        %mul3A_533 = arith.mulf %get3A_531, %mul3A_532 : vector<16xf32>
        %swap3A_534 = arith.index_cast %add3A_470 : i32 to index
        %swap3A_535 = arith.constant 112 : index
        %swap3A_536 = tpu.vector_load %arg11[%swap3A_534, %swap3A_535] {strides = array<i32>} : memref<80x128xf32, #tpu.memory_space<vmem>>, vector<16xf32>,
        tpu.vector_store %arg11[%swap3A_534, %swap3A_535], %mul3A_533 {strides = array<i32>} : memref<80x128xf32, #tpu.memory_space<vmem>>, vector<16xf32>,
        %add3A_537 = arith.constant 7 : i32
        %add3A_538 = arith.addi %mul3A_63, %add3A_537 : i32
        %slice3A_539 = vector.extract_strided_slice %get3A_61 {offsets = [7], sizes = [1], strides = [1]} : vector<16xf32> to vector<1xf32>
        %squeeze3A_540 = vector.extract %slice3A_539[0] : f32 from vector<1xf32>
        %get3A_541 = arith.index_cast %add3A_538 : i32 to index
        %get3A_542 = arith.constant 0 : index
        %get3A_543 = tpu.vector_load %arg10[%get3A_541, %get3A_542] {strides = array<i32>} : memref<80x128xf32, #tpu.memory_space<vmem>>, vector<16xf32>,
        %mul3A_544 = vector.broadcast %squeeze3A_540 : f32 to vector<16xf32>
        %mul3A_545 = arith.mulf %get3A_543, %mul3A_544 : vector<16xf32>
        %swap3A_546 = arith.index_cast %add3A_538 : i32 to index
        %swap3A_547 = arith.constant 0 : index
        %swap3A_548 = tpu.vector_load %arg11[%swap3A_546, %swap3A_547] {strides = array<i32>} : memref<80x128xf32, #tpu.memory_space<vmem>>, vector<16xf32>,
        tpu.vector_store %arg11[%swap3A_546, %swap3A_547], %mul3A_545 {strides = array<i32>} : memref<80x128xf32, #tpu.memory_space<vmem>>, vector<16xf32>,
        %get3A_549 = arith.index_cast %add3A_538 : i32 to index
        %get3A_550 = arith.constant 16 : index
        %get3A_551 = tpu.vector_load %arg10[%get3A_549, %get3A_550] {strides = array<i32>} : memref<80x128xf32, #tpu.memory_space<vmem>>, vector<16xf32>,
        %mul3A_552 = vector.broadcast %squeeze3A_540 : f32 to vector<16xf32>
        %mul3A_553 = arith.mulf %get3A_551, %mul3A_552 : vector<16xf32>
        %swap3A_554 = arith.index_cast %add3A_538 : i32 to index
        %swap3A_555 = arith.constant 16 : index
        %swap3A_556 = tpu.vector_load %arg11[%swap3A_554, %swap3A_555] {strides = array<i32>} : memref<80x128xf32, #tpu.memory_space<vmem>>, vector<16xf32>,
        tpu.vector_store %arg11[%swap3A_554, %swap3A_555], %mul3A_553 {strides = array<i32>} : memref<80x128xf32, #tpu.memory_space<vmem>>, vector<16xf32>,
        %get3A_557 = arith.index_cast %add3A_538 : i32 to index
        %get3A_558 = arith.constant 32 : index
        %get3A_559 = tpu.vector_load %arg10[%get3A_557, %get3A_558] {strides = array<i32>} : memref<80x128xf32, #tpu.memory_space<vmem>>, vector<16xf32>,
        %mul3A_560 = vector.broadcast %squeeze3A_540 : f32 to vector<16xf32>
        %mul3A_561 = arith.mulf %get3A_559, %mul3A_560 : vector<16xf32>
        %swap3A_562 = arith.index_cast %add3A_538 : i32 to index
        %swap3A_563 = arith.constant 32 : index
        %swap3A_564 = tpu.vector_load %arg11[%swap3A_562, %swap3A_563] {strides = array<i32>} : memref<80x128xf32, #tpu.memory_space<vmem>>, vector<16xf32>,
        tpu.vector_store %arg11[%swap3A_562, %swap3A_563], %mul3A_561 {strides = array<i32>} : memref<80x128xf32, #tpu.memory_space<vmem>>, vector<16xf32>,
        %get3A_565 = arith.index_cast %add3A_538 : i32 to index
        %get3A_566 = arith.constant 48 : index
        %get3A_567 = tpu.vector_load %arg10[%get3A_565, %get3A_566] {strides = array<i32>} : memref<80x128xf32, #tpu.memory_space<vmem>>, vector<16xf32>,
        %mul3A_568 = vector.broadcast %squeeze3A_540 : f32 to vector<16xf32>
        %mul3A_569 = arith.mulf %get3A_567, %mul3A_568 : vector<16xf32>
        %swap3A_570 = arith.index_cast %add3A_538 : i32 to index
        %swap3A_571 = arith.constant 48 : index
        %swap3A_572 = tpu.vector_load %arg11[%swap3A_570, %swap3A_571] {strides = array<i32>} : memref<80x128xf32, #tpu.memory_space<vmem>>, vector<16xf32>,
        tpu.vector_store %arg11[%swap3A_570, %swap3A_571], %mul3A_569 {strides = array<i32>} : memref<80x128xf32, #tpu.memory_space<vmem>>, vector<16xf32>,
        %get3A_573 = arith.index_cast %add3A_538 : i32 to index
        %get3A_574 = arith.constant 64 : index
        %get3A_575 = tpu.vector_load %arg10[%get3A_573, %get3A_574] {strides = array<i32>} : memref<80x128xf32, #tpu.memory_space<vmem>>, vector<16xf32>,
        %mul3A_576 = vector.broadcast %squeeze3A_540 : f32 to vector<16xf32>
        %mul3A_577 = arith.mulf %get3A_575, %mul3A_576 : vector<16xf32>
        %swap3A_578 = arith.index_cast %add3A_538 : i32 to index
        %swap3A_579 = arith.constant 64 : index
        %swap3A_580 = tpu.vector_load %arg11[%swap3A_578, %swap3A_579] {strides = array<i32>} : memref<80x128xf32, #tpu.memory_space<vmem>>, vector<16xf32>,
        tpu.vector_store %arg11[%swap3A_578, %swap3A_579], %mul3A_577 {strides = array<i32>} : memref<80x128xf32, #tpu.memory_space<vmem>>, vector<16xf32>,
        %get3A_581 = arith.index_cast %add3A_538 : i32 to index
        %get3A_582 = arith.constant 80 : index
        %get3A_583 = tpu.vector_load %arg10[%get3A_581, %get3A_582] {strides = array<i32>} : memref<80x128xf32, #tpu.memory_space<vmem>>, vector<16xf32>,
        %mul3A_584 = vector.broadcast %squeeze3A_540 : f32 to vector<16xf32>
        %mul3A_585 = arith.mulf %get3A_583, %mul3A_584 : vector<16xf32>
        %swap3A_586 = arith.index_cast %add3A_538 : i32 to index
        %swap3A_587 = arith.constant 80 : index
        %swap3A_588 = tpu.vector_load %arg11[%swap3A_586, %swap3A_587] {strides = array<i32>} : memref<80x128xf32, #tpu.memory_space<vmem>>, vector<16xf32>,
        tpu.vector_store %arg11[%swap3A_586, %swap3A_587], %mul3A_585 {strides = array<i32>} : memref<80x128xf32, #tpu.memory_space<vmem>>, vector<16xf32>,
        %get3A_589 = arith.index_cast %add3A_538 : i32 to index
        %get3A_590 = arith.constant 96 : index
        %get3A_591 = tpu.vector_load %arg10[%get3A_589, %get3A_590] {strides = array<i32>} : memref<80x128xf32, #tpu.memory_space<vmem>>, vector<16xf32>,
        %mul3A_592 = vector.broadcast %squeeze3A_540 : f32 to vector<16xf32>
        %mul3A_593 = arith.mulf %get3A_591, %mul3A_592 : vector<16xf32>
        %swap3A_594 = arith.index_cast %add3A_538 : i32 to index
        %swap3A_595 = arith.constant 96 : index
        %swap3A_596 = tpu.vector_load %arg11[%swap3A_594, %swap3A_595] {strides = array<i32>} : memref<80x128xf32, #tpu.memory_space<vmem>>, vector<16xf32>,
        tpu.vector_store %arg11[%swap3A_594, %swap3A_595], %mul3A_593 {strides = array<i32>} : memref<80x128xf32, #tpu.memory_space<vmem>>, vector<16xf32>,
        %get3A_597 = arith.index_cast %add3A_538 : i32 to index
        %get3A_598 = arith.constant 112 : index
        %get3A_599 = tpu.vector_load %arg10[%get3A_597, %get3A_598] {strides = array<i32>} : memref<80x128xf32, #tpu.memory_space<vmem>>, vector<16xf32>,
        %mul3A_600 = vector.broadcast %squeeze3A_540 : f32 to vector<16xf32>
        %mul3A_601 = arith.mulf %get3A_599, %mul3A_600 : vector<16xf32>
        %swap3A_602 = arith.index_cast %add3A_538 : i32 to index
        %swap3A_603 = arith.constant 112 : index
        %swap3A_604 = tpu.vector_load %arg11[%swap3A_602, %swap3A_603] {strides = array<i32>} : memref<80x128xf32, #tpu.memory_space<vmem>>, vector<16xf32>,
        tpu.vector_store %arg11[%swap3A_602, %swap3A_603], %mul3A_601 {strides = array<i32>} : memref<80x128xf32, #tpu.memory_space<vmem>>, vector<16xf32>,
        %add3A_605 = arith.constant 8 : i32
        %add3A_606 = arith.addi %mul3A_63, %add3A_605 : i32
        %slice3A_607 = vector.extract_strided_slice %get3A_61 {offsets = [8], sizes = [1], strides = [1]} : vector<16xf32> to vector<1xf32>
        %squeeze3A_608 = vector.extract %slice3A_607[0] : f32 from vector<1xf32>
        %get3A_609 = arith.index_cast %add3A_606 : i32 to index
        %get3A_610 = arith.constant 0 : index
        %get3A_611 = tpu.vector_load %arg10[%get3A_609, %get3A_610] {strides = array<i32>} : memref<80x128xf32, #tpu.memory_space<vmem>>, vector<16xf32>,
        %mul3A_612 = vector.broadcast %squeeze3A_608 : f32 to vector<16xf32>
        %mul3A_613 = arith.mulf %get3A_611, %mul3A_612 : vector<16xf32>
        %swap3A_614 = arith.index_cast %add3A_606 : i32 to index
        %swap3A_615 = arith.constant 0 : index
        %swap3A_616 = tpu.vector_load %arg11[%swap3A_614, %swap3A_615] {strides = array<i32>} : memref<80x128xf32, #tpu.memory_space<vmem>>, vector<16xf32>,
        tpu.vector_store %arg11[%swap3A_614, %swap3A_615], %mul3A_613 {strides = array<i32>} : memref<80x128xf32, #tpu.memory_space<vmem>>, vector<16xf32>,
        %get3A_617 = arith.index_cast %add3A_606 : i32 to index
        %get3A_618 = arith.constant 16 : index
        %get3A_619 = tpu.vector_load %arg10[%get3A_617, %get3A_618] {strides = array<i32>} : memref<80x128xf32, #tpu.memory_space<vmem>>, vector<16xf32>,
        %mul3A_620 = vector.broadcast %squeeze3A_608 : f32 to vector<16xf32>
        %mul3A_621 = arith.mulf %get3A_619, %mul3A_620 : vector<16xf32>
        %swap3A_622 = arith.index_cast %add3A_606 : i32 to index
        %swap3A_623 = arith.constant 16 : index
        %swap3A_624 = tpu.vector_load %arg11[%swap3A_622, %swap3A_623] {strides = array<i32>} : memref<80x128xf32, #tpu.memory_space<vmem>>, vector<16xf32>,
        tpu.vector_store %arg11[%swap3A_622, %swap3A_623], %mul3A_621 {strides = array<i32>} : memref<80x128xf32, #tpu.memory_space<vmem>>, vector<16xf32>,
        %get3A_625 = arith.index_cast %add3A_606 : i32 to index
        %get3A_626 = arith.constant 32 : index
        %get3A_627 = tpu.vector_load %arg10[%get3A_625, %get3A_626] {strides = array<i32>} : memref<80x128xf32, #tpu.memory_space<vmem>>, vector<16xf32>,
        %mul3A_628 = vector.broadcast %squeeze3A_608 : f32 to vector<16xf32>
        %mul3A_629 = arith.mulf %get3A_627, %mul3A_628 : vector<16xf32>
        %swap3A_630 = arith.index_cast %add3A_606 : i32 to index
        %swap3A_631 = arith.constant 32 : index
        %swap3A_632 = tpu.vector_load %arg11[%swap3A_630, %swap3A_631] {strides = array<i32>} : memref<80x128xf32, #tpu.memory_space<vmem>>, vector<16xf32>,
        tpu.vector_store %arg11[%swap3A_630, %swap3A_631], %mul3A_629 {strides = array<i32>} : memref<80x128xf32, #tpu.memory_space<vmem>>, vector<16xf32>,
        %get3A_633 = arith.index_cast %add3A_606 : i32 to index
        %get3A_634 = arith.constant 48 : index
        %get3A_635 = tpu.vector_load %arg10[%get3A_633, %get3A_634] {strides = array<i32>} : memref<80x128xf32, #tpu.memory_space<vmem>>, vector<16xf32>,
        %mul3A_636 = vector.broadcast %squeeze3A_608 : f32 to vector<16xf32>
        %mul3A_637 = arith.mulf %get3A_635, %mul3A_636 : vector<16xf32>
        %swap3A_638 = arith.index_cast %add3A_606 : i32 to index
        %swap3A_639 = arith.constant 48 : index
        %swap3A_640 = tpu.vector_load %arg11[%swap3A_638, %swap3A_639] {strides = array<i32>} : memref<80x128xf32, #tpu.memory_space<vmem>>, vector<16xf32>,
        tpu.vector_store %arg11[%swap3A_638, %swap3A_639], %mul3A_637 {strides = array<i32>} : memref<80x128xf32, #tpu.memory_space<vmem>>, vector<16xf32>,
        %get3A_641 = arith.index_cast %add3A_606 : i32 to index
        %get3A_642 = arith.constant 64 : index
        %get3A_643 = tpu.vector_load %arg10[%get3A_641, %get3A_642] {strides = array<i32>} : memref<80x128xf32, #tpu.memory_space<vmem>>, vector<16xf32>,
        %mul3A_644 = vector.broadcast %squeeze3A_608 : f32 to vector<16xf32>
        %mul3A_645 = arith.mulf %get3A_643, %mul3A_644 : vector<16xf32>
        %swap3A_646 = arith.index_cast %add3A_606 : i32 to index
        %swap3A_647 = arith.constant 64 : index
        %swap3A_648 = tpu.vector_load %arg11[%swap3A_646, %swap3A_647] {strides = array<i32>} : memref<80x128xf32, #tpu.memory_space<vmem>>, vector<16xf32>,
        tpu.vector_store %arg11[%swap3A_646, %swap3A_647], %mul3A_645 {strides = array<i32>} : memref<80x128xf32, #tpu.memory_space<vmem>>, vector<16xf32>,
        %get3A_649 = arith.index_cast %add3A_606 : i32 to index
        %get3A_650 = arith.constant 80 : index
        %get3A_651 = tpu.vector_load %arg10[%get3A_649, %get3A_650] {strides = array<i32>} : memref<80x128xf32, #tpu.memory_space<vmem>>, vector<16xf32>,
        %mul3A_652 = vector.broadcast %squeeze3A_608 : f32 to vector<16xf32>
        %mul3A_653 = arith.mulf %get3A_651, %mul3A_652 : vector<16xf32>
        %swap3A_654 = arith.index_cast %add3A_606 : i32 to index
        %swap3A_655 = arith.constant 80 : index
        %swap3A_656 = tpu.vector_load %arg11[%swap3A_654, %swap3A_655] {strides = array<i32>} : memref<80x128xf32, #tpu.memory_space<vmem>>, vector<16xf32>,
        tpu.vector_store %arg11[%swap3A_654, %swap3A_655], %mul3A_653 {strides = array<i32>} : memref<80x128xf32, #tpu.memory_space<vmem>>, vector<16xf32>,
        %get3A_657 = arith.index_cast %add3A_606 : i32 to index
        %get3A_658 = arith.constant 96 : index
        %get3A_659 = tpu.vector_load %arg10[%get3A_657, %get3A_658] {strides = array<i32>} : memref<80x128xf32, #tpu.memory_space<vmem>>, vector<16xf32>,
        %mul3A_660 = vector.broadcast %squeeze3A_608 : f32 to vector<16xf32>
        %mul3A_661 = arith.mulf %get3A_659, %mul3A_660 : vector<16xf32>
        %swap3A_662 = arith.index_cast %add3A_606 : i32 to index
        %swap3A_663 = arith.constant 96 : index
        %swap3A_664 = tpu.vector_load %arg11[%swap3A_662, %swap3A_663] {strides = array<i32>} : memref<80x128xf32, #tpu.memory_space<vmem>>, vector<16xf32>,
        tpu.vector_store %arg11[%swap3A_662, %swap3A_663], %mul3A_661 {strides = array<i32>} : memref<80x128xf32, #tpu.memory_space<vmem>>, vector<16xf32>,
        %get3A_665 = arith.index_cast %add3A_606 : i32 to index
        %get3A_666 = arith.constant 112 : index
        %get3A_667 = tpu.vector_load %arg10[%get3A_665, %get3A_666] {strides = array<i32>} : memref<80x128xf32, #tpu.memory_space<vmem>>, vector<16xf32>,
        %mul3A_668 = vector.broadcast %squeeze3A_608 : f32 to vector<16xf32>
        %mul3A_669 = arith.mulf %get3A_667, %mul3A_668 : vector<16xf32>
        %swap3A_670 = arith.index_cast %add3A_606 : i32 to index
        %swap3A_671 = arith.constant 112 : index
        %swap3A_672 = tpu.vector_load %arg11[%swap3A_670, %swap3A_671] {strides = array<i32>} : memref<80x128xf32, #tpu.memory_space<vmem>>, vector<16xf32>,
        tpu.vector_store %arg11[%swap3A_670, %swap3A_671], %mul3A_669 {strides = array<i32>} : memref<80x128xf32, #tpu.memory_space<vmem>>, vector<16xf32>,
        %add3A_673 = arith.constant 9 : i32
        %add3A_674 = arith.addi %mul3A_63, %add3A_673 : i32
        %slice3A_675 = vector.extract_strided_slice %get3A_61 {offsets = [9], sizes = [1], strides = [1]} : vector<16xf32> to vector<1xf32>
        %squeeze3A_676 = vector.extract %slice3A_675[0] : f32 from vector<1xf32>
        %get3A_677 = arith.index_cast %add3A_674 : i32 to index
        %get3A_678 = arith.constant 0 : index
        %get3A_679 = tpu.vector_load %arg10[%get3A_677, %get3A_678] {strides = array<i32>} : memref<80x128xf32, #tpu.memory_space<vmem>>, vector<16xf32>,
        %mul3A_680 = vector.broadcast %squeeze3A_676 : f32 to vector<16xf32>
        %mul3A_681 = arith.mulf %get3A_679, %mul3A_680 : vector<16xf32>
        %swap3A_682 = arith.index_cast %add3A_674 : i32 to index
        %swap3A_683 = arith.constant 0 : index
        %swap3A_684 = tpu.vector_load %arg11[%swap3A_682, %swap3A_683] {strides = array<i32>} : memref<80x128xf32, #tpu.memory_space<vmem>>, vector<16xf32>,
        tpu.vector_store %arg11[%swap3A_682, %swap3A_683], %mul3A_681 {strides = array<i32>} : memref<80x128xf32, #tpu.memory_space<vmem>>, vector<16xf32>,
        %get3A_685 = arith.index_cast %add3A_674 : i32 to index
        %get3A_686 = arith.constant 16 : index
        %get3A_687 = tpu.vector_load %arg10[%get3A_685, %get3A_686] {strides = array<i32>} : memref<80x128xf32, #tpu.memory_space<vmem>>, vector<16xf32>,
        %mul3A_688 = vector.broadcast %squeeze3A_676 : f32 to vector<16xf32>
        %mul3A_689 = arith.mulf %get3A_687, %mul3A_688 : vector<16xf32>
        %swap3A_690 = arith.index_cast %add3A_674 : i32 to index
        %swap3A_691 = arith.constant 16 : index
        %swap3A_692 = tpu.vector_load %arg11[%swap3A_690, %swap3A_691] {strides = array<i32>} : memref<80x128xf32, #tpu.memory_space<vmem>>, vector<16xf32>,
        tpu.vector_store %arg11[%swap3A_690, %swap3A_691], %mul3A_689 {strides = array<i32>} : memref<80x128xf32, #tpu.memory_space<vmem>>, vector<16xf32>,
        %get3A_693 = arith.index_cast %add3A_674 : i32 to index
        %get3A_694 = arith.constant 32 : index
        %get3A_695 = tpu.vector_load %arg10[%get3A_693, %get3A_694] {strides = array<i32>} : memref<80x128xf32, #tpu.memory_space<vmem>>, vector<16xf32>,
        %mul3A_696 = vector.broadcast %squeeze3A_676 : f32 to vector<16xf32>
        %mul3A_697 = arith.mulf %get3A_695, %mul3A_696 : vector<16xf32>
        %swap3A_698 = arith.index_cast %add3A_674 : i32 to index
        %swap3A_699 = arith.constant 32 : index
        %swap3A_700 = tpu.vector_load %arg11[%swap3A_698, %swap3A_699] {strides = array<i32>} : memref<80x128xf32, #tpu.memory_space<vmem>>, vector<16xf32>,
        tpu.vector_store %arg11[%swap3A_698, %swap3A_699], %mul3A_697 {strides = array<i32>} : memref<80x128xf32, #tpu.memory_space<vmem>>, vector<16xf32>,
        %get3A_701 = arith.index_cast %add3A_674 : i32 to index
        %get3A_702 = arith.constant 48 : index
        %get3A_703 = tpu.vector_load %arg10[%get3A_701, %get3A_702] {strides = array<i32>} : memref<80x128xf32, #tpu.memory_space<vmem>>, vector<16xf32>,
        %mul3A_704 = vector.broadcast %squeeze3A_676 : f32 to vector<16xf32>
        %mul3A_705 = arith.mulf %get3A_703, %mul3A_704 : vector<16xf32>
        %swap3A_706 = arith.index_cast %add3A_674 : i32 to index
        %swap3A_707 = arith.constant 48 : index
        %swap3A_708 = tpu.vector_load %arg11[%swap3A_706, %swap3A_707] {strides = array<i32>} : memref<80x128xf32, #tpu.memory_space<vmem>>, vector<16xf32>,
        tpu.vector_store %arg11[%swap3A_706, %swap3A_707], %mul3A_705 {strides = array<i32>} : memref<80x128xf32, #tpu.memory_space<vmem>>, vector<16xf32>,
        %get3A_709 = arith.index_cast %add3A_674 : i32 to index
        %get3A_710 = arith.constant 64 : index
        %get3A_711 = tpu.vector_load %arg10[%get3A_709, %get3A_710] {strides = array<i32>} : memref<80x128xf32, #tpu.memory_space<vmem>>, vector<16xf32>,
        %mul3A_712 = vector.broadcast %squeeze3A_676 : f32 to vector<16xf32>
        %mul3A_713 = arith.mulf %get3A_711, %mul3A_712 : vector<16xf32>
        %swap3A_714 = arith.index_cast %add3A_674 : i32 to index
        %swap3A_715 = arith.constant 64 : index
        %swap3A_716 = tpu.vector_load %arg11[%swap3A_714, %swap3A_715] {strides = array<i32>} : memref<80x128xf32, #tpu.memory_space<vmem>>, vector<16xf32>,
        tpu.vector_store %arg11[%swap3A_714, %swap3A_715], %mul3A_713 {strides = array<i32>} : memref<80x128xf32, #tpu.memory_space<vmem>>, vector<16xf32>,
        %get3A_717 = arith.index_cast %add3A_674 : i32 to index
        %get3A_718 = arith.constant 80 : index
        %get3A_719 = tpu.vector_load %arg10[%get3A_717, %get3A_718] {strides = array<i32>} : memref<80x128xf32, #tpu.memory_space<vmem>>, vector<16xf32>,
        %mul3A_720 = vector.broadcast %squeeze3A_676 : f32 to vector<16xf32>
        %mul3A_721 = arith.mulf %get3A_719, %mul3A_720 : vector<16xf32>
        %swap3A_722 = arith.index_cast %add3A_674 : i32 to index
        %swap3A_723 = arith.constant 80 : index
        %swap3A_724 = tpu.vector_load %arg11[%swap3A_722, %swap3A_723] {strides = array<i32>} : memref<80x128xf32, #tpu.memory_space<vmem>>, vector<16xf32>,
        tpu.vector_store %arg11[%swap3A_722, %swap3A_723], %mul3A_721 {strides = array<i32>} : memref<80x128xf32, #tpu.memory_space<vmem>>, vector<16xf32>,
        %get3A_725 = arith.index_cast %add3A_674 : i32 to index
        %get3A_726 = arith.constant 96 : index
        %get3A_727 = tpu.vector_load %arg10[%get3A_725, %get3A_726] {strides = array<i32>} : memref<80x128xf32, #tpu.memory_space<vmem>>, vector<16xf32>,
        %mul3A_728 = vector.broadcast %squeeze3A_676 : f32 to vector<16xf32>
        %mul3A_729 = arith.mulf %get3A_727, %mul3A_728 : vector<16xf32>
        %swap3A_730 = arith.index_cast %add3A_674 : i32 to index
        %swap3A_731 = arith.constant 96 : index
        %swap3A_732 = tpu.vector_load %arg11[%swap3A_730, %swap3A_731] {strides = array<i32>} : memref<80x128xf32, #tpu.memory_space<vmem>>, vector<16xf32>,
        tpu.vector_store %arg11[%swap3A_730, %swap3A_731], %mul3A_729 {strides = array<i32>} : memref<80x128xf32, #tpu.memory_space<vmem>>, vector<16xf32>,
        %get3A_733 = arith.index_cast %add3A_674 : i32 to index
        %get3A_734 = arith.constant 112 : index
        %get3A_735 = tpu.vector_load %arg10[%get3A_733, %get3A_734] {strides = array<i32>} : memref<80x128xf32, #tpu.memory_space<vmem>>, vector<16xf32>,
        %mul3A_736 = vector.broadcast %squeeze3A_676 : f32 to vector<16xf32>
        %mul3A_737 = arith.mulf %get3A_735, %mul3A_736 : vector<16xf32>
        %swap3A_738 = arith.index_cast %add3A_674 : i32 to index
        %swap3A_739 = arith.constant 112 : index
        %swap3A_740 = tpu.vector_load %arg11[%swap3A_738, %swap3A_739] {strides = array<i32>} : memref<80x128xf32, #tpu.memory_space<vmem>>, vector<16xf32>,
        tpu.vector_store %arg11[%swap3A_738, %swap3A_739], %mul3A_737 {strides = array<i32>} : memref<80x128xf32, #tpu.memory_space<vmem>>, vector<16xf32>,
        %add3A_741 = arith.constant 10 : i32
        %add3A_742 = arith.addi %mul3A_63, %add3A_741 : i32
        %slice3A_743 = vector.extract_strided_slice %get3A_61 {offsets = [10], sizes = [1], strides = [1]} : vector<16xf32> to vector<1xf32>
        %squeeze3A_744 = vector.extract %slice3A_743[0] : f32 from vector<1xf32>
        %get3A_745 = arith.index_cast %add3A_742 : i32 to index
        %get3A_746 = arith.constant 0 : index
        %get3A_747 = tpu.vector_load %arg10[%get3A_745, %get3A_746] {strides = array<i32>} : memref<80x128xf32, #tpu.memory_space<vmem>>, vector<16xf32>,
        %mul3A_748 = vector.broadcast %squeeze3A_744 : f32 to vector<16xf32>
        %mul3A_749 = arith.mulf %get3A_747, %mul3A_748 : vector<16xf32>
        %swap3A_750 = arith.index_cast %add3A_742 : i32 to index
        %swap3A_751 = arith.constant 0 : index
        %swap3A_752 = tpu.vector_load %arg11[%swap3A_750, %swap3A_751] {strides = array<i32>} : memref<80x128xf32, #tpu.memory_space<vmem>>, vector<16xf32>,
        tpu.vector_store %arg11[%swap3A_750, %swap3A_751], %mul3A_749 {strides = array<i32>} : memref<80x128xf32, #tpu.memory_space<vmem>>, vector<16xf32>,
        %get3A_753 = arith.index_cast %add3A_742 : i32 to index
        %get3A_754 = arith.constant 16 : index
        %get3A_755 = tpu.vector_load %arg10[%get3A_753, %get3A_754] {strides = array<i32>} : memref<80x128xf32, #tpu.memory_space<vmem>>, vector<16xf32>,
        %mul3A_756 = vector.broadcast %squeeze3A_744 : f32 to vector<16xf32>
        %mul3A_757 = arith.mulf %get3A_755, %mul3A_756 : vector<16xf32>
        %swap3A_758 = arith.index_cast %add3A_742 : i32 to index
        %swap3A_759 = arith.constant 16 : index
        %swap3A_760 = tpu.vector_load %arg11[%swap3A_758, %swap3A_759] {strides = array<i32>} : memref<80x128xf32, #tpu.memory_space<vmem>>, vector<16xf32>,
        tpu.vector_store %arg11[%swap3A_758, %swap3A_759], %mul3A_757 {strides = array<i32>} : memref<80x128xf32, #tpu.memory_space<vmem>>, vector<16xf32>,
        %get3A_761 = arith.index_cast %add3A_742 : i32 to index
        %get3A_762 = arith.constant 32 : index
        %get3A_763 = tpu.vector_load %arg10[%get3A_761, %get3A_762] {strides = array<i32>} : memref<80x128xf32, #tpu.memory_space<vmem>>, vector<16xf32>,
        %mul3A_764 = vector.broadcast %squeeze3A_744 : f32 to vector<16xf32>
        %mul3A_765 = arith.mulf %get3A_763, %mul3A_764 : vector<16xf32>
        %swap3A_766 = arith.index_cast %add3A_742 : i32 to index
        %swap3A_767 = arith.constant 32 : index
        %swap3A_768 = tpu.vector_load %arg11[%swap3A_766, %swap3A_767] {strides = array<i32>} : memref<80x128xf32, #tpu.memory_space<vmem>>, vector<16xf32>,
        tpu.vector_store %arg11[%swap3A_766, %swap3A_767], %mul3A_765 {strides = array<i32>} : memref<80x128xf32, #tpu.memory_space<vmem>>, vector<16xf32>,
        %get3A_769 = arith.index_cast %add3A_742 : i32 to index
        %get3A_770 = arith.constant 48 : index
        %get3A_771 = tpu.vector_load %arg10[%get3A_769, %get3A_770] {strides = array<i32>} : memref<80x128xf32, #tpu.memory_space<vmem>>, vector<16xf32>,
        %mul3A_772 = vector.broadcast %squeeze3A_744 : f32 to vector<16xf32>
        %mul3A_773 = arith.mulf %get3A_771, %mul3A_772 : vector<16xf32>
        %swap3A_774 = arith.index_cast %add3A_742 : i32 to index
        %swap3A_775 = arith.constant 48 : index
        %swap3A_776 = tpu.vector_load %arg11[%swap3A_774, %swap3A_775] {strides = array<i32>} : memref<80x128xf32, #tpu.memory_space<vmem>>, vector<16xf32>,
        tpu.vector_store %arg11[%swap3A_774, %swap3A_775], %mul3A_773 {strides = array<i32>} : memref<80x128xf32, #tpu.memory_space<vmem>>, vector<16xf32>,
        %get3A_777 = arith.index_cast %add3A_742 : i32 to index
        %get3A_778 = arith.constant 64 : index
        %get3A_779 = tpu.vector_load %arg10[%get3A_777, %get3A_778] {strides = array<i32>} : memref<80x128xf32, #tpu.memory_space<vmem>>, vector<16xf32>,
        %mul3A_780 = vector.broadcast %squeeze3A_744 : f32 to vector<16xf32>
        %mul3A_781 = arith.mulf %get3A_779, %mul3A_780 : vector<16xf32>
        %swap3A_782 = arith.index_cast %add3A_742 : i32 to index
        %swap3A_783 = arith.constant 64 : index
        %swap3A_784 = tpu.vector_load %arg11[%swap3A_782, %swap3A_783] {strides = array<i32>} : memref<80x128xf32, #tpu.memory_space<vmem>>, vector<16xf32>,
        tpu.vector_store %arg11[%swap3A_782, %swap3A_783], %mul3A_781 {strides = array<i32>} : memref<80x128xf32, #tpu.memory_space<vmem>>, vector<16xf32>,
        %get3A_785 = arith.index_cast %add3A_742 : i32 to index
        %get3A_786 = arith.constant 80 : index
        %get3A_787 = tpu.vector_load %arg10[%get3A_785, %get3A_786] {strides = array<i32>} : memref<80x128xf32, #tpu.memory_space<vmem>>, vector<16xf32>,
        %mul3A_788 = vector.broadcast %squeeze3A_744 : f32 to vector<16xf32>
        %mul3A_789 = arith.mulf %get3A_787, %mul3A_788 : vector<16xf32>
        %swap3A_790 = arith.index_cast %add3A_742 : i32 to index
        %swap3A_791 = arith.constant 80 : index
        %swap3A_792 = tpu.vector_load %arg11[%swap3A_790, %swap3A_791] {strides = array<i32>} : memref<80x128xf32, #tpu.memory_space<vmem>>, vector<16xf32>,
        tpu.vector_store %arg11[%swap3A_790, %swap3A_791], %mul3A_789 {strides = array<i32>} : memref<80x128xf32, #tpu.memory_space<vmem>>, vector<16xf32>,
        %get3A_793 = arith.index_cast %add3A_742 : i32 to index
        %get3A_794 = arith.constant 96 : index
        %get3A_795 = tpu.vector_load %arg10[%get3A_793, %get3A_794] {strides = array<i32>} : memref<80x128xf32, #tpu.memory_space<vmem>>, vector<16xf32>,
        %mul3A_796 = vector.broadcast %squeeze3A_744 : f32 to vector<16xf32>
        %mul3A_797 = arith.mulf %get3A_795, %mul3A_796 : vector<16xf32>
        %swap3A_798 = arith.index_cast %add3A_742 : i32 to index
        %swap3A_799 = arith.constant 96 : index
        %swap3A_800 = tpu.vector_load %arg11[%swap3A_798, %swap3A_799] {strides = array<i32>} : memref<80x128xf32, #tpu.memory_space<vmem>>, vector<16xf32>,
        tpu.vector_store %arg11[%swap3A_798, %swap3A_799], %mul3A_797 {strides = array<i32>} : memref<80x128xf32, #tpu.memory_space<vmem>>, vector<16xf32>,
        %get3A_801 = arith.index_cast %add3A_742 : i32 to index
        %get3A_802 = arith.constant 112 : index
        %get3A_803 = tpu.vector_load %arg10[%get3A_801, %get3A_802] {strides = array<i32>} : memref<80x128xf32, #tpu.memory_space<vmem>>, vector<16xf32>,
        %mul3A_804 = vector.broadcast %squeeze3A_744 : f32 to vector<16xf32>
        %mul3A_805 = arith.mulf %get3A_803, %mul3A_804 : vector<16xf32>
        %swap3A_806 = arith.index_cast %add3A_742 : i32 to index
        %swap3A_807 = arith.constant 112 : index
        %swap3A_808 = tpu.vector_load %arg11[%swap3A_806, %swap3A_807] {strides = array<i32>} : memref<80x128xf32, #tpu.memory_space<vmem>>, vector<16xf32>,
        tpu.vector_store %arg11[%swap3A_806, %swap3A_807], %mul3A_805 {strides = array<i32>} : memref<80x128xf32, #tpu.memory_space<vmem>>, vector<16xf32>,
        %add3A_809 = arith.constant 11 : i32
        %add3A_810 = arith.addi %mul3A_63, %add3A_809 : i32
        %slice3A_811 = vector.extract_strided_slice %get3A_61 {offsets = [11], sizes = [1], strides = [1]} : vector<16xf32> to vector<1xf32>
        %squeeze3A_812 = vector.extract %slice3A_811[0] : f32 from vector<1xf32>
        %get3A_813 = arith.index_cast %add3A_810 : i32 to index
        %get3A_814 = arith.constant 0 : index
        %get3A_815 = tpu.vector_load %arg10[%get3A_813, %get3A_814] {strides = array<i32>} : memref<80x128xf32, #tpu.memory_space<vmem>>, vector<16xf32>,
        %mul3A_816 = vector.broadcast %squeeze3A_812 : f32 to vector<16xf32>
        %mul3A_817 = arith.mulf %get3A_815, %mul3A_816 : vector<16xf32>
        %swap3A_818 = arith.index_cast %add3A_810 : i32 to index
        %swap3A_819 = arith.constant 0 : index
        %swap3A_820 = tpu.vector_load %arg11[%swap3A_818, %swap3A_819] {strides = array<i32>} : memref<80x128xf32, #tpu.memory_space<vmem>>, vector<16xf32>,
        tpu.vector_store %arg11[%swap3A_818, %swap3A_819], %mul3A_817 {strides = array<i32>} : memref<80x128xf32, #tpu.memory_space<vmem>>, vector<16xf32>,
        %get3A_821 = arith.index_cast %add3A_810 : i32 to index
        %get3A_822 = arith.constant 16 : index
        %get3A_823 = tpu.vector_load %arg10[%get3A_821, %get3A_822] {strides = array<i32>} : memref<80x128xf32, #tpu.memory_space<vmem>>, vector<16xf32>,
        %mul3A_824 = vector.broadcast %squeeze3A_812 : f32 to vector<16xf32>
        %mul3A_825 = arith.mulf %get3A_823, %mul3A_824 : vector<16xf32>
        %swap3A_826 = arith.index_cast %add3A_810 : i32 to index
        %swap3A_827 = arith.constant 16 : index
        %swap3A_828 = tpu.vector_load %arg11[%swap3A_826, %swap3A_827] {strides = array<i32>} : memref<80x128xf32, #tpu.memory_space<vmem>>, vector<16xf32>,
        tpu.vector_store %arg11[%swap3A_826, %swap3A_827], %mul3A_825 {strides = array<i32>} : memref<80x128xf32, #tpu.memory_space<vmem>>, vector<16xf32>,
        %get3A_829 = arith.index_cast %add3A_810 : i32 to index
        %get3A_830 = arith.constant 32 : index
        %get3A_831 = tpu.vector_load %arg10[%get3A_829, %get3A_830] {strides = array<i32>} : memref<80x128xf32, #tpu.memory_space<vmem>>, vector<16xf32>,
        %mul3A_832 = vector.broadcast %squeeze3A_812 : f32 to vector<16xf32>
        %mul3A_833 = arith.mulf %get3A_831, %mul3A_832 : vector<16xf32>
        %swap3A_834 = arith.index_cast %add3A_810 : i32 to index
        %swap3A_835 = arith.constant 32 : index
        %swap3A_836 = tpu.vector_load %arg11[%swap3A_834, %swap3A_835] {strides = array<i32>} : memref<80x128xf32, #tpu.memory_space<vmem>>, vector<16xf32>,
        tpu.vector_store %arg11[%swap3A_834, %swap3A_835], %mul3A_833 {strides = array<i32>} : memref<80x128xf32, #tpu.memory_space<vmem>>, vector<16xf32>,
        %get3A_837 = arith.index_cast %add3A_810 : i32 to index
        %get3A_838 = arith.constant 48 : index
        %get3A_839 = tpu.vector_load %arg10[%get3A_837, %get3A_838] {strides = array<i32>} : memref<80x128xf32, #tpu.memory_space<vmem>>, vector<16xf32>,
        %mul3A_840 = vector.broadcast %squeeze3A_812 : f32 to vector<16xf32>
        %mul3A_841 = arith.mulf %get3A_839, %mul3A_840 : vector<16xf32>
        %swap3A_842 = arith.index_cast %add3A_810 : i32 to index
        %swap3A_843 = arith.constant 48 : index
        %swap3A_844 = tpu.vector_load %arg11[%swap3A_842, %swap3A_843] {strides = array<i32>} : memref<80x128xf32, #tpu.memory_space<vmem>>, vector<16xf32>,
        tpu.vector_store %arg11[%swap3A_842, %swap3A_843], %mul3A_841 {strides = array<i32>} : memref<80x128xf32, #tpu.memory_space<vmem>>, vector<16xf32>,
        %get3A_845 = arith.index_cast %add3A_810 : i32 to index
        %get3A_846 = arith.constant 64 : index
        %get3A_847 = tpu.vector_load %arg10[%get3A_845, %get3A_846] {strides = array<i32>} : memref<80x128xf32, #tpu.memory_space<vmem>>, vector<16xf32>,
        %mul3A_848 = vector.broadcast %squeeze3A_812 : f32 to vector<16xf32>
        %mul3A_849 = arith.mulf %get3A_847, %mul3A_848 : vector<16xf32>
        %swap3A_850 = arith.index_cast %add3A_810 : i32 to index
        %swap3A_851 = arith.constant 64 : index
        %swap3A_852 = tpu.vector_load %arg11[%swap3A_850, %swap3A_851] {strides = array<i32>} : memref<80x128xf32, #tpu.memory_space<vmem>>, vector<16xf32>,
        tpu.vector_store %arg11[%swap3A_850, %swap3A_851], %mul3A_849 {strides = array<i32>} : memref<80x128xf32, #tpu.memory_space<vmem>>, vector<16xf32>,
        %get3A_853 = arith.index_cast %add3A_810 : i32 to index
        %get3A_854 = arith.constant 80 : index
        %get3A_855 = tpu.vector_load %arg10[%get3A_853, %get3A_854] {strides = array<i32>} : memref<80x128xf32, #tpu.memory_space<vmem>>, vector<16xf32>,
        %mul3A_856 = vector.broadcast %squeeze3A_812 : f32 to vector<16xf32>
        %mul3A_857 = arith.mulf %get3A_855, %mul3A_856 : vector<16xf32>
        %swap3A_858 = arith.index_cast %add3A_810 : i32 to index
        %swap3A_859 = arith.constant 80 : index
        %swap3A_860 = tpu.vector_load %arg11[%swap3A_858, %swap3A_859] {strides = array<i32>} : memref<80x128xf32, #tpu.memory_space<vmem>>, vector<16xf32>,
        tpu.vector_store %arg11[%swap3A_858, %swap3A_859], %mul3A_857 {strides = array<i32>} : memref<80x128xf32, #tpu.memory_space<vmem>>, vector<16xf32>,
        %get3A_861 = arith.index_cast %add3A_810 : i32 to index
        %get3A_862 = arith.constant 96 : index
        %get3A_863 = tpu.vector_load %arg10[%get3A_861, %get3A_862] {strides = array<i32>} : memref<80x128xf32, #tpu.memory_space<vmem>>, vector<16xf32>,
        %mul3A_864 = vector.broadcast %squeeze3A_812 : f32 to vector<16xf32>
        %mul3A_865 = arith.mulf %get3A_863, %mul3A_864 : vector<16xf32>
        %swap3A_866 = arith.index_cast %add3A_810 : i32 to index
        %swap3A_867 = arith.constant 96 : index
        %swap3A_868 = tpu.vector_load %arg11[%swap3A_866, %swap3A_867] {strides = array<i32>} : memref<80x128xf32, #tpu.memory_space<vmem>>, vector<16xf32>,
        tpu.vector_store %arg11[%swap3A_866, %swap3A_867], %mul3A_865 {strides = array<i32>} : memref<80x128xf32, #tpu.memory_space<vmem>>, vector<16xf32>,
        %get3A_869 = arith.index_cast %add3A_810 : i32 to index
        %get3A_870 = arith.constant 112 : index
        %get3A_871 = tpu.vector_load %arg10[%get3A_869, %get3A_870] {strides = array<i32>} : memref<80x128xf32, #tpu.memory_space<vmem>>, vector<16xf32>,
        %mul3A_872 = vector.broadcast %squeeze3A_812 : f32 to vector<16xf32>
        %mul3A_873 = arith.mulf %get3A_871, %mul3A_872 : vector<16xf32>
        %swap3A_874 = arith.index_cast %add3A_810 : i32 to index
        %swap3A_875 = arith.constant 112 : index
        %swap3A_876 = tpu.vector_load %arg11[%swap3A_874, %swap3A_875] {strides = array<i32>} : memref<80x128xf32, #tpu.memory_space<vmem>>, vector<16xf32>,
        tpu.vector_store %arg11[%swap3A_874, %swap3A_875], %mul3A_873 {strides = array<i32>} : memref<80x128xf32, #tpu.memory_space<vmem>>, vector<16xf32>,
        %add3A_877 = arith.constant 12 : i32
        %add3A_878 = arith.addi %mul3A_63, %add3A_877 : i32
        %slice3A_879 = vector.extract_strided_slice %get3A_61 {offsets = [12], sizes = [1], strides = [1]} : vector<16xf32> to vector<1xf32>
        %squeeze3A_880 = vector.extract %slice3A_879[0] : f32 from vector<1xf32>
        %get3A_881 = arith.index_cast %add3A_878 : i32 to index
        %get3A_882 = arith.constant 0 : index
        %get3A_883 = tpu.vector_load %arg10[%get3A_881, %get3A_882] {strides = array<i32>} : memref<80x128xf32, #tpu.memory_space<vmem>>, vector<16xf32>,
        %mul3A_884 = vector.broadcast %squeeze3A_880 : f32 to vector<16xf32>
        %mul3A_885 = arith.mulf %get3A_883, %mul3A_884 : vector<16xf32>
        %swap3A_886 = arith.index_cast %add3A_878 : i32 to index
        %swap3A_887 = arith.constant 0 : index
        %swap3A_888 = tpu.vector_load %arg11[%swap3A_886, %swap3A_887] {strides = array<i32>} : memref<80x128xf32, #tpu.memory_space<vmem>>, vector<16xf32>,
        tpu.vector_store %arg11[%swap3A_886, %swap3A_887], %mul3A_885 {strides = array<i32>} : memref<80x128xf32, #tpu.memory_space<vmem>>, vector<16xf32>,
        %get3A_889 = arith.index_cast %add3A_878 : i32 to index
        %get3A_890 = arith.constant 16 : index
        %get3A_891 = tpu.vector_load %arg10[%get3A_889, %get3A_890] {strides = array<i32>} : memref<80x128xf32, #tpu.memory_space<vmem>>, vector<16xf32>,
        %mul3A_892 = vector.broadcast %squeeze3A_880 : f32 to vector<16xf32>
        %mul3A_893 = arith.mulf %get3A_891, %mul3A_892 : vector<16xf32>
        %swap3A_894 = arith.index_cast %add3A_878 : i32 to index
        %swap3A_895 = arith.constant 16 : index
        %swap3A_896 = tpu.vector_load %arg11[%swap3A_894, %swap3A_895] {strides = array<i32>} : memref<80x128xf32, #tpu.memory_space<vmem>>, vector<16xf32>,
        tpu.vector_store %arg11[%swap3A_894, %swap3A_895], %mul3A_893 {strides = array<i32>} : memref<80x128xf32, #tpu.memory_space<vmem>>, vector<16xf32>,
        %get3A_897 = arith.index_cast %add3A_878 : i32 to index
        %get3A_898 = arith.constant 32 : index
        %get3A_899 = tpu.vector_load %arg10[%get3A_897, %get3A_898] {strides = array<i32>} : memref<80x128xf32, #tpu.memory_space<vmem>>, vector<16xf32>,
        %mul3A_900 = vector.broadcast %squeeze3A_880 : f32 to vector<16xf32>
        %mul3A_901 = arith.mulf %get3A_899, %mul3A_900 : vector<16xf32>
        %swap3A_902 = arith.index_cast %add3A_878 : i32 to index
        %swap3A_903 = arith.constant 32 : index
        %swap3A_904 = tpu.vector_load %arg11[%swap3A_902, %swap3A_903] {strides = array<i32>} : memref<80x128xf32, #tpu.memory_space<vmem>>, vector<16xf32>,
        tpu.vector_store %arg11[%swap3A_902, %swap3A_903], %mul3A_901 {strides = array<i32>} : memref<80x128xf32, #tpu.memory_space<vmem>>, vector<16xf32>,
        %get3A_905 = arith.index_cast %add3A_878 : i32 to index
        %get3A_906 = arith.constant 48 : index
        %get3A_907 = tpu.vector_load %arg10[%get3A_905, %get3A_906] {strides = array<i32>} : memref<80x128xf32, #tpu.memory_space<vmem>>, vector<16xf32>,
        %mul3A_908 = vector.broadcast %squeeze3A_880 : f32 to vector<16xf32>
        %mul3A_909 = arith.mulf %get3A_907, %mul3A_908 : vector<16xf32>
        %swap3A_910 = arith.index_cast %add3A_878 : i32 to index
        %swap3A_911 = arith.constant 48 : index
        %swap3A_912 = tpu.vector_load %arg11[%swap3A_910, %swap3A_911] {strides = array<i32>} : memref<80x128xf32, #tpu.memory_space<vmem>>, vector<16xf32>,
        tpu.vector_store %arg11[%swap3A_910, %swap3A_911], %mul3A_909 {strides = array<i32>} : memref<80x128xf32, #tpu.memory_space<vmem>>, vector<16xf32>,
        %get3A_913 = arith.index_cast %add3A_878 : i32 to index
        %get3A_914 = arith.constant 64 : index
        %get3A_915 = tpu.vector_load %arg10[%get3A_913, %get3A_914] {strides = array<i32>} : memref<80x128xf32, #tpu.memory_space<vmem>>, vector<16xf32>,
        %mul3A_916 = vector.broadcast %squeeze3A_880 : f32 to vector<16xf32>
        %mul3A_917 = arith.mulf %get3A_915, %mul3A_916 : vector<16xf32>
        %swap3A_918 = arith.index_cast %add3A_878 : i32 to index
        %swap3A_919 = arith.constant 64 : index
        %swap3A_920 = tpu.vector_load %arg11[%swap3A_918, %swap3A_919] {strides = array<i32>} : memref<80x128xf32, #tpu.memory_space<vmem>>, vector<16xf32>,
        tpu.vector_store %arg11[%swap3A_918, %swap3A_919], %mul3A_917 {strides = array<i32>} : memref<80x128xf32, #tpu.memory_space<vmem>>, vector<16xf32>,
        %get3A_921 = arith.index_cast %add3A_878 : i32 to index
        %get3A_922 = arith.constant 80 : index
        %get3A_923 = tpu.vector_load %arg10[%get3A_921, %get3A_922] {strides = array<i32>} : memref<80x128xf32, #tpu.memory_space<vmem>>, vector<16xf32>,
        %mul3A_924 = vector.broadcast %squeeze3A_880 : f32 to vector<16xf32>
        %mul3A_925 = arith.mulf %get3A_923, %mul3A_924 : vector<16xf32>
        %swap3A_926 = arith.index_cast %add3A_878 : i32 to index
        %swap3A_927 = arith.constant 80 : index
        %swap3A_928 = tpu.vector_load %arg11[%swap3A_926, %swap3A_927] {strides = array<i32>} : memref<80x128xf32, #tpu.memory_space<vmem>>, vector<16xf32>,
        tpu.vector_store %arg11[%swap3A_926, %swap3A_927], %mul3A_925 {strides = array<i32>} : memref<80x128xf32, #tpu.memory_space<vmem>>, vector<16xf32>,
        %get3A_929 = arith.index_cast %add3A_878 : i32 to index
        %get3A_930 = arith.constant 96 : index
        %get3A_931 = tpu.vector_load %arg10[%get3A_929, %get3A_930] {strides = array<i32>} : memref<80x128xf32, #tpu.memory_space<vmem>>, vector<16xf32>,
        %mul3A_932 = vector.broadcast %squeeze3A_880 : f32 to vector<16xf32>
        %mul3A_933 = arith.mulf %get3A_931, %mul3A_932 : vector<16xf32>
        %swap3A_934 = arith.index_cast %add3A_878 : i32 to index
        %swap3A_935 = arith.constant 96 : index
        %swap3A_936 = tpu.vector_load %arg11[%swap3A_934, %swap3A_935] {strides = array<i32>} : memref<80x128xf32, #tpu.memory_space<vmem>>, vector<16xf32>,
        tpu.vector_store %arg11[%swap3A_934, %swap3A_935], %mul3A_933 {strides = array<i32>} : memref<80x128xf32, #tpu.memory_space<vmem>>, vector<16xf32>,
        %get3A_937 = arith.index_cast %add3A_878 : i32 to index
        %get3A_938 = arith.constant 112 : index
        %get3A_939 = tpu.vector_load %arg10[%get3A_937, %get3A_938] {strides = array<i32>} : memref<80x128xf32, #tpu.memory_space<vmem>>, vector<16xf32>,
        %mul3A_940 = vector.broadcast %squeeze3A_880 : f32 to vector<16xf32>
        %mul3A_941 = arith.mulf %get3A_939, %mul3A_940 : vector<16xf32>
        %swap3A_942 = arith.index_cast %add3A_878 : i32 to index
        %swap3A_943 = arith.constant 112 : index
        %swap3A_944 = tpu.vector_load %arg11[%swap3A_942, %swap3A_943] {strides = array<i32>} : memref<80x128xf32, #tpu.memory_space<vmem>>, vector<16xf32>,
        tpu.vector_store %arg11[%swap3A_942, %swap3A_943], %mul3A_941 {strides = array<i32>} : memref<80x128xf32, #tpu.memory_space<vmem>>, vector<16xf32>,
        %add3A_945 = arith.constant 13 : i32
        %add3A_946 = arith.addi %mul3A_63, %add3A_945 : i32
        %slice3A_947 = vector.extract_strided_slice %get3A_61 {offsets = [13], sizes = [1], strides = [1]} : vector<16xf32> to vector<1xf32>
        %squeeze3A_948 = vector.extract %slice3A_947[0] : f32 from vector<1xf32>
        %get3A_949 = arith.index_cast %add3A_946 : i32 to index
        %get3A_950 = arith.constant 0 : index
        %get3A_951 = tpu.vector_load %arg10[%get3A_949, %get3A_950] {strides = array<i32>} : memref<80x128xf32, #tpu.memory_space<vmem>>, vector<16xf32>,
        %mul3A_952 = vector.broadcast %squeeze3A_948 : f32 to vector<16xf32>
        %mul3A_953 = arith.mulf %get3A_951, %mul3A_952 : vector<16xf32>
        %swap3A_954 = arith.index_cast %add3A_946 : i32 to index
        %swap3A_955 = arith.constant 0 : index
        %swap3A_956 = tpu.vector_load %arg11[%swap3A_954, %swap3A_955] {strides = array<i32>} : memref<80x128xf32, #tpu.memory_space<vmem>>, vector<16xf32>,
        tpu.vector_store %arg11[%swap3A_954, %swap3A_955], %mul3A_953 {strides = array<i32>} : memref<80x128xf32, #tpu.memory_space<vmem>>, vector<16xf32>,
        %get3A_957 = arith.index_cast %add3A_946 : i32 to index
        %get3A_958 = arith.constant 16 : index
        %get3A_959 = tpu.vector_load %arg10[%get3A_957, %get3A_958] {strides = array<i32>} : memref<80x128xf32, #tpu.memory_space<vmem>>, vector<16xf32>,
        %mul3A_960 = vector.broadcast %squeeze3A_948 : f32 to vector<16xf32>
        %mul3A_961 = arith.mulf %get3A_959, %mul3A_960 : vector<16xf32>
        %swap3A_962 = arith.index_cast %add3A_946 : i32 to index
        %swap3A_963 = arith.constant 16 : index
        %swap3A_964 = tpu.vector_load %arg11[%swap3A_962, %swap3A_963] {strides = array<i32>} : memref<80x128xf32, #tpu.memory_space<vmem>>, vector<16xf32>,
        tpu.vector_store %arg11[%swap3A_962, %swap3A_963], %mul3A_961 {strides = array<i32>} : memref<80x128xf32, #tpu.memory_space<vmem>>, vector<16xf32>,
        %get3A_965 = arith.index_cast %add3A_946 : i32 to index
        %get3A_966 = arith.constant 32 : index
        %get3A_967 = tpu.vector_load %arg10[%get3A_965, %get3A_966] {strides = array<i32>} : memref<80x128xf32, #tpu.memory_space<vmem>>, vector<16xf32>,
        %mul3A_968 = vector.broadcast %squeeze3A_948 : f32 to vector<16xf32>
        %mul3A_969 = arith.mulf %get3A_967, %mul3A_968 : vector<16xf32>
        %swap3A_970 = arith.index_cast %add3A_946 : i32 to index
        %swap3A_971 = arith.constant 32 : index
        %swap3A_972 = tpu.vector_load %arg11[%swap3A_970, %swap3A_971] {strides = array<i32>} : memref<80x128xf32, #tpu.memory_space<vmem>>, vector<16xf32>,
        tpu.vector_store %arg11[%swap3A_970, %swap3A_971], %mul3A_969 {strides = array<i32>} : memref<80x128xf32, #tpu.memory_space<vmem>>, vector<16xf32>,
        %get3A_973 = arith.index_cast %add3A_946 : i32 to index
        %get3A_974 = arith.constant 48 : index
        %get3A_975 = tpu.vector_load %arg10[%get3A_973, %get3A_974] {strides = array<i32>} : memref<80x128xf32, #tpu.memory_space<vmem>>, vector<16xf32>,
        %mul3A_976 = vector.broadcast %squeeze3A_948 : f32 to vector<16xf32>
        %mul3A_977 = arith.mulf %get3A_975, %mul3A_976 : vector<16xf32>
        %swap3A_978 = arith.index_cast %add3A_946 : i32 to index
        %swap3A_979 = arith.constant 48 : index
        %swap3A_980 = tpu.vector_load %arg11[%swap3A_978, %swap3A_979] {strides = array<i32>} : memref<80x128xf32, #tpu.memory_space<vmem>>, vector<16xf32>,
        tpu.vector_store %arg11[%swap3A_978, %swap3A_979], %mul3A_977 {strides = array<i32>} : memref<80x128xf32, #tpu.memory_space<vmem>>, vector<16xf32>,
        %get3A_981 = arith.index_cast %add3A_946 : i32 to index
        %get3A_982 = arith.constant 64 : index
        %get3A_983 = tpu.vector_load %arg10[%get3A_981, %get3A_982] {strides = array<i32>} : memref<80x128xf32, #tpu.memory_space<vmem>>, vector<16xf32>,
        %mul3A_984 = vector.broadcast %squeeze3A_948 : f32 to vector<16xf32>
        %mul3A_985 = arith.mulf %get3A_983, %mul3A_984 : vector<16xf32>
        %swap3A_986 = arith.index_cast %add3A_946 : i32 to index
        %swap3A_987 = arith.constant 64 : index
        %swap3A_988 = tpu.vector_load %arg11[%swap3A_986, %swap3A_987] {strides = array<i32>} : memref<80x128xf32, #tpu.memory_space<vmem>>, vector<16xf32>,
        tpu.vector_store %arg11[%swap3A_986, %swap3A_987], %mul3A_985 {strides = array<i32>} : memref<80x128xf32, #tpu.memory_space<vmem>>, vector<16xf32>,
        %get3A_989 = arith.index_cast %add3A_946 : i32 to index
        %get3A_990 = arith.constant 80 : index
        %get3A_991 = tpu.vector_load %arg10[%get3A_989, %get3A_990] {strides = array<i32>} : memref<80x128xf32, #tpu.memory_space<vmem>>, vector<16xf32>,
        %mul3A_992 = vector.broadcast %squeeze3A_948 : f32 to vector<16xf32>
        %mul3A_993 = arith.mulf %get3A_991, %mul3A_992 : vector<16xf32>
        %swap3A_994 = arith.index_cast %add3A_946 : i32 to index
        %swap3A_995 = arith.constant 80 : index
        %swap3A_996 = tpu.vector_load %arg11[%swap3A_994, %swap3A_995] {strides = array<i32>} : memref<80x128xf32, #tpu.memory_space<vmem>>, vector<16xf32>,
        tpu.vector_store %arg11[%swap3A_994, %swap3A_995], %mul3A_993 {strides = array<i32>} : memref<80x128xf32, #tpu.memory_space<vmem>>, vector<16xf32>,
        %get3A_997 = arith.index_cast %add3A_946 : i32 to index
        %get3A_998 = arith.constant 96 : index
        %get3A_999 = tpu.vector_load %arg10[%get3A_997, %get3A_998] {strides = array<i32>} : memref<80x128xf32, #tpu.memory_space<vmem>>, vector<16xf32>,
        %mul3A_1000 = vector.broadcast %squeeze3A_948 : f32 to vector<16xf32>
        %mul3A_1001 = arith.mulf %get3A_999, %mul3A_1000 : vector<16xf32>
        %swap3A_1002 = arith.index_cast %add3A_946 : i32 to index
        %swap3A_1003 = arith.constant 96 : index
        %swap3A_1004 = tpu.vector_load %arg11[%swap3A_1002, %swap3A_1003] {strides = array<i32>} : memref<80x128xf32, #tpu.memory_space<vmem>>, vector<16xf32>,
        tpu.vector_store %arg11[%swap3A_1002, %swap3A_1003], %mul3A_1001 {strides = array<i32>} : memref<80x128xf32, #tpu.memory_space<vmem>>, vector<16xf32>,
        %get3A_1005 = arith.index_cast %add3A_946 : i32 to index
        %get3A_1006 = arith.constant 112 : index
        %get3A_1007 = tpu.vector_load %arg10[%get3A_1005, %get3A_1006] {strides = array<i32>} : memref<80x128xf32, #tpu.memory_space<vmem>>, vector<16xf32>,
        %mul3A_1008 = vector.broadcast %squeeze3A_948 : f32 to vector<16xf32>
        %mul3A_1009 = arith.mulf %get3A_1007, %mul3A_1008 : vector<16xf32>
        %swap3A_1010 = arith.index_cast %add3A_946 : i32 to index
        %swap3A_1011 = arith.constant 112 : index
        %swap3A_1012 = tpu.vector_load %arg11[%swap3A_1010, %swap3A_1011] {strides = array<i32>} : memref<80x128xf32, #tpu.memory_space<vmem>>, vector<16xf32>,
        tpu.vector_store %arg11[%swap3A_1010, %swap3A_1011], %mul3A_1009 {strides = array<i32>} : memref<80x128xf32, #tpu.memory_space<vmem>>, vector<16xf32>,
        %add3A_1013 = arith.constant 14 : i32
        %add3A_1014 = arith.addi %mul3A_63, %add3A_1013 : i32
        %slice3A_1015 = vector.extract_strided_slice %get3A_61 {offsets = [14], sizes = [1], strides = [1]} : vector<16xf32> to vector<1xf32>
        %squeeze3A_1016 = vector.extract %slice3A_1015[0] : f32 from vector<1xf32>
        %get3A_1017 = arith.index_cast %add3A_1014 : i32 to index
        %get3A_1018 = arith.constant 0 : index
        %get3A_1019 = tpu.vector_load %arg10[%get3A_1017, %get3A_1018] {strides = array<i32>} : memref<80x128xf32, #tpu.memory_space<vmem>>, vector<16xf32>,
        %mul3A_1020 = vector.broadcast %squeeze3A_1016 : f32 to vector<16xf32>
        %mul3A_1021 = arith.mulf %get3A_1019, %mul3A_1020 : vector<16xf32>
        %swap3A_1022 = arith.index_cast %add3A_1014 : i32 to index
        %swap3A_1023 = arith.constant 0 : index
        %swap3A_1024 = tpu.vector_load %arg11[%swap3A_1022, %swap3A_1023] {strides = array<i32>} : memref<80x128xf32, #tpu.memory_space<vmem>>, vector<16xf32>,
        tpu.vector_store %arg11[%swap3A_1022, %swap3A_1023], %mul3A_1021 {strides = array<i32>} : memref<80x128xf32, #tpu.memory_space<vmem>>, vector<16xf32>,
        %get3A_1025 = arith.index_cast %add3A_1014 : i32 to index
        %get3A_1026 = arith.constant 16 : index
        %get3A_1027 = tpu.vector_load %arg10[%get3A_1025, %get3A_1026] {strides = array<i32>} : memref<80x128xf32, #tpu.memory_space<vmem>>, vector<16xf32>,
        %mul3A_1028 = vector.broadcast %squeeze3A_1016 : f32 to vector<16xf32>
        %mul3A_1029 = arith.mulf %get3A_1027, %mul3A_1028 : vector<16xf32>
        %swap3A_1030 = arith.index_cast %add3A_1014 : i32 to index
        %swap3A_1031 = arith.constant 16 : index
        %swap3A_1032 = tpu.vector_load %arg11[%swap3A_1030, %swap3A_1031] {strides = array<i32>} : memref<80x128xf32, #tpu.memory_space<vmem>>, vector<16xf32>,
        tpu.vector_store %arg11[%swap3A_1030, %swap3A_1031], %mul3A_1029 {strides = array<i32>} : memref<80x128xf32, #tpu.memory_space<vmem>>, vector<16xf32>,
        %get3A_1033 = arith.index_cast %add3A_1014 : i32 to index
        %get3A_1034 = arith.constant 32 : index
        %get3A_1035 = tpu.vector_load %arg10[%get3A_1033, %get3A_1034] {strides = array<i32>} : memref<80x128xf32, #tpu.memory_space<vmem>>, vector<16xf32>,
        %mul3A_1036 = vector.broadcast %squeeze3A_1016 : f32 to vector<16xf32>
        %mul3A_1037 = arith.mulf %get3A_1035, %mul3A_1036 : vector<16xf32>
        %swap3A_1038 = arith.index_cast %add3A_1014 : i32 to index
        %swap3A_1039 = arith.constant 32 : index
        %swap3A_1040 = tpu.vector_load %arg11[%swap3A_1038, %swap3A_1039] {strides = array<i32>} : memref<80x128xf32, #tpu.memory_space<vmem>>, vector<16xf32>,
        tpu.vector_store %arg11[%swap3A_1038, %swap3A_1039], %mul3A_1037 {strides = array<i32>} : memref<80x128xf32, #tpu.memory_space<vmem>>, vector<16xf32>,
        %get3A_1041 = arith.index_cast %add3A_1014 : i32 to index
        %get3A_1042 = arith.constant 48 : index
        %get3A_1043 = tpu.vector_load %arg10[%get3A_1041, %get3A_1042] {strides = array<i32>} : memref<80x128xf32, #tpu.memory_space<vmem>>, vector<16xf32>,
        %mul3A_1044 = vector.broadcast %squeeze3A_1016 : f32 to vector<16xf32>
        %mul3A_1045 = arith.mulf %get3A_1043, %mul3A_1044 : vector<16xf32>
        %swap3A_1046 = arith.index_cast %add3A_1014 : i32 to index
        %swap3A_1047 = arith.constant 48 : index
        %swap3A_1048 = tpu.vector_load %arg11[%swap3A_1046, %swap3A_1047] {strides = array<i32>} : memref<80x128xf32, #tpu.memory_space<vmem>>, vector<16xf32>,
        tpu.vector_store %arg11[%swap3A_1046, %swap3A_1047], %mul3A_1045 {strides = array<i32>} : memref<80x128xf32, #tpu.memory_space<vmem>>, vector<16xf32>,
        %get3A_1049 = arith.index_cast %add3A_1014 : i32 to index
        %get3A_1050 = arith.constant 64 : index
        %get3A_1051 = tpu.vector_load %arg10[%get3A_1049, %get3A_1050] {strides = array<i32>} : memref<80x128xf32, #tpu.memory_space<vmem>>, vector<16xf32>,
        %mul3A_1052 = vector.broadcast %squeeze3A_1016 : f32 to vector<16xf32>
        %mul3A_1053 = arith.mulf %get3A_1051, %mul3A_1052 : vector<16xf32>
        %swap3A_1054 = arith.index_cast %add3A_1014 : i32 to index
        %swap3A_1055 = arith.constant 64 : index
        %swap3A_1056 = tpu.vector_load %arg11[%swap3A_1054, %swap3A_1055] {strides = array<i32>} : memref<80x128xf32, #tpu.memory_space<vmem>>, vector<16xf32>,
        tpu.vector_store %arg11[%swap3A_1054, %swap3A_1055], %mul3A_1053 {strides = array<i32>} : memref<80x128xf32, #tpu.memory_space<vmem>>, vector<16xf32>,
        %get3A_1057 = arith.index_cast %add3A_1014 : i32 to index
        %get3A_1058 = arith.constant 80 : index
        %get3A_1059 = tpu.vector_load %arg10[%get3A_1057, %get3A_1058] {strides = array<i32>} : memref<80x128xf32, #tpu.memory_space<vmem>>, vector<16xf32>,
        %mul3A_1060 = vector.broadcast %squeeze3A_1016 : f32 to vector<16xf32>
        %mul3A_1061 = arith.mulf %get3A_1059, %mul3A_1060 : vector<16xf32>
        %swap3A_1062 = arith.index_cast %add3A_1014 : i32 to index
        %swap3A_1063 = arith.constant 80 : index
        %swap3A_1064 = tpu.vector_load %arg11[%swap3A_1062, %swap3A_1063] {strides = array<i32>} : memref<80x128xf32, #tpu.memory_space<vmem>>, vector<16xf32>,
        tpu.vector_store %arg11[%swap3A_1062, %swap3A_1063], %mul3A_1061 {strides = array<i32>} : memref<80x128xf32, #tpu.memory_space<vmem>>, vector<16xf32>,
        %get3A_1065 = arith.index_cast %add3A_1014 : i32 to index
        %get3A_1066 = arith.constant 96 : index
        %get3A_1067 = tpu.vector_load %arg10[%get3A_1065, %get3A_1066] {strides = array<i32>} : memref<80x128xf32, #tpu.memory_space<vmem>>, vector<16xf32>,
        %mul3A_1068 = vector.broadcast %squeeze3A_1016 : f32 to vector<16xf32>
        %mul3A_1069 = arith.mulf %get3A_1067, %mul3A_1068 : vector<16xf32>
        %swap3A_1070 = arith.index_cast %add3A_1014 : i32 to index
        %swap3A_1071 = arith.constant 96 : index
        %swap3A_1072 = tpu.vector_load %arg11[%swap3A_1070, %swap3A_1071] {strides = array<i32>} : memref<80x128xf32, #tpu.memory_space<vmem>>, vector<16xf32>,
        tpu.vector_store %arg11[%swap3A_1070, %swap3A_1071], %mul3A_1069 {strides = array<i32>} : memref<80x128xf32, #tpu.memory_space<vmem>>, vector<16xf32>,
        %get3A_1073 = arith.index_cast %add3A_1014 : i32 to index
        %get3A_1074 = arith.constant 112 : index
        %get3A_1075 = tpu.vector_load %arg10[%get3A_1073, %get3A_1074] {strides = array<i32>} : memref<80x128xf32, #tpu.memory_space<vmem>>, vector<16xf32>,
        %mul3A_1076 = vector.broadcast %squeeze3A_1016 : f32 to vector<16xf32>
        %mul3A_1077 = arith.mulf %get3A_1075, %mul3A_1076 : vector<16xf32>
        %swap3A_1078 = arith.index_cast %add3A_1014 : i32 to index
        %swap3A_1079 = arith.constant 112 : index
        %swap3A_1080 = tpu.vector_load %arg11[%swap3A_1078, %swap3A_1079] {strides = array<i32>} : memref<80x128xf32, #tpu.memory_space<vmem>>, vector<16xf32>,
        tpu.vector_store %arg11[%swap3A_1078, %swap3A_1079], %mul3A_1077 {strides = array<i32>} : memref<80x128xf32, #tpu.memory_space<vmem>>, vector<16xf32>,
        %add3A_1081 = arith.constant 15 : i32
        %add3A_1082 = arith.addi %mul3A_63, %add3A_1081 : i32
        %slice3A_1083 = vector.extract_strided_slice %get3A_61 {offsets = [15], sizes = [1], strides = [1]} : vector<16xf32> to vector<1xf32>
        %squeeze3A_1084 = vector.extract %slice3A_1083[0] : f32 from vector<1xf32>
        %get3A_1085 = arith.index_cast %add3A_1082 : i32 to index
        %get3A_1086 = arith.constant 0 : index
        %get3A_1087 = tpu.vector_load %arg10[%get3A_1085, %get3A_1086] {strides = array<i32>} : memref<80x128xf32, #tpu.memory_space<vmem>>, vector<16xf32>,
        %mul3A_1088 = vector.broadcast %squeeze3A_1084 : f32 to vector<16xf32>
        %mul3A_1089 = arith.mulf %get3A_1087, %mul3A_1088 : vector<16xf32>
        %swap3A_1090 = arith.index_cast %add3A_1082 : i32 to index
        %swap3A_1091 = arith.constant 0 : index
        %swap3A_1092 = tpu.vector_load %arg11[%swap3A_1090, %swap3A_1091] {strides = array<i32>} : memref<80x128xf32, #tpu.memory_space<vmem>>, vector<16xf32>,
        tpu.vector_store %arg11[%swap3A_1090, %swap3A_1091], %mul3A_1089 {strides = array<i32>} : memref<80x128xf32, #tpu.memory_space<vmem>>, vector<16xf32>,
        %get3A_1093 = arith.index_cast %add3A_1082 : i32 to index
        %get3A_1094 = arith.constant 16 : index
        %get3A_1095 = tpu.vector_load %arg10[%get3A_1093, %get3A_1094] {strides = array<i32>} : memref<80x128xf32, #tpu.memory_space<vmem>>, vector<16xf32>,
        %mul3A_1096 = vector.broadcast %squeeze3A_1084 : f32 to vector<16xf32>
        %mul3A_1097 = arith.mulf %get3A_1095, %mul3A_1096 : vector<16xf32>
        %swap3A_1098 = arith.index_cast %add3A_1082 : i32 to index
        %swap3A_1099 = arith.constant 16 : index
        %swap3A_1100 = tpu.vector_load %arg11[%swap3A_1098, %swap3A_1099] {strides = array<i32>} : memref<80x128xf32, #tpu.memory_space<vmem>>, vector<16xf32>,
        tpu.vector_store %arg11[%swap3A_1098, %swap3A_1099], %mul3A_1097 {strides = array<i32>} : memref<80x128xf32, #tpu.memory_space<vmem>>, vector<16xf32>,
        %get3A_1101 = arith.index_cast %add3A_1082 : i32 to index
        %get3A_1102 = arith.constant 32 : index
        %get3A_1103 = tpu.vector_load %arg10[%get3A_1101, %get3A_1102] {strides = array<i32>} : memref<80x128xf32, #tpu.memory_space<vmem>>, vector<16xf32>,
        %mul3A_1104 = vector.broadcast %squeeze3A_1084 : f32 to vector<16xf32>
        %mul3A_1105 = arith.mulf %get3A_1103, %mul3A_1104 : vector<16xf32>
        %swap3A_1106 = arith.index_cast %add3A_1082 : i32 to index
        %swap3A_1107 = arith.constant 32 : index
        %swap3A_1108 = tpu.vector_load %arg11[%swap3A_1106, %swap3A_1107] {strides = array<i32>} : memref<80x128xf32, #tpu.memory_space<vmem>>, vector<16xf32>,
        tpu.vector_store %arg11[%swap3A_1106, %swap3A_1107], %mul3A_1105 {strides = array<i32>} : memref<80x128xf32, #tpu.memory_space<vmem>>, vector<16xf32>,
        %get3A_1109 = arith.index_cast %add3A_1082 : i32 to index
        %get3A_1110 = arith.constant 48 : index
        %get3A_1111 = tpu.vector_load %arg10[%get3A_1109, %get3A_1110] {strides = array<i32>} : memref<80x128xf32, #tpu.memory_space<vmem>>, vector<16xf32>,
        %mul3A_1112 = vector.broadcast %squeeze3A_1084 : f32 to vector<16xf32>
        %mul3A_1113 = arith.mulf %get3A_1111, %mul3A_1112 : vector<16xf32>
        %swap3A_1114 = arith.index_cast %add3A_1082 : i32 to index
        %swap3A_1115 = arith.constant 48 : index
        %swap3A_1116 = tpu.vector_load %arg11[%swap3A_1114, %swap3A_1115] {strides = array<i32>} : memref<80x128xf32, #tpu.memory_space<vmem>>, vector<16xf32>,
        tpu.vector_store %arg11[%swap3A_1114, %swap3A_1115], %mul3A_1113 {strides = array<i32>} : memref<80x128xf32, #tpu.memory_space<vmem>>, vector<16xf32>,
        %get3A_1117 = arith.index_cast %add3A_1082 : i32 to index
        %get3A_1118 = arith.constant 64 : index
        %get3A_1119 = tpu.vector_load %arg10[%get3A_1117, %get3A_1118] {strides = array<i32>} : memref<80x128xf32, #tpu.memory_space<vmem>>, vector<16xf32>,
        %mul3A_1120 = vector.broadcast %squeeze3A_1084 : f32 to vector<16xf32>
        %mul3A_1121 = arith.mulf %get3A_1119, %mul3A_1120 : vector<16xf32>
        %swap3A_1122 = arith.index_cast %add3A_1082 : i32 to index
        %swap3A_1123 = arith.constant 64 : index
        %swap3A_1124 = tpu.vector_load %arg11[%swap3A_1122, %swap3A_1123] {strides = array<i32>} : memref<80x128xf32, #tpu.memory_space<vmem>>, vector<16xf32>,
        tpu.vector_store %arg11[%swap3A_1122, %swap3A_1123], %mul3A_1121 {strides = array<i32>} : memref<80x128xf32, #tpu.memory_space<vmem>>, vector<16xf32>,
        %get3A_1125 = arith.index_cast %add3A_1082 : i32 to index
        %get3A_1126 = arith.constant 80 : index
        %get3A_1127 = tpu.vector_load %arg10[%get3A_1125, %get3A_1126] {strides = array<i32>} : memref<80x128xf32, #tpu.memory_space<vmem>>, vector<16xf32>,
        %mul3A_1128 = vector.broadcast %squeeze3A_1084 : f32 to vector<16xf32>
        %mul3A_1129 = arith.mulf %get3A_1127, %mul3A_1128 : vector<16xf32>
        %swap3A_1130 = arith.index_cast %add3A_1082 : i32 to index
        %swap3A_1131 = arith.constant 80 : index
        %swap3A_1132 = tpu.vector_load %arg11[%swap3A_1130, %swap3A_1131] {strides = array<i32>} : memref<80x128xf32, #tpu.memory_space<vmem>>, vector<16xf32>,
        tpu.vector_store %arg11[%swap3A_1130, %swap3A_1131], %mul3A_1129 {strides = array<i32>} : memref<80x128xf32, #tpu.memory_space<vmem>>, vector<16xf32>,
        %get3A_1133 = arith.index_cast %add3A_1082 : i32 to index
        %get3A_1134 = arith.constant 96 : index
        %get3A_1135 = tpu.vector_load %arg10[%get3A_1133, %get3A_1134] {strides = array<i32>} : memref<80x128xf32, #tpu.memory_space<vmem>>, vector<16xf32>,
        %mul3A_1136 = vector.broadcast %squeeze3A_1084 : f32 to vector<16xf32>
        %mul3A_1137 = arith.mulf %get3A_1135, %mul3A_1136 : vector<16xf32>
        %swap3A_1138 = arith.index_cast %add3A_1082 : i32 to index
        %swap3A_1139 = arith.constant 96 : index
        %swap3A_1140 = tpu.vector_load %arg11[%swap3A_1138, %swap3A_1139] {strides = array<i32>} : memref<80x128xf32, #tpu.memory_space<vmem>>, vector<16xf32>,
        tpu.vector_store %arg11[%swap3A_1138, %swap3A_1139], %mul3A_1137 {strides = array<i32>} : memref<80x128xf32, #tpu.memory_space<vmem>>, vector<16xf32>,
        %get3A_1141 = arith.index_cast %add3A_1082 : i32 to index
        %get3A_1142 = arith.constant 112 : index
        %get3A_1143 = tpu.vector_load %arg10[%get3A_1141, %get3A_1142] {strides = array<i32>} : memref<80x128xf32, #tpu.memory_space<vmem>>, vector<16xf32>,
        %mul3A_1144 = vector.broadcast %squeeze3A_1084 : f32 to vector<16xf32>
        %mul3A_1145 = arith.mulf %get3A_1143, %mul3A_1144 : vector<16xf32>
        %swap3A_1146 = arith.index_cast %add3A_1082 : i32 to index
        %swap3A_1147 = arith.constant 112 : index
        %swap3A_1148 = tpu.vector_load %arg11[%swap3A_1146, %swap3A_1147] {strides = array<i32>} : memref<80x128xf32, #tpu.memory_space<vmem>>, vector<16xf32>,
        tpu.vector_store %arg11[%swap3A_1146, %swap3A_1147], %mul3A_1145 {strides = array<i32>} : memref<80x128xf32, #tpu.memory_space<vmem>>, vector<16xf32>,
      }
      %scan3A_57 = arith.constant 5 : i32
      "tpu.region"() ({
        %run_scoped3A = tpu.sem_alloc : memref<!tpu.dma_semaphore, #tpu.memory_space<semaphore_mem>>
        %dma_start3A_58 = arith.constant 0 : i32
        %dma_start3A_59 = arith.constant 0 : i32
        %dma_start3A_60 = tpu.memref_slice %arg12[%dma_start3A_58, %dma_start3A_59] : memref<10000x128xf32, #tpu.memory_space<vmem_shared>> -> memref<10000x128xf32, #tpu.memory_space<vmem_shared>>
        tpu.enqueue_indirect_dma source(%arg11 : memref<80x128xf32, #tpu.memory_space<vmem>>) target(%dma_start3A_60 : memref<10000x128xf32, #tpu.memory_space<vmem_shared>>) offsets(%arg8 : memref<80xi32, #tpu.memory_space<vmem>>) semaphore(%run_scoped3A : memref<!tpu.dma_semaphore, #tpu.memory_space<semaphore_mem>>) {add = true}
        %dma_wait3A_61 = arith.constant 0 : i32
        %dma_wait3A_62 = arith.constant 0 : i32
        %dma_wait3A_63 = tpu.memref_slice %arg12[%dma_wait3A_61, %dma_wait3A_62] : memref<10000x128xf32, #tpu.memory_space<vmem_shared>> -> memref<10000x128xf32, #tpu.memory_space<vmem_shared>>
        tpu.wait_indirect_dma semaphore(%run_scoped3A : memref<!tpu.dma_semaphore, #tpu.memory_space<semaphore_mem>>) src(%arg11 : memref<80x128xf32, #tpu.memory_space<vmem>>) dst(%dma_wait3A_63 : memref<10000x128xf32, #tpu.memory_space<vmem_shared>>)
        tpu.yield
      }) : () -> ()
    }
    %scan3A_42 = arith.constant 125 : i32
    %barrier3A_43 = arith.constant 0 : index
    tpu.barrier barrier_id(%barrier3A_43)
    %mul3A_44 = arith.constant 624 : i32
    %mul3A_45 = arith.muli %arg1, %mul3A_44 : i32
    %mul3A_46 = arith.constant 624 : i32
    %mul3A_47 = arith.muli %arg1, %mul3A_46 : i32
    "tpu.region"() ({
      %run_scoped3A = tpu.sem_alloc : memref<!tpu.dma_semaphore, #tpu.memory_space<semaphore_mem>>
      %dma_start3A = arith.constant 0 : i32
      %dma_start3A_48 = tpu.memref_slice %arg6[%arg0, %mul3A_47, %dma_start3A] : memref<2x10000x128xf32, #tpu.memory_space<hbm>> -> memref<1x640x128xf32, #tpu.memory_space<hbm>>
      %dma_start3A_49 = tpu.memref_squeeze %dma_start3A_48 : memref<1x640x128xf32, #tpu.memory_space<hbm>> -> memref<640x128xf32, #tpu.memory_space<hbm>>
      %dma_start3A_50 = arith.constant 0 : i32
      %dma_start3A_51 = tpu.memref_slice %arg12[%mul3A_45, %dma_start3A_50] : memref<10000x128xf32, #tpu.memory_space<vmem_shared>> -> memref<640x128xf32, #tpu.memory_space<vmem_shared>>
      tpu.enqueue_dma source(%dma_start3A_51 : memref<640x128xf32, #tpu.memory_space<vmem_shared>>) target(%dma_start3A_49 : memref<640x128xf32, #tpu.memory_space<hbm>>) target_semaphore(%run_scoped3A : memref<!tpu.dma_semaphore, #tpu.memory_space<semaphore_mem>>)
      %dma_wait3A = arith.constant 0 : i32
      %dma_wait3A_52 = tpu.memref_slice %arg6[%arg0, %mul3A_47, %dma_wait3A] : memref<2x10000x128xf32, #tpu.memory_space<hbm>> -> memref<1x640x128xf32, #tpu.memory_space<hbm>>
      %dma_wait3A_53 = tpu.memref_squeeze %dma_wait3A_52 : memref<1x640x128xf32, #tpu.memory_space<hbm>> -> memref<640x128xf32, #tpu.memory_space<hbm>>
      %dma_wait3A_54 = arith.constant 0 : i32
      %dma_wait3A_55 = tpu.memref_slice %arg12[%mul3A_45, %dma_wait3A_54] : memref<10000x128xf32, #tpu.memory_space<vmem_shared>> -> memref<640x128xf32, #tpu.memory_space<vmem_shared>>
      tpu.wait_dma2 semaphore(%run_scoped3A : memref<!tpu.dma_semaphore, #tpu.memory_space<semaphore_mem>>) src(%dma_wait3A_55 : memref<640x128xf32, #tpu.memory_space<vmem_shared>>) dst(%dma_wait3A_53 : memref<640x128xf32, #tpu.memory_space<hbm>>)
      tpu.yield
    }) : () -> ()
    return
  }
}

module attributes {stable_mosaic.version = 14 : i64} {
  func.func @_proj_body(%arg0: i32, %arg1: memref<1000x128xf32, #tpu.memory_space<vmem>>, %arg2: memref<128x128xf32, #tpu.memory_space<vmem>>, %arg3: memref<1x128xf32, #tpu.memory_space<vmem>>, %arg4: memref<1x128xf32, #tpu.memory_space<vmem>>, %arg5: memref<1000x128xf32, #tpu.memory_space<vmem>>, %arg6: memref<1000x1xf32, #tpu.memory_space<vmem>>, %arg7: memref<1000x1xf32, #tpu.memory_space<vmem>>) attributes {dimension_semantics = [#tpu.dimension_semantics<arbitrary>], iteration_bounds = array<i64: 10>, scalar_prefetch = 0 : i64, scratch_operands = 0 : i64, tpu.core_type = #tpu.core_type<tc>, window_params = [{transform_indices = @transform_0, window_bounds = array<i64: 1000, 128>}, {pipeline_mode = #tpu.pipeline_mode<synchronous>, transform_indices = @transform_1, window_bounds = array<i64: 128, 128>}, {pipeline_mode = #tpu.pipeline_mode<synchronous>, transform_indices = @transform_2, window_bounds = array<i64: 1, 128>}, {pipeline_mode = #tpu.pipeline_mode<synchronous>, transform_indices = @transform_3, window_bounds = array<i64: 1, 128>}, {transform_indices = @transform_4, window_bounds = array<i64: 1000, 128>}, {transform_indices = @transform_5, window_bounds = array<i64: 1000, 1>}, {transform_indices = @transform_6, window_bounds = array<i64: 1000, 1>}]} {
    %get3A = arith.constant 0 : index
    %get3A_0 = arith.constant 0 : index
    %get3A_1 = vector.load %arg1[%get3A, %get3A_0] : memref<1000x128xf32, #tpu.memory_space<vmem>>, vector<1000x128xf32>
    %get3A_2 = arith.constant 0 : index
    %get3A_3 = arith.constant 0 : index
    %get3A_4 = vector.load %arg2[%get3A_2, %get3A_3] : memref<128x128xf32, #tpu.memory_space<vmem>>, vector<128x128xf32>
    %dot_general3A = arith.constant dense<0.000000e+00> : vector<1000x128xf32>
    %dot_general3A_5 = tpu.matmul %get3A_1, %get3A_4, %dot_general3A {dimension_numbers = #tpu.dot_dimension_numbers<[1], [0], [0], [1], [0, 0, 1, 1], [], []>, transpose_lhs_hint = false} : vector<1000x128xf32>, vector<128x128xf32>, vector<1000x128xf32> -> vector<1000x128xf32>
    %swap3A = arith.constant 0 : index
    %swap3A_6 = arith.constant 0 : index
    %swap3A_7 = vector.load %arg5[%swap3A, %swap3A_6] : memref<1000x128xf32, #tpu.memory_space<vmem>>, vector<1000x128xf32>
    tpu.vector_store %arg5[%swap3A, %swap3A_6], %dot_general3A_5 {strides = array<i32>} : memref<1000x128xf32, #tpu.memory_space<vmem>>, vector<1000x128xf32>,
    %get3A_8 = arith.constant 0 : index
    %get3A_9 = arith.constant 0 : index
    %get3A_10 = vector.load %arg3[%get3A_8, %get3A_9] : memref<1x128xf32, #tpu.memory_space<vmem>>, vector<1x128xf32>
    %mul3A = vector.broadcast %get3A_10 : vector<1x128xf32> to vector<1000x128xf32>
    %mul3A_11 = arith.mulf %dot_general3A_5, %mul3A : vector<1000x128xf32>
    %reduce_sum3A = arith.constant dense<0.000000e+00> : vector<1000xf32>
    %reduce_sum3A_12 = vector.multi_reduction <add>, %mul3A_11, %reduce_sum3A [1] : vector<1000x128xf32> to vector<1000xf32>
    %broadcast_in_dim3A = vector.shape_cast %reduce_sum3A_12 : vector<1000xf32> to vector<1000x1xf32>
    %swap3A_13 = arith.constant 0 : index
    %swap3A_14 = arith.constant 0 : index
    %swap3A_15 = vector.load %arg6[%swap3A_13, %swap3A_14] : memref<1000x1xf32, #tpu.memory_space<vmem>>, vector<1000x1xf32>
    tpu.vector_store %arg6[%swap3A_13, %swap3A_14], %broadcast_in_dim3A {strides = array<i32>} : memref<1000x1xf32, #tpu.memory_space<vmem>>, vector<1000x1xf32>,
    %get3A_16 = arith.constant 0 : index
    %get3A_17 = arith.constant 0 : index
    %get3A_18 = vector.load %arg4[%get3A_16, %get3A_17] : memref<1x128xf32, #tpu.memory_space<vmem>>, vector<1x128xf32>
    %mul3A_19 = vector.broadcast %get3A_18 : vector<1x128xf32> to vector<1000x128xf32>
    %mul3A_20 = arith.mulf %dot_general3A_5, %mul3A_19 : vector<1000x128xf32>
    %reduce_sum3A_21 = arith.constant dense<0.000000e+00> : vector<1000xf32>
    %reduce_sum3A_22 = vector.multi_reduction <add>, %mul3A_20, %reduce_sum3A_21 [1] : vector<1000x128xf32> to vector<1000xf32>
    %broadcast_in_dim3A_23 = vector.shape_cast %reduce_sum3A_22 : vector<1000xf32> to vector<1000x1xf32>
    %swap3A_24 = arith.constant 0 : index
    %swap3A_25 = arith.constant 0 : index
    %swap3A_26 = vector.load %arg7[%swap3A_24, %swap3A_25] : memref<1000x1xf32, #tpu.memory_space<vmem>>, vector<1000x1xf32>
    tpu.vector_store %arg7[%swap3A_24, %swap3A_25], %broadcast_in_dim3A_23 {strides = array<i32>} : memref<1000x1xf32, #tpu.memory_space<vmem>>, vector<1000x1xf32>,
    return
  }
  func.func @transform_0(%arg0: i32) -> (i32, i32) {
    %c0_i32 = arith.constant 0 : i32
    %c0_i32_0 = arith.constant 0 : i32
    return %arg0, %c0_i32 : i32, i32
  }
  func.func @transform_1(%arg0: i32) -> (i32, i32) {
    %c0_i32 = arith.constant 0 : i32
    %c0_i32_0 = arith.constant 0 : i32
    %c0_i32_1 = arith.constant 0 : i32
    return %c0_i32, %c0_i32_0 : i32, i32
  }
  func.func @transform_2(%arg0: i32) -> (i32, i32) {
    %c0_i32 = arith.constant 0 : i32
    %c0_i32_0 = arith.constant 0 : i32
    %c0_i32_1 = arith.constant 0 : i32
    return %c0_i32, %c0_i32_0 : i32, i32
  }
  func.func @transform_3(%arg0: i32) -> (i32, i32) {
    %c0_i32 = arith.constant 0 : i32
    %c0_i32_0 = arith.constant 0 : i32
    %c0_i32_1 = arith.constant 0 : i32
    return %c0_i32, %c0_i32_0 : i32, i32
  }
  func.func @transform_4(%arg0: i32) -> (i32, i32) {
    %c0_i32 = arith.constant 0 : i32
    %c0_i32_0 = arith.constant 0 : i32
    return %arg0, %c0_i32 : i32, i32
  }
  func.func @transform_5(%arg0: i32) -> (i32, i32) {
    %c0_i32 = arith.constant 0 : i32
    %c0_i32_0 = arith.constant 0 : i32
    return %arg0, %c0_i32 : i32, i32
  }
  func.func @transform_6(%arg0: i32) -> (i32, i32) {
    %c0_i32 = arith.constant 0 : i32
    %c0_i32_0 = arith.constant 0 : i32
    return %arg0, %c0_i32 : i32, i32
  }
}

module attributes {stable_mosaic.version = 14 : i64} {
  func.func @_combine_body(%arg0: memref<2x10000x128xf32, #tpu.memory_space<vmem>>, %arg1: memref<32x10000xf32, #tpu.memory_space<vmem>>, %arg2: memref<1x128xf32, #tpu.memory_space<vmem>>, %arg3: memref<10000x128xf32, #tpu.memory_space<vmem>>) attributes {dimension_semantics = [], scalar_prefetch = 0 : i64, scratch_operands = 0 : i64, tpu.core_type = #tpu.core_type<tc>} {
    %get3A = arith.constant 0 : index
    %get3A_0 = arith.constant 0 : index
    %get3A_1 = arith.constant 0 : index
    %get3A_2 = vector.load %arg0[%get3A, %get3A_0, %get3A_1] : memref<2x10000x128xf32, #tpu.memory_space<vmem>>, vector<1x10000x128xf32>
    %get3A_3 = vector.shape_cast %get3A_2 : vector<1x10000x128xf32> to vector<10000x128xf32>
    %get3A_4 = arith.constant 1 : index
    %get3A_5 = arith.constant 0 : index
    %get3A_6 = arith.constant 0 : index
    %get3A_7 = vector.load %arg0[%get3A_4, %get3A_5, %get3A_6] : memref<2x10000x128xf32, #tpu.memory_space<vmem>>, vector<1x10000x128xf32>
    %get3A_8 = vector.shape_cast %get3A_7 : vector<1x10000x128xf32> to vector<10000x128xf32>
    %add3A = arith.addf %get3A_3, %get3A_8 : vector<10000x128xf32>
    %get3A_9 = arith.constant 0 : index
    %get3A_10 = arith.constant 0 : index
    %get3A_11 = vector.load %arg1[%get3A_9, %get3A_10] : memref<32x10000xf32, #tpu.memory_space<vmem>>, vector<32x10000xf32>
    %reduce_sum3A = arith.constant dense<0.000000e+00> : vector<10000xf32>
    %reduce_sum3A_12 = vector.multi_reduction <add>, %get3A_11, %reduce_sum3A [0] : vector<32x10000xf32> to vector<10000xf32>
    %broadcast_in_dim3A = vector.shape_cast %reduce_sum3A_12 : vector<10000xf32> to vector<10000x1xf32>
    %add3A_13 = arith.constant 1.000000e-16 : f32
    %add3A_14 = vector.broadcast %add3A_13 : f32 to vector<10000x1xf32>
    %add3A_15 = arith.addf %broadcast_in_dim3A, %add3A_14 : vector<10000x1xf32>
    %div3A = vector.broadcast %add3A_15 : vector<10000x1xf32> to vector<10000x128xf32>
    %div3A_16 = arith.divf %add3A, %div3A : vector<10000x128xf32>
    %get3A_17 = arith.constant 0 : index
    %get3A_18 = arith.constant 0 : index
    %get3A_19 = vector.load %arg2[%get3A_17, %get3A_18] : memref<1x128xf32, #tpu.memory_space<vmem>>, vector<1x128xf32>
    %add3A_20 = vector.broadcast %get3A_19 : vector<1x128xf32> to vector<10000x128xf32>
    %add3A_21 = arith.addf %div3A_16, %add3A_20 : vector<10000x128xf32>
    %swap3A = arith.constant 0 : index
    %swap3A_22 = arith.constant 0 : index
    %swap3A_23 = vector.load %arg3[%swap3A, %swap3A_22] : memref<10000x128xf32, #tpu.memory_space<vmem>>, vector<10000x128xf32>
    tpu.vector_store %arg3[%swap3A, %swap3A_22], %add3A_21 {strides = array<i32>} : memref<10000x128xf32, #tpu.memory_space<vmem>>, vector<10000x128xf32>,
    return
  }
}

</mosaic_0001>

<sc_bundles>
// kernel: kernel.6.cloned.1.call-start
scs
__scs_entry_jumppad:
0x0: {  	(pc) =	sbr.rel $0x88, $3  }
0x1: {  	(tag) =	ssettag $0x0;
	lr =	simm.s32 $0x1  }
0x2: {  	[smem:$0x3F9B] =	sst lr;
	_ =	strace $0xD0000000  }
0x3: {  	_ = 	snop  }
0x4: {  	_ = 	snop  }
0x5: {  	_ = 	snop  }
0x6: {  	_ = 	snop  }
0x7: {  	_ = 	snop  }
__scs_overlays_trampoline_lowered:
0x8: {  	[smem:$0x3FAA] =	sst s0  }
0x9: {  	[smem:$0x3FAB] =	sst s1  }
0xa: {  	[smem:$0x3FAC] =	sst s2  }
0xb: {  	[smem:$0x3FAD] =	sst s3  }
0xc: {  	[smem:$0x3FAE] =	sst s4  }
0xd: {  	[smem:$0x3FAF] =	sst s5  }
0xe: {  	[smem:$0x3FB0] =	sst s6  }
0xf: {  	[smem:$0x3FB1] =	sst s7  }
0x10: {  	[smem:$0x3FB2] =	sst s8  }
0x11: {  	[smem:$0x3FB3] =	sst s9;
	s0 =	simm.s32 @!p0 $0x0  }
0x12: {  	s1 =	sld [smem:$0x3F99];
	s0 =	simm.s32 @p0 $0x1  }
0x13: {  	[smem:$0x3FB4] =	sst s0;
	s0 =	simm.s32 @!p1 $0x0  }
0x14: {  	s2 =	sld [smem:$0x3F98];
	s0 =	simm.s32 @p1 $0x1  }
0x15: {  	[smem:$0x3FB5] =	sst s0;
	s0 =	simm.s32 @!p2 $0x0  }
0x16: {  	s3 =	sld [smem:$0x3FDB];
	s0 =	simm.s32 @p2 $0x1  }
0x17: {  	s4 =	simm.s32 $0x1BF5;
	[smem:$0x3FB7] =	sst s0  }
0x18: {  	s0 =	sld [smem:$0x3F9A];
	_ =	swait.ge [sflag:s4], $0x0  }
0x19: {  	s7 =	sld [smem:$0x3F9B]  }
0x1a: {  	s8 =	sadd.s32 $0xFFFFE003, lr  }
0x1b: {  	s9 =	sadd.s32 $0xFFFFFEF7, lr;
	s5 =	simm.s32 $0xFFFFFFFF;
	p2 =	slt.u32 s8, $0xFFFFF086  }
0x1c: {  	p1 =	slt.u32 s9, $0xF7A;
	s5 =	simm.s32 @!p2 $0x0  }
0x1d: {  	s5 =	simm.s32 @p1 $0x1;
	p0 =	seq.s32 s7, s2  }
0x1e: {  	s7 =	smul.u32 @!p0 $0xF7A, s2;
	p2 =	seq.s32 @!p0 s5, $0x0  }
0x1f: {  	s9 =	smul.u32 $0xF7A, s1;
	s8 =	simm.s32 @!p0 $0x1BF5;
	p2 =	por !p2, p0  }
0x20: {  	[sflag:s8] =	ssyncset.s32 @!p0 $0xFFFFF086;
	s6 =	sadd.s32 @!p0 s3, s7;
	s7 =	simm.s32 @!p0 $0x108  }
0x21: {  	s3 =	sadd.s32 s3, s9;
	s6 =	sadd.s32 @!p0 $0x88, s6;
	s7 =	simm.s32 @p2 $0x1082  }
0x22: {  	[simem:s7], [sflag:s8] =	dma.local @!p0 [hbm:s6], $0xF7A  }
0x23: {  	s9 =	sor.u32 $0xD0000000, s2;
	s6 =	simm.s32 $0x108;
	_ =	swait.ge @!p0 [sflag:s8], $0x0  }
0x24: {  	s3 =	sadd.s32 $0x88, s3;
	s6 =	simm.s32 @!p1 $0x1082;
	[sflag:s4] =	ssyncset.s32 $0xFFFFF086  }
0x25: {  	[simem:s6], [sflag:s4] =	dma.local [hbm:s3], $0xF7A  }
0x26: {  	[smem:$0x3F9B] =	sst s1;
	(tag) =	ssettag s2;
	_ =	strace s9  }
0x27: {  	s1 =	sld [smem:$0x3FAB]  }
0x28: {  	s2 =	sld [smem:$0x3FAC]  }
0x29: {  	s4 =	sld [smem:$0x3FAE]  }
0x2a: {  	p0 =	seq.s32 s5, $0x0;
	s5 =	sld [smem:$0x3FAF]  }
0x2b: {  	s6 =	sld [smem:$0x3FB0]  }
0x2c: {  	s7 =	sld [smem:$0x3FB1]  }
0x2d: {  	s3 =	simm.s32 $0x108;
	s8 =	sld [smem:$0x3FB2]  }
0x2e: {  	s3 =	simm.s32 @!p0 $0x1082;
	s9 =	sld [smem:$0x3FB3]  }
0x2f: {  	lr =	sadd.s32 s0, s3;
	s0 =	sld [smem:$0x3FAA]  }
0x30: {  	s3 =	sld [smem:$0x3FAD]  }
0x31: {  	[smem:$0x3FB6] =	sst s10  }
0x32: {  	s10 =	sld [smem:$0x3FB4];
	_ =	sdelay $0x3  }
0x33: {  	p0 =	seq.s32 s10, $0x1;
	s10 =	sld [smem:$0x3FB6];
	_ =	sdelay $0x3  }
0x34: {  	[smem:$0x3FB6] =	sst s10  }
0x35: {  	s10 =	sld [smem:$0x3FB5];
	_ =	sdelay $0x3  }
0x36: {  	p1 =	seq.s32 s10, $0x1;
	s10 =	sld [smem:$0x3FB6];
	_ =	sdelay $0x3  }
0x37: {  	[smem:$0x3FB6] =	sst s10  }
0x38: {  	s10 =	sld [smem:$0x3FB7]  }
0x39: {  	_ = 	snop;
	(pc) =	sbr.ind lr, $3  }
0x3a: {  	_ = 	snop  }
0x3b: {  	_ = 	snop  }
0x3c: {  	p2 =	seq.s32 s10, $0x1;
	s10 =	sld [smem:$0x3FB6]  }
0x3d: {  	_ =	shalt  }
0x3e: {  	_ =	shalt  }
0x3f: {  	_ =	shalt  }
0x40: {  	_ =	shalt  }
0x41: {  	_ =	shalt  }
0x42: {  	_ =	shalt  }
0x43: {  	_ =	shalt  }
0x44: {  	_ =	shalt  }
0x45: {  	_ =	shalt  }
0x46: {  	_ =	shalt  }
0x47: {  	_ =	shalt  }
0x48: {  	_ =	shalt  }
0x49: {  	_ =	shalt  }
0x4a: {  	_ =	shalt  }
0x4b: {  	_ =	shalt  }
0x4c: {  	_ =	shalt  }
0x4d: {  	_ =	shalt  }
0x4e: {  	_ =	shalt  }
0x4f: {  	_ =	shalt  }
0x50: {  	_ =	shalt  }
0x51: {  	_ =	shalt  }
0x52: {  	_ =	shalt  }
0x53: {  	_ =	shalt  }
0x54: {  	_ =	shalt  }
0x55: {  	_ =	shalt  }
0x56: {  	_ =	shalt  }
0x57: {  	_ =	shalt  }
0x58: {  	_ =	shalt  }
0x59: {  	_ =	shalt  }
0x5a: {  	_ =	shalt  }
0x5b: {  	_ =	shalt  }
0x5c: {  	_ =	shalt  }
0x5d: {  	_ =	shalt  }
0x5e: {  	_ =	shalt  }
0x5f: {  	_ =	shalt  }
0x60: {  	_ =	shalt  }
0x61: {  	_ =	shalt  }
0x62: {  	_ =	shalt  }
0x63: {  	_ =	shalt  }
0x64: {  	_ =	shalt  }
0x65: {  	_ =	shalt  }
0x66: {  	_ =	shalt  }
0x67: {  	_ =	shalt  }
0x68: {  	_ =	shalt  }
0x69: {  	_ =	shalt  }
0x6a: {  	_ =	shalt  }
0x6b: {  	_ =	shalt  }
0x6c: {  	_ =	shalt  }
0x6d: {  	_ =	shalt  }
0x6e: {  	_ =	shalt  }
0x6f: {  	_ =	shalt  }
0x70: {  	_ =	shalt  }
0x71: {  	_ =	shalt  }
0x72: {  	_ =	shalt  }
0x73: {  	_ =	shalt  }
0x74: {  	_ =	shalt  }
0x75: {  	_ =	shalt  }
0x76: {  	_ =	shalt  }
0x77: {  	_ =	shalt  }
0x78: {  	_ =	shalt  }
0x79: {  	_ =	shalt  }
0x7a: {  	_ =	shalt  }
0x7b: {  	_ =	shalt  }
0x7c: {  	_ =	shalt  }
0x7d: {  	_ =	shalt  }
0x7e: {  	_ =	shalt  }
0x7f: {  	_ =	shalt  }
0x80: {  	_ =	shalt  }
0x81: {  	_ =	shalt  }
0x82: {  	_ =	shalt  }
0x83: {  	_ =	shalt  }
0x84: {  	_ =	shalt  }
0x85: {  	_ =	shalt  }
0x86: {  	_ =	shalt  }
0x87: {  	_ =	shalt  }
.Lfunc_end0:
.L_simem_size_0:
called_computation_lowered:
.L_overlay_start_0:
0x88: {  	s2 =	sld [smem:$0x3FD9]  }
0x89: {  	s3 =	sld [smem:$0x3FFE];
	_ =	sdelay $0x1  }
0x8a: {  	s1 =	srdreg.scid  }
0x8b: {  	s0 =	sand.u32 $0x1, s1  }
0x8c: {  	s16 =	sshll.u32 s0, $0xA;
	s2 =	sadd.s32 s3, s2  }
0x8d: {  	s2 =	sadd.s32 s2, s16  }
0x8e: {  	[smem:$0x3FC2] =	sst s2  }
0x8f: {  	_ = 	snop  }
0x90: {  	(tm) =	ssettm $0x1  }
0x91: {  	s17 =	sld [smem:$0x3FFB];
	_ =	sdelay $0x3  }
0x92: {  	_ =	strace s17  }
0x93: {  	s2 =	sld [smem:$0x3FFC];
	_ =	sdelay $0x3  }
0x94: {  	_ =	strace s2  }
0x95: {  	s2 =	sld [smem:$0x3FFD];
	_ =	sdelay $0x3  }
0x96: {  	_ =	strace s2  }
0x97: {  	_ =	strace $0x8FFFFFFF  }
0x98: {  	s18 =	sld [smem:$0x3FDB];
	_ =	sdelay $0x1  }
0x99: {  	s19 =	simm.s32 $_scs_section_size  }
0x9a: {  	s4 =	simm.s32 $_size__tile_overlayer_lowered;
	s5 =	simm.s32 $_tile_overlayer_lowered  }
0x9b: {  	s22 =	simm.s32 $0x1BFF;
	s21 =	sshll.u32 s5, $0x1;
	s2 =	sadd.s32 s19, s18  }
0x9c: {  	s6 =	simm.s32 $0x0;
	s20 =	sshll.u32 s4, $0x1;
	s4 =	sadd.s32 s21, s2  }
0x9d: {  	[timem:s6], [sflag:s22] =	dma.local [hbm:s4], s20  }
0x9e: {  	_ =	swait.ge [sflag:s22], s20  }
0x9f: {  	s3 =	ssub.s32 $0x0, s20;
	[sflag:s22] =	ssyncset.done $0x0  }
0xa0: {  	[sflag:s22] =	ssyncadd.s32 s3;
	_ =	sdelay $0x1  }
0xa1: {  	s23 =	simm.s32 $0x1B8B  }
0xa2: {  	_ =	swait.ge [sflag:s23], $0x1  }
0xa3: {  	[sflag:s23] =	ssyncset.done $0x0  }
0xa4: {  	s25 =	simm.s32 $0x1B8E;
	s24 =	sld [smem:$0x3FFE];
	[sflag:s23] =	ssyncadd.s32 $0xFFFFFFFF  }
0xa5: {  	s26 =	simm.s32 $execute0_lowered;
	[smem:$0x3FD2] =	sst s25  }
0xa6: {  	s4 =	sshll.u32 s26, $0x1;
	_ =	strace $0x80000046;
	[dreg:$0x1] =	wrdreg $0xFFFFFFFF  }
0xa7: {  	s28 =	simm.s32 $_size_execute0_lowered;
	s2 =	sadd.s32 s2, s4;
	[dreg:$0x0] =	wrdreg $0x0  }
0xa8: {  	s4 =	sshll.u32 s28, $0x1;
	[dreg:$0x2] =	wrdreg s2  }
0xa9: {  	[dreg:$0x3] =	wrdreg s4  }
0xaa: {  	[dreg:$0x4] =	wrdreg $0xC0  }
0xab: {  	_ =	task [dreg:s6], $0x5FFFF  }
0xac: {  	[dreg:$0x1] =	wrdreg $0xFFFFFFFF  }
0xad: {  	[dreg:$0x0] =	wrdreg $0x60  }
0xae: {  	[dreg:$0x2] =	wrdreg s24  }
0xaf: {  	[dreg:$0x3] =	wrdreg $0x9  }
0xb0: {  	_ =	task.clear_ibuf [dreg:s6], $0x4FFFF;
	_ =	strace $0x90000046  }
0xb1: {  	s29 =	simm.s32 $0x9;
	_ =	strace $0x80000048  }
0xb2: {  	_ =	swait.ge [sflag:s29], $0x1  }
0xb3: {  	[sflag:s29] =	ssyncadd.s32 $0xFFFFFFFF  }
0xb4: {  	_ =	strace $0x90000048  }
0xb5: {  	_ =	sfence  }
0xb6: {  	s30 =	sld [smem:$0x0];
	_ =	sdelay $0x2  }
0xb7: {  	s31 =	sshll.u32 s1, $0xD;
	s1 =	sshrl.u32 s1, $0x2  }
0xb8: {  	s3 =	sand.u32 $0x4000, s31;
	s1 =	sadd.s32 s1, s30  }
0xb9: {  	s0 =	sor.u32 s3, s0;
	s1 =	sshll.u32 s1, $0x11  }
0xba: {  	s0 =	sor.u32 s1, s0  }
0xbb: {  	s0 =	sadd.s32 $0x8F2B, s0  }
0xbc: {  	[sflag:s0] =	ssyncadd.remote.s32 $0x1  }
0xbd: {  	_ =	sfence.sel $0xFFFF  }
0xbe: {  	[dreg:$0x0] =	wrdreg $0xFFFFFFFF;
	(pc) =	sbr.abs _section_cstart, $3  }
0xbf: {  	[dreg:$0x1] =	wrdreg $0xFFFFFFFF  }
0xc0: {  	_ =	task.clear_ibuf [dreg:s6], $0x2FFFF;
	_ =	strace $0x9FFFFFFF  }
0xc1: {  	(tm) =	ssettm $0x7FFFFFFF  }
tec
execute0_lowered:
.L_overlay_start_1:
0x0: {  	(tag) =	ssettag $0x1  }
0x1: {  	s0 =	srdreg.scid;
	s6 =	rddreg [dreg:$0x0]  }
0x2: {  	s2 =	simm.s32 $0x0;
	s10 =	simm.s32 $0x1;
	s11 =	simm.s32 $0x4000  }
0x3: {  	s12 =	simm.s32 $0x8000;
	s13 =	simm.s32 $0xA780;
	s14 =	simm.s32 $0x10F00  }
0x4: {  	s15 =	simm.s32 $0xCF00;
	s16 =	simm.s32 $0x80;
	s5 =	sand.u32 $0x1, s0  }
0x5: {  	s17 =	simm.s32 $0x400;
	s0 =	stileid.u32;
	s1 =	sshll.u32 s5, $0x4  }
0x6: {  	v0 =	vimm.s32 $0xFFEDCBA9;
	v1 =	vimm.s32 $0x87654321;
	s18 =	simm.s32 $0x0;
	[smem:$0x7FF] =	sst s2;
	s7 =	sor.u32 s0, s1  }
0x7: {  	s4 =	sadd.s32 $0x21000, s6;
	v0 =	vunpack.c.l.s4.s8 v0;
	v1 =	vunpack.c.l.s4.s8 v1;
	s29 =	sshll.u32 s0, $0x7;
	s3 =	sshrl.u32 s7, $0x3  }
0x8: {  	s5 =	ssub.s32 $0x2, s5;
	s1 =	rddreg [dreg:$0x1];
	s8 =	smul.u32 $0x13C00, s3  }
0x9: {  	_ =	strace $0x80000047;
	s9 =	sand.u32 $0x380, s29;
	s30 =	sshrl.u32 s5, $0x1;
	v0 =	vunpack.c.0.s8.s32 v0;
	v1 =	vunpack.c.0.s8.s32 v1  }
0xa: {  	s7 =	sshll.u32 s7, $0xB;
	s31 =	ssub.s32 s5, s30;
	s8 =	sor.u32 s9, s8  }
0xb: {  	s3 =	sadd.s32 $0x20A00, s6;
	s7 =	sadd.s32 s7, s6;
	v1 =	vcombine.low v1, v0;
	s8 =	sshrl.u32 s8, $0x3  }
0xc: {  	s5 =	sadd.s32 $0x10A00, s7;
	s9 =	smax.u32 s31, $0x1;
	s8 =	sadd.s32 s8, s6  }
0xd: {  	vm0 =	vcmask $0x3F3C;
	v0 =	vimm.f32 $0.0e+00;
	v1 =	vand.u32 $0xF, v1;
	s6 =	sadd.s32 $0xA00, s7;
	s7 =	sadd.s32 $0x21600, s7;
	s8 =	sadd.s32 $0x31600, s8  }
.LBB2_1:
0xe: {  	s19 =	simm.s32 $0x40;
	s20 =	simm.s32 $0x0  }
.LBB2_2:
0xf: {  	p0 =	sne.s32 s19, $0x9C00;
	[tilespmem:s20+$0x10F00] =	vst v0;
	s20 =	smov.u32 s19;
	s19 =	sadd.s32 $0x40, s19  }
.Ltmp0:
0x10: {  	(pc) =	sbr.rel @p0 .LBB2_2-.Ltmp0, $2  }
0x11: {  	_ =	sdelay $0x2  }
0x12: {  	s20 =	sshra.s32 s20, $0x2  }
0x13: {  	[tilespmem:s20+$0x10F00] =	vst v0;
	s19 =	simm.s32 $0x0  }
0x14: {  	[tilespmem:s19], [sflag:$0x1] =	stream.linear.gather [hbm4b:s5+s19], $0x3E80, $0x38;
	[tilespmem:$0x13680] =	vst v63  }
0x15: {  	_ =	swait.ge [sflag:s10], $0x3E80  }
0x16: {  	[sflag:s10] =	ssyncset.done $0x0  }
0x17: {  	[sflag:s10] =	ssyncadd.s32 $0xFFFFC180  }
0x18: {  	[tilespmem:s11], [sflag:$0x1] =	stream.linear.gather [hbm4b:s6+s19], $0x3E80, $0x38;
	[tilespmem:$0x13680] =	vst v63  }
0x19: {  	_ =	swait.ge [sflag:s10], $0x3E80  }
0x1a: {  	[sflag:s10] =	ssyncset.done $0x0  }
0x1b: {  	[sflag:s10] =	ssyncadd.s32 $0xFFFFC180  }
0x1c: {  	[tilespmem:s12], [sflag:$0x1] =	stream.linear.gather [hbm4b:s3+s19], $0x2780, $0x38;
	[tilespmem:$0x13680] =	vst v63  }
0x1d: {  	_ =	swait.ge [sflag:s10], $0x2780  }
0x1e: {  	[sflag:s10] =	ssyncset.done $0x0  }
0x1f: {  	[sflag:s10] =	ssyncadd.s32 $0xFFFFD880  }
0x20: {  	[tilespmem:s13], [sflag:$0x1] =	stream.linear.gather [hbm4b:s4+s19], $0x2780, $0x38;
	[tilespmem:$0x13680] =	vst v63  }
0x21: {  	_ =	swait.ge [sflag:s10], $0x2780  }
0x22: {  	[sflag:s10] =	ssyncset.done $0x0  }
0x23: {  	[sflag:s10] =	ssyncadd.s32 $0xFFFFD880  }
.LBB2_4:
0x24: {  	s20 =	sshra.s32 s19, $0x2  }
0x25: {  	v2 =	vld [tilespmem:s20+$0x0]  }
0x26: {  	v3 =	vld [tilespmem:s20+$0x4000];
	_ =	sdelay $0x6  }
0x27: {  	v2 =	vld.idx.msk [tilespmem:v2+s12+$0x0], $0xffff  }
0x28: {  	v4 =	vld.idx.msk [tilespmem:v3+s13+$0x0], $0xffff;
	_ =	sdelay $0x4  }
0x29: {  	v2 =	vadd.f32 v4, v2;
	_ =	sdelay $0x1  }
0x2a: {  	v4 =	vmul.f32 $2.000000030e-01, v2  }
0x2b: {  	vm1 =	vge.f32 v2, $0.0e+00  }
0x2c: {  	v2 =	vsel vm1, v2, v4  }
0x2d: {  	v2 =	vmul.f32 $1.442695020e+00, v2;
	_ =	sdelay $0x1  }
0x2e: {  	(erf) = vpow2.f32 v2;
	_ =	sdelay $0x8  }
0x2f: {  	v3 =	vxor.u32 $0x80000000, v3;
	v2 =	vpop (erf)  }
0x30: {  	(xrf1) =	vsort.ascd.msk.u32 $0xffff, v3, v2;
	_ =	sdelay $0xd  }
0x31: {  	v3, v50, _ =	vpop (xrf1)  }
0x32: {  	(xrf2) =	vadd.scan.msk.f32 $0xffff, v50;
	_ =	sdelay $0x1  }
0x33: {  	v3 =	vxor.u32 $0x80000000, v3  }
0x34: {  	v51 =	vperm.xlane v3, v1;
	_ =	sdelay $0x1  }
0x35: {  	vm1 =	vne.s32 v3, v51  }
0x36: {  	vm2 =	vmor vm1, vm0;
	_ =	sdelay $0x3  }
0x37: {  	v5, _, _ =	vpop (xrf2)  }
0x38: {  	[tilespmem:s20+$0xCF00] =	vst v2;
	v2 =	vsub.f32 $0.0e+00, v5  }
0x39: {  	[tilespmem:v3+s14+$0x0] =	vst.idx.add.f32.msk vm2, v5  }
0x3a: {  	[tilespmem:v51+s14+$0x0] =	vst.idx.add.f32.msk vm1, v2  }
0x3b: {  	v2 =	vld [tilespmem:s20+$0x10]  }
0x3c: {  	v3 =	vld [tilespmem:s20+$0x4010];
	_ =	sdelay $0x6  }
0x3d: {  	v2 =	vld.idx.msk [tilespmem:v2+s12+$0x0], $0xffff  }
0x3e: {  	v4 =	vld.idx.msk [tilespmem:v3+s13+$0x0], $0xffff;
	_ =	sdelay $0x4  }
0x3f: {  	v2 =	vadd.f32 v4, v2;
	_ =	sdelay $0x1  }
0x40: {  	v4 =	vmul.f32 $2.000000030e-01, v2  }
0x41: {  	vm1 =	vge.f32 v2, $0.0e+00  }
0x42: {  	v2 =	vsel vm1, v2, v4  }
0x43: {  	v2 =	vmul.f32 $1.442695020e+00, v2;
	_ =	sdelay $0x1  }
0x44: {  	(erf) = vpow2.f32 v2;
	_ =	sdelay $0x8  }
0x45: {  	v3 =	vxor.u32 $0x80000000, v3;
	v2 =	vpop (erf)  }
0x46: {  	(xrf1) =	vsort.ascd.msk.u32 $0xffff, v3, v2;
	_ =	sdelay $0xd  }
0x47: {  	v3, v52, _ =	vpop (xrf1)  }
0x48: {  	(xrf2) =	vadd.scan.msk.f32 $0xffff, v52;
	_ =	sdelay $0x1  }
0x49: {  	v3 =	vxor.u32 $0x80000000, v3  }
0x4a: {  	v53 =	vperm.xlane v3, v1;
	_ =	sdelay $0x1  }
0x4b: {  	vm1 =	vne.s32 v3, v53  }
0x4c: {  	vm2 =	vmor vm1, vm0;
	_ =	sdelay $0x3  }
0x4d: {  	v54, _, _ =	vpop (xrf2)  }
0x4e: {  	[tilespmem:s20+$0xCF10] =	vst v2;
	v2 =	vsub.f32 $0.0e+00, v54  }
0x4f: {  	[tilespmem:v3+s14+$0x0] =	vst.idx.add.f32.msk vm2, v54  }
0x50: {  	[tilespmem:v53+s14+$0x0] =	vst.idx.add.f32.msk vm1, v2  }
0x51: {  	v2 =	vld [tilespmem:s20+$0x20]  }
0x52: {  	v3 =	vld [tilespmem:s20+$0x4020];
	_ =	sdelay $0x6  }
0x53: {  	v2 =	vld.idx.msk [tilespmem:v2+s12+$0x0], $0xffff  }
0x54: {  	v4 =	vld.idx.msk [tilespmem:v3+s13+$0x0], $0xffff;
	_ =	sdelay $0x4  }
0x55: {  	v2 =	vadd.f32 v4, v2;
	_ =	sdelay $0x1  }
0x56: {  	v4 =	vmul.f32 $2.000000030e-01, v2  }
0x57: {  	vm1 =	vge.f32 v2, $0.0e+00  }
0x58: {  	v2 =	vsel vm1, v2, v4  }
0x59: {  	v2 =	vmul.f32 $1.442695020e+00, v2;
	_ =	sdelay $0x1  }
0x5a: {  	(erf) = vpow2.f32 v2;
	_ =	sdelay $0x8  }
0x5b: {  	v3 =	vxor.u32 $0x80000000, v3;
	v2 =	vpop (erf)  }
0x5c: {  	(xrf1) =	vsort.ascd.msk.u32 $0xffff, v3, v2;
	_ =	sdelay $0xd  }
0x5d: {  	v3, v55, _ =	vpop (xrf1)  }
0x5e: {  	(xrf2) =	vadd.scan.msk.f32 $0xffff, v55;
	_ =	sdelay $0x1  }
0x5f: {  	v3 =	vxor.u32 $0x80000000, v3  }
0x60: {  	v56 =	vperm.xlane v3, v1;
	_ =	sdelay $0x1  }
0x61: {  	vm1 =	vne.s32 v3, v56  }
0x62: {  	vm2 =	vmor vm1, vm0;
	_ =	sdelay $0x3  }
0x63: {  	v57, _, _ =	vpop (xrf2)  }
0x64: {  	[tilespmem:s20+$0xCF20] =	vst v2;
	v2 =	vsub.f32 $0.0e+00, v57  }
0x65: {  	[tilespmem:v3+s14+$0x0] =	vst.idx.add.f32.msk vm2, v57  }
0x66: {  	[tilespmem:v56+s14+$0x0] =	vst.idx.add.f32.msk vm1, v2  }
0x67: {  	v2 =	vld [tilespmem:s20+$0x30]  }
0x68: {  	v3 =	vld [tilespmem:s20+$0x4030];
	_ =	sdelay $0x6  }
0x69: {  	v2 =	vld.idx.msk [tilespmem:v2+s12+$0x0], $0xffff  }
0x6a: {  	v4 =	vld.idx.msk [tilespmem:v3+s13+$0x0], $0xffff;
	_ =	sdelay $0x4  }
0x6b: {  	v2 =	vadd.f32 v4, v2;
	_ =	sdelay $0x1  }
0x6c: {  	v4 =	vmul.f32 $2.000000030e-01, v2  }
0x6d: {  	vm1 =	vge.f32 v2, $0.0e+00  }
0x6e: {  	v2 =	vsel vm1, v2, v4  }
0x6f: {  	v2 =	vmul.f32 $1.442695020e+00, v2;
	_ =	sdelay $0x1  }
0x70: {  	(erf) = vpow2.f32 v2;
	_ =	sdelay $0x8  }
0x71: {  	v3 =	vxor.u32 $0x80000000, v3;
	v2 =	vpop (erf)  }
0x72: {  	(xrf1) =	vsort.ascd.msk.u32 $0xffff, v3, v2;
	_ =	sdelay $0xd  }
0x73: {  	v3, v58, _ =	vpop (xrf1)  }
0x74: {  	(xrf2) =	vadd.scan.msk.f32 $0xffff, v58;
	_ =	sdelay $0x1  }
0x75: {  	v3 =	vxor.u32 $0x80000000, v3  }
0x76: {  	v59 =	vperm.xlane v3, v1;
	_ =	sdelay $0x1  }
0x77: {  	vm1 =	vne.s32 v3, v59  }
0x78: {  	vm2 =	vmor vm1, vm0;
	_ =	sdelay $0x3  }
0x79: {  	v60, _, _ =	vpop (xrf2)  }
0x7a: {  	[tilespmem:s20+$0xCF30] =	vst v2;
	v2 =	vsub.f32 $0.0e+00, v60  }
0x7b: {  	[tilespmem:v3+s14+$0x0] =	vst.idx.add.f32.msk vm2, v60  }
0x7c: {  	[tilespmem:v59+s14+$0x0] =	vst.idx.add.f32.msk vm1, v2  }
0x7d: {  	v2 =	vld [tilespmem:s20+$0x40]  }
0x7e: {  	v3 =	vld [tilespmem:s20+$0x4040];
	_ =	sdelay $0x6  }
0x7f: {  	v2 =	vld.idx.msk [tilespmem:v2+s12+$0x0], $0xffff  }
0x80: {  	v4 =	vld.idx.msk [tilespmem:v3+s13+$0x0], $0xffff;
	_ =	sdelay $0x4  }
0x81: {  	v2 =	vadd.f32 v4, v2;
	_ =	sdelay $0x1  }
0x82: {  	v4 =	vmul.f32 $2.000000030e-01, v2  }
0x83: {  	vm1 =	vge.f32 v2, $0.0e+00  }
0x84: {  	v2 =	vsel vm1, v2, v4  }
0x85: {  	v2 =	vmul.f32 $1.442695020e+00, v2;
	_ =	sdelay $0x1  }
0x86: {  	(erf) = vpow2.f32 v2;
	_ =	sdelay $0x8  }
0x87: {  	v3 =	vxor.u32 $0x80000000, v3;
	v2 =	vpop (erf)  }
0x88: {  	(xrf1) =	vsort.ascd.msk.u32 $0xffff, v3, v2;
	_ =	sdelay $0xd  }
0x89: {  	v3, v61, _ =	vpop (xrf1)  }
0x8a: {  	(xrf2) =	vadd.scan.msk.f32 $0xffff, v61;
	_ =	sdelay $0x1  }
0x8b: {  	v3 =	vxor.u32 $0x80000000, v3  }
0x8c: {  	v62 =	vperm.xlane v3, v1;
	_ =	sdelay $0x1  }
0x8d: {  	vm1 =	vne.s32 v3, v62  }
0x8e: {  	vm2 =	vmor vm1, vm0;
	_ =	sdelay $0x1  }
0x8f: {  	p0 =	sne.s32 s19, $0xF800  }
.Ltmp1:
0x90: {  	_ = 	snop;
	(pc) =	sbr.rel @p0 .LBB2_4-.Ltmp1, $4  }
0x91: {  	v63, _, _ =	vpop (xrf2)  }
0x92: {  	[tilespmem:s20+$0xCF40] =	vst v2;
	v2 =	vsub.f32 $0.0e+00, v63  }
0x93: {  	[tilespmem:v3+s14+$0x0] =	vst.idx.add.f32.msk vm2, v63  }
0x94: {  	s19 =	sadd.s32 $0x200, s19;
	[tilespmem:v62+s14+$0x0] =	vst.idx.add.f32.msk vm1, v2  }
0x95: {  	[hbm4b:s7+s2] =	stream.linear.scatter [tilespmem:s15], [sflag:$0x1], $0x3E80, $0x38;
	[tilespmem:$0x13680] =	vst v63  }
0x96: {  	s18 =	sadd.s32 $0x1, s18;
	_ =	swait.ge [sflag:s10], $0x3E80  }
0x97: {  	p0 =	sne.s32 s18, s9;
	[sflag:s10] =	ssyncset.done $0x0  }
.Ltmp2:
0x98: {  	[sflag:s10] =	ssyncadd.s32 $0xFFFFC180;
	(pc) =	sbr.rel @p0 .LBB2_1-.Ltmp2, $4  }
0x99: {  	[hbm4b:s8+s16] =	stream.strided.scatter [tilespmem:s14], [sflag:$0x1], $0x2780, s17, s16, $0x38;
	[tilespmem:$0x13680] =	vst v63  }
0x9a: {  	_ =	swait.ge [sflag:s10], $0x2780  }
0x9b: {  	[sflag:s10] =	ssyncset.done $0x0  }
0x9c: {  	[sflag:s10] =	ssyncadd.s32 $0xFFFFD880  }
0x9d: {  	_ =	sfence.sel $0x180000  }
0x9e: {  	[bflag:$0x0] =	sbarrier.arrive $0xFFFF  }
0x9f: {  	p0 =	sne.s32 s0, $0x0;
	_ =	strace $0x90000047  }
0xa0: {  	s0 =	sadd.s32 @!p0 $0x100000, s1;
	[bflag:$0x2] =	sbarrier.arrive $0xFFFF  }
0xa1: {  	[sflag:s0] =	ssyncadd.tile.s32 @!p0 $0x1;
	_ =	shalt  }
.Lfunc_end2:
_tile_overlayer_lowered:
.L_overlay_start_2:
0xa2: {  	(tag) =	ssettag $0x2  }
0xa3: {  	s0 =	rddreg [dreg:$0x0];
	s2 =	stileid.u32  }
0xa4: {  	s1 =	rddreg [dreg:$0x1];
	p0 =	sne.s32 s2, $0x0  }
0xa5: {  	s3 =	rddreg [dreg:$0x2];
	[bflag:$0x3] =	sbarrier.arrive $0xFFFF;
	s2 =	simm.s32 @!p0 $0x1C01  }
0xa6: {  	[timem:s3], [sflag:s2] =	dma.local @!p0 [hbm:s0], s1  }
0xa7: {  	s0 =	simm.s32 @!p0 $0x1  }
0xa8: {  	_ =	swait.ge @!p0 [sflag:s0], s1  }
0xa9: {  	s1 =	ssub.s32 @!p0 $0x0, s1;
	[sflag:s0] =	ssyncset.done @!p0 $0x0  }
0xaa: {  	[sflag:s0] =	ssyncadd.s32 @!p0 s1  }
0xab: {  	[bflag:$0x3] =	sbarrier.arrive $0xFFFF  }
0xac: {  	_ =	shalt  }

// kernel: kernel.9.cloned.1.call-start
scs
__scs_entry_jumppad:
0x0: {  	(pc) =	sbr.rel $0x88, $3  }
0x1: {  	(tag) =	ssettag $0x0;
	lr =	simm.s32 $0x1  }
0x2: {  	[smem:$0x3F9B] =	sst lr;
	_ =	strace $0xD0000000  }
0x3: {  	_ = 	snop  }
0x4: {  	_ = 	snop  }
0x5: {  	_ = 	snop  }
0x6: {  	_ = 	snop  }
0x7: {  	_ = 	snop  }
__scs_overlays_trampoline_lowered:
0x8: {  	[smem:$0x3FAA] =	sst s0  }
0x9: {  	[smem:$0x3FAB] =	sst s1  }
0xa: {  	[smem:$0x3FAC] =	sst s2  }
0xb: {  	[smem:$0x3FAD] =	sst s3  }
0xc: {  	[smem:$0x3FAE] =	sst s4  }
0xd: {  	[smem:$0x3FAF] =	sst s5  }
0xe: {  	[smem:$0x3FB0] =	sst s6  }
0xf: {  	[smem:$0x3FB1] =	sst s7  }
0x10: {  	[smem:$0x3FB2] =	sst s8  }
0x11: {  	[smem:$0x3FB3] =	sst s9;
	s0 =	simm.s32 @!p0 $0x0  }
0x12: {  	s1 =	sld [smem:$0x3F99];
	s0 =	simm.s32 @p0 $0x1  }
0x13: {  	[smem:$0x3FB4] =	sst s0;
	s0 =	simm.s32 @!p1 $0x0  }
0x14: {  	s2 =	sld [smem:$0x3F98];
	s0 =	simm.s32 @p1 $0x1  }
0x15: {  	[smem:$0x3FB5] =	sst s0;
	s0 =	simm.s32 @!p2 $0x0  }
0x16: {  	s3 =	sld [smem:$0x3FDB];
	s0 =	simm.s32 @p2 $0x1  }
0x17: {  	s4 =	simm.s32 $0x1BF5;
	[smem:$0x3FB7] =	sst s0  }
0x18: {  	s0 =	sld [smem:$0x3F9A];
	_ =	swait.ge [sflag:s4], $0x0  }
0x19: {  	s7 =	sld [smem:$0x3F9B]  }
0x1a: {  	s8 =	sadd.s32 $0xFFFFE003, lr  }
0x1b: {  	s9 =	sadd.s32 $0xFFFFFEF7, lr;
	s5 =	simm.s32 $0xFFFFFFFF;
	p2 =	slt.u32 s8, $0xFFFFF086  }
0x1c: {  	p1 =	slt.u32 s9, $0xF7A;
	s5 =	simm.s32 @!p2 $0x0  }
0x1d: {  	s5 =	simm.s32 @p1 $0x1;
	p0 =	seq.s32 s7, s2  }
0x1e: {  	s7 =	smul.u32 @!p0 $0xF7A, s2;
	p2 =	seq.s32 @!p0 s5, $0x0  }
0x1f: {  	s9 =	smul.u32 $0xF7A, s1;
	s8 =	simm.s32 @!p0 $0x1BF5;
	p2 =	por !p2, p0  }
0x20: {  	[sflag:s8] =	ssyncset.s32 @!p0 $0xFFFFF086;
	s6 =	sadd.s32 @!p0 s3, s7;
	s7 =	simm.s32 @!p0 $0x108  }
0x21: {  	s3 =	sadd.s32 s3, s9;
	s6 =	sadd.s32 @!p0 $0x88, s6;
	s7 =	simm.s32 @p2 $0x1082  }
0x22: {  	[simem:s7], [sflag:s8] =	dma.local @!p0 [hbm:s6], $0xF7A  }
0x23: {  	s9 =	sor.u32 $0xD0000000, s2;
	s6 =	simm.s32 $0x108;
	_ =	swait.ge @!p0 [sflag:s8], $0x0  }
0x24: {  	s3 =	sadd.s32 $0x88, s3;
	s6 =	simm.s32 @!p1 $0x1082;
	[sflag:s4] =	ssyncset.s32 $0xFFFFF086  }
0x25: {  	[simem:s6], [sflag:s4] =	dma.local [hbm:s3], $0xF7A  }
0x26: {  	[smem:$0x3F9B] =	sst s1;
	(tag) =	ssettag s2;
	_ =	strace s9  }
0x27: {  	s1 =	sld [smem:$0x3FAB]  }
0x28: {  	s2 =	sld [smem:$0x3FAC]  }
0x29: {  	s4 =	sld [smem:$0x3FAE]  }
0x2a: {  	p0 =	seq.s32 s5, $0x0;
	s5 =	sld [smem:$0x3FAF]  }
0x2b: {  	s6 =	sld [smem:$0x3FB0]  }
0x2c: {  	s7 =	sld [smem:$0x3FB1]  }
0x2d: {  	s3 =	simm.s32 $0x108;
	s8 =	sld [smem:$0x3FB2]  }
0x2e: {  	s3 =	simm.s32 @!p0 $0x1082;
	s9 =	sld [smem:$0x3FB3]  }
0x2f: {  	lr =	sadd.s32 s0, s3;
	s0 =	sld [smem:$0x3FAA]  }
0x30: {  	s3 =	sld [smem:$0x3FAD]  }
0x31: {  	[smem:$0x3FB6] =	sst s10  }
0x32: {  	s10 =	sld [smem:$0x3FB4];
	_ =	sdelay $0x3  }
0x33: {  	p0 =	seq.s32 s10, $0x1;
	s10 =	sld [smem:$0x3FB6];
	_ =	sdelay $0x3  }
0x34: {  	[smem:$0x3FB6] =	sst s10  }
0x35: {  	s10 =	sld [smem:$0x3FB5];
	_ =	sdelay $0x3  }
0x36: {  	p1 =	seq.s32 s10, $0x1;
	s10 =	sld [smem:$0x3FB6];
	_ =	sdelay $0x3  }
0x37: {  	[smem:$0x3FB6] =	sst s10  }
0x38: {  	s10 =	sld [smem:$0x3FB7]  }
0x39: {  	_ = 	snop;
	(pc) =	sbr.ind lr, $3  }
0x3a: {  	_ = 	snop  }
0x3b: {  	_ = 	snop  }
0x3c: {  	p2 =	seq.s32 s10, $0x1;
	s10 =	sld [smem:$0x3FB6]  }
0x3d: {  	_ =	shalt  }
0x3e: {  	_ =	shalt  }
0x3f: {  	_ =	shalt  }
0x40: {  	_ =	shalt  }
0x41: {  	_ =	shalt  }
0x42: {  	_ =	shalt  }
0x43: {  	_ =	shalt  }
0x44: {  	_ =	shalt  }
0x45: {  	_ =	shalt  }
0x46: {  	_ =	shalt  }
0x47: {  	_ =	shalt  }
0x48: {  	_ =	shalt  }
0x49: {  	_ =	shalt  }
0x4a: {  	_ =	shalt  }
0x4b: {  	_ =	shalt  }
0x4c: {  	_ =	shalt  }
0x4d: {  	_ =	shalt  }
0x4e: {  	_ =	shalt  }
0x4f: {  	_ =	shalt  }
0x50: {  	_ =	shalt  }
0x51: {  	_ =	shalt  }
0x52: {  	_ =	shalt  }
0x53: {  	_ =	shalt  }
0x54: {  	_ =	shalt  }
0x55: {  	_ =	shalt  }
0x56: {  	_ =	shalt  }
0x57: {  	_ =	shalt  }
0x58: {  	_ =	shalt  }
0x59: {  	_ =	shalt  }
0x5a: {  	_ =	shalt  }
0x5b: {  	_ =	shalt  }
0x5c: {  	_ =	shalt  }
0x5d: {  	_ =	shalt  }
0x5e: {  	_ =	shalt  }
0x5f: {  	_ =	shalt  }
0x60: {  	_ =	shalt  }
0x61: {  	_ =	shalt  }
0x62: {  	_ =	shalt  }
0x63: {  	_ =	shalt  }
0x64: {  	_ =	shalt  }
0x65: {  	_ =	shalt  }
0x66: {  	_ =	shalt  }
0x67: {  	_ =	shalt  }
0x68: {  	_ =	shalt  }
0x69: {  	_ =	shalt  }
0x6a: {  	_ =	shalt  }
0x6b: {  	_ =	shalt  }
0x6c: {  	_ =	shalt  }
0x6d: {  	_ =	shalt  }
0x6e: {  	_ =	shalt  }
0x6f: {  	_ =	shalt  }
0x70: {  	_ =	shalt  }
0x71: {  	_ =	shalt  }
0x72: {  	_ =	shalt  }
0x73: {  	_ =	shalt  }
0x74: {  	_ =	shalt  }
0x75: {  	_ =	shalt  }
0x76: {  	_ =	shalt  }
0x77: {  	_ =	shalt  }
0x78: {  	_ =	shalt  }
0x79: {  	_ =	shalt  }
0x7a: {  	_ =	shalt  }
0x7b: {  	_ =	shalt  }
0x7c: {  	_ =	shalt  }
0x7d: {  	_ =	shalt  }
0x7e: {  	_ =	shalt  }
0x7f: {  	_ =	shalt  }
0x80: {  	_ =	shalt  }
0x81: {  	_ =	shalt  }
0x82: {  	_ =	shalt  }
0x83: {  	_ =	shalt  }
0x84: {  	_ =	shalt  }
0x85: {  	_ =	shalt  }
0x86: {  	_ =	shalt  }
0x87: {  	_ =	shalt  }
.Lfunc_end0:
.L_simem_size_0:
called_computation.1_lowered:
.L_overlay_start_0:
0x88: {  	s2 =	sld [smem:$0x3FD9]  }
0x89: {  	s3 =	sld [smem:$0x3FFE];
	_ =	sdelay $0x1  }
0x8a: {  	s1 =	srdreg.scid  }
0x8b: {  	s0 =	sand.u32 $0x1, s1  }
0x8c: {  	s17 =	sshll.u32 s0, $0xA;
	s2 =	sadd.s32 s3, s2  }
0x8d: {  	s2 =	sadd.s32 s2, s17  }
0x8e: {  	[smem:$0x3FC2] =	sst s2  }
0x8f: {  	_ = 	snop  }
0x90: {  	s2 =	sld [smem:$0x3FD0];
	(tm) =	ssettm $0x1  }
0x91: {  	s18 =	sld [smem:$0x3FFB];
	_ =	sdelay $0x3  }
0x92: {  	_ =	strace s18  }
0x93: {  	s3 =	sld [smem:$0x3FFC];
	_ =	sdelay $0x3  }
0x94: {  	_ =	strace s3  }
0x95: {  	s3 =	sld [smem:$0x3FFD];
	_ =	sdelay $0x3  }
0x96: {  	_ =	strace s3  }
0x97: {  	_ =	strace $0x8FFFFFFF  }
0x98: {  	s19 =	sld [smem:$0x3FDB];
	_ =	sdelay $0x1  }
0x99: {  	s4 =	simm.s32 $_scs_section_size  }
0x9a: {  	s5 =	simm.s32 $_size__tile_overlayer_lowered;
	s6 =	simm.s32 $_tile_overlayer_lowered  }
0x9b: {  	s22 =	simm.s32 $0x1BFF;
	s21 =	sshll.u32 s6, $0x1;
	s3 =	sadd.s32 s4, s19  }
0x9c: {  	s7 =	simm.s32 $0x0;
	s20 =	sshll.u32 s5, $0x1;
	s5 =	sadd.s32 s21, s3  }
0x9d: {  	[timem:s7], [sflag:s22] =	dma.local [hbm:s5], s20  }
0x9e: {  	_ =	swait.ge [sflag:s22], s20  }
0x9f: {  	s4 =	ssub.s32 $0x0, s20;
	[sflag:s22] =	ssyncset.done $0x0  }
0xa0: {  	[sflag:s22] =	ssyncadd.s32 s4;
	_ =	sdelay $0x1  }
0xa1: {  	s23 =	simm.s32 $0x1B8B  }
0xa2: {  	_ =	swait.ge [sflag:s23], $0x1  }
0xa3: {  	[sflag:s23] =	ssyncset.done $0x0  }
0xa4: {  	s25 =	simm.s32 $0x1B8E;
	s24 =	sld [smem:$0x3FFE];
	[sflag:s23] =	ssyncadd.s32 $0xFFFFFFFF  }
0xa5: {  	s26 =	simm.s32 $execute0_lowered;
	[smem:$0x3FD2] =	sst s25  }
0xa6: {  	s5 =	sshll.u32 s26, $0x1;
	_ =	strace $0x80000049;
	[dreg:$0x1] =	wrdreg $0xFFFFFFFF  }
0xa7: {  	s28 =	simm.s32 $_size_execute0_lowered;
	s3 =	sadd.s32 s3, s5;
	[dreg:$0x0] =	wrdreg $0x0  }
0xa8: {  	s5 =	sshll.u32 s28, $0x1;
	[dreg:$0x2] =	wrdreg s3  }
0xa9: {  	[dreg:$0x3] =	wrdreg s5  }
0xaa: {  	[dreg:$0x4] =	wrdreg $0xC0  }
0xab: {  	_ =	task [dreg:s7], $0x5FFFF  }
0xac: {  	[dreg:$0x1] =	wrdreg $0xFFFFFFFF  }
0xad: {  	[dreg:$0x0] =	wrdreg $0x60  }
0xae: {  	[dreg:$0x2] =	wrdreg s2  }
0xaf: {  	[dreg:$0x3] =	wrdreg s24  }
0xb0: {  	[dreg:$0x4] =	wrdreg $0x51800  }
0xb1: {  	[dreg:$0x5] =	wrdreg $0x9  }
0xb2: {  	_ =	task.clear_ibuf [dreg:s7], $0x6FFFF;
	_ =	strace $0x90000049  }
0xb3: {  	s29 =	simm.s32 $0x9;
	_ =	strace $0x8000004B  }
0xb4: {  	_ =	swait.ge [sflag:s29], $0x1  }
0xb5: {  	[sflag:s29] =	ssyncadd.s32 $0xFFFFFFFF  }
0xb6: {  	_ =	strace $0x9000004B  }
0xb7: {  	_ =	sfence  }
0xb8: {  	s30 =	sld [smem:$0x0];
	_ =	sdelay $0x2  }
0xb9: {  	s31 =	sshll.u32 s1, $0xD;
	s1 =	sshrl.u32 s1, $0x2  }
0xba: {  	s3 =	sand.u32 $0x4000, s31;
	s1 =	sadd.s32 s1, s30  }
0xbb: {  	s0 =	sor.u32 s3, s0;
	s1 =	sshll.u32 s1, $0x11  }
0xbc: {  	s0 =	sor.u32 s1, s0  }
0xbd: {  	s0 =	sadd.s32 $0x8F2B, s0  }
0xbe: {  	[sflag:s0] =	ssyncadd.remote.s32 $0x1  }
0xbf: {  	_ =	sfence.sel $0xFFFF  }
0xc0: {  	[dreg:$0x0] =	wrdreg $0xFFFFFFFF;
	(pc) =	sbr.abs _section_cstart, $3  }
0xc1: {  	[dreg:$0x1] =	wrdreg $0xFFFFFFFF  }
0xc2: {  	_ =	task.clear_ibuf [dreg:s7], $0x2FFFF;
	_ =	strace $0x9FFFFFFF  }
0xc3: {  	(tm) =	ssettm $0x7FFFFFFF  }
tec
execute0_lowered:
.L_overlay_start_1:
0x0: {  	(tag) =	ssettag $0x1  }
0x1: {  	s1 =	rddreg [dreg:$0x0]  }
0x2: {  	s0 =	rddreg [dreg:$0x1]  }
0x3: {  	s2 =	rddreg [dreg:$0x2]  }
0x4: {  	s3 =	srdreg.scid;
	s4 =	simm.s32 $0x0;
	s19 =	simm.s32 $0x2980  }
0x5: {  	s20 =	simm.s32 $0x2;
	s21 =	simm.s32 $0x80;
	s22 =	simm.s32 $0x100  }
0x6: {  	s23 =	simm.s32 $0x50;
	s24 =	simm.s32 $0x180;
	s14 =	sand.u32 $0x1, s3  }
0x7: {  	s25 =	simm.s32 $0x1;
	s3 =	stileid.u32;
	s8 =	smul.u32 $0x138800, s14  }
0x8: {  	[smem:$0x7FF] =	sst s4;
	s5 =	sadd.s32 $0x10A00, s0;
	s9 =	smul.u32 $0x13800, s3  }
0x9: {  	s6 =	sadd.s32 $0xA00, s0;
	s7 =	sadd.s32 $0x21600, s0;
	s10 =	smul.u32 $0x4E000, s3  }
0xa: {  	s31 =	ssub.s32 $0x2, s14;
	s16 =	sshll.u32 s14, $0xF;
	s17 =	sshll.u32 s3, $0xB  }
0xb: {  	_ =	strace $0x8000004A;
	s12 =	sshrl.u32 s31, $0x1;
	s16 =	sor.u32 s17, s16  }
0xc: {  	s8 =	sadd.s32 s9, s8;
	s10 =	sshrl.u32 s10, $0x2;
	s18 =	ssub.s32 s31, s12  }
0xd: {  	s11 =	sshrl.u32 s8, $0x3;
	s8 =	sadd.s32 s10, s2;
	s18 =	smax.u32 s18, $0x1  }
0xe: {  	s0 =	sadd.s32 s11, s0;
	s9 =	sadd.s32 $0x2800, s8;
	s10 =	sadd.s32 $0x5000, s8  }
0xf: {  	s11 =	sadd.s32 $0x7800, s8;
	s12 =	sadd.s32 $0xA000, s8;
	s13 =	sadd.s32 $0xC800, s8  }
0x10: {  	v0 =	vimm.f32 $0.0e+00;
	s14 =	sadd.s32 $0xF000, s8;
	s15 =	sadd.s32 $0x11800, s8;
	s17 =	sadd.s32 $0x3B400, s0  }
.LBB2_1:
0x11: {  	s26 =	simm.s32 $0x0;
	s28 =	simm.s32 $0x200  }
.LBB2_2:
0x12: {  	p0 =	sne.s32 s28, $0x9E00;
	[tilespmem:s26+$0x29F0] =	vst v0  }
0x13: {  	[tilespmem:s26+$0x2980] =	vst v0  }
0x14: {  	[tilespmem:s26+$0x2990] =	vst v0  }
.Ltmp0:
0x15: {  	[tilespmem:s26+$0x29A0] =	vst v0;
	(pc) =	sbr.rel @p0 .LBB2_2-.Ltmp0, $4  }
0x16: {  	[tilespmem:s26+$0x29B0] =	vst v0  }
0x17: {  	[tilespmem:s26+$0x29C0] =	vst v0  }
0x18: {  	[tilespmem:s26+$0x29D0] =	vst v0  }
0x19: {  	[tilespmem:s26+$0x29E0] =	vst v0;
	s26 =	sshra.s32 s28, $0x2;
	s28 =	sadd.s32 $0x200, s28  }
0x1a: {  	[tilespmem:s26+$0x29F0] =	vst v0  }
0x1b: {  	[tilespmem:s26+$0x2980] =	vst v0  }
0x1c: {  	[tilespmem:s26+$0x2990] =	vst v0  }
0x1d: {  	[tilespmem:s26+$0x29A0] =	vst v0  }
0x1e: {  	[tilespmem:s26+$0x29B0] =	vst v0  }
0x1f: {  	[tilespmem:s26+$0x29C0] =	vst v0  }
0x20: {  	[tilespmem:s26+$0x29D0] =	vst v0  }
0x21: {  	[tilespmem:s26+$0x29E0] =	vst v0  }
0x22: {  	[spmem:s8] =	stream.linear.scatter [tilespmem:s19], [sflag:$0x2], $0x2800, $0x38;
	[tilespmem:$0x18A00] =	vst v63  }
0x23: {  	_ =	swait.ge [sflag:s20], $0x2800  }
0x24: {  	[sflag:s20] =	ssyncset.done $0x0  }
0x25: {  	[sflag:s20] =	ssyncadd.s32 $0xFFFFD800  }
0x26: {  	[spmem:s9] =	stream.linear.scatter [tilespmem:s19], [sflag:$0x2], $0x2800, $0x38;
	[tilespmem:$0x18A00] =	vst v63  }
0x27: {  	_ =	swait.ge [sflag:s20], $0x2800  }
0x28: {  	[sflag:s20] =	ssyncset.done $0x0  }
0x29: {  	[sflag:s20] =	ssyncadd.s32 $0xFFFFD800  }
0x2a: {  	[spmem:s10] =	stream.linear.scatter [tilespmem:s19], [sflag:$0x2], $0x2800, $0x38;
	[tilespmem:$0x18A00] =	vst v63  }
0x2b: {  	_ =	swait.ge [sflag:s20], $0x2800  }
0x2c: {  	[sflag:s20] =	ssyncset.done $0x0  }
0x2d: {  	[sflag:s20] =	ssyncadd.s32 $0xFFFFD800  }
0x2e: {  	[spmem:s11] =	stream.linear.scatter [tilespmem:s19], [sflag:$0x2], $0x2800, $0x38;
	[tilespmem:$0x18A00] =	vst v63  }
0x2f: {  	_ =	swait.ge [sflag:s20], $0x2800  }
0x30: {  	[sflag:s20] =	ssyncset.done $0x0  }
0x31: {  	[sflag:s20] =	ssyncadd.s32 $0xFFFFD800  }
0x32: {  	[spmem:s12] =	stream.linear.scatter [tilespmem:s19], [sflag:$0x2], $0x2800, $0x38;
	[tilespmem:$0x18A00] =	vst v63  }
0x33: {  	_ =	swait.ge [sflag:s20], $0x2800  }
0x34: {  	[sflag:s20] =	ssyncset.done $0x0  }
0x35: {  	[sflag:s20] =	ssyncadd.s32 $0xFFFFD800  }
0x36: {  	[spmem:s13] =	stream.linear.scatter [tilespmem:s19], [sflag:$0x2], $0x2800, $0x38;
	[tilespmem:$0x18A00] =	vst v63  }
0x37: {  	_ =	swait.ge [sflag:s20], $0x2800  }
0x38: {  	[sflag:s20] =	ssyncset.done $0x0  }
0x39: {  	[sflag:s20] =	ssyncadd.s32 $0xFFFFD800  }
0x3a: {  	[spmem:s14] =	stream.linear.scatter [tilespmem:s19], [sflag:$0x2], $0x2800, $0x38;
	[tilespmem:$0x18A00] =	vst v63  }
0x3b: {  	_ =	swait.ge [sflag:s20], $0x2800  }
0x3c: {  	[sflag:s20] =	ssyncset.done $0x0  }
0x3d: {  	[sflag:s20] =	ssyncadd.s32 $0xFFFFD800  }
0x3e: {  	[spmem:s15] =	stream.linear.scatter [tilespmem:s19], [sflag:$0x2], $0x2800, $0x38;
	[tilespmem:$0x18A00] =	vst v63  }
0x3f: {  	_ =	swait.ge [sflag:s20], $0x2800  }
0x40: {  	[sflag:s20] =	ssyncset.done $0x0  }
0x41: {  	[sflag:s20] =	ssyncadd.s32 $0xFFFFD800  }
0x42: {  	s26 =	simm.s32 $0x0;
	s28 =	simm.s32 $0x0;
	[bflag:$0x0] =	sbarrier.arrive $0xFFFF  }
.LBB2_4:
0x43: {  	s0 =	sshll.u32 s28, $0x4  }
0x44: {  	s0 =	sadd.s32 s16, s0  }
0x45: {  	s29 =	sadd.s32 s5, s0  }
0x46: {  	[tilespmem:s26], [sflag:$0x2] =	stream.linear.gather [hbm4b:s29+s26], $0x80, $0x38;
	[tilespmem:$0x18A00] =	vst v63  }
0x47: {  	_ =	swait.ge [sflag:s20], $0x80  }
0x48: {  	[sflag:s20] =	ssyncset.done $0x0  }
0x49: {  	s29 =	sadd.s32 s6, s0;
	[sflag:s20] =	ssyncadd.s32 $0xFFFFFF80  }
0x4a: {  	[tilespmem:s21], [sflag:$0x2] =	stream.linear.gather [hbm4b:s29+s26], $0x80, $0x38;
	[tilespmem:$0x18A00] =	vst v63  }
0x4b: {  	_ =	swait.ge [sflag:s20], $0x80  }
0x4c: {  	[sflag:s20] =	ssyncset.done $0x0  }
0x4d: {  	s0 =	sadd.s32 s7, s0;
	[sflag:s20] =	ssyncadd.s32 $0xFFFFFF80  }
0x4e: {  	[tilespmem:s22], [sflag:$0x2] =	stream.linear.gather [hbm4b:s0+s26], $0x80, $0x38;
	[tilespmem:$0x18A00] =	vst v63  }
0x4f: {  	_ =	swait.ge [sflag:s20], $0x80  }
0x50: {  	[sflag:s20] =	ssyncset.done $0x0  }
0x51: {  	[sflag:s20] =	ssyncadd.s32 $0xFFFFFF80  }
0x52: {  	[tilespmem:s24], [sflag:$0x1] =	stream.indirect.gather [hbm4b:s1+s23], $0x80, s26, s23, $0xb8;
	[tilespmem:$0x18A00] =	vst v63  }
0x53: {  	_ =	swait.ge [sflag:s25], $0x2800  }
0x54: {  	[sflag:s25] =	ssyncset.done $0x0  }
0x55: {  	s29 =	simm.s32 $0x0;
	[sflag:s25] =	ssyncadd.s32 $0xFFFFD800  }
0x56: {  	v0 =	vld [tilespmem:s29+$0x530];
	_ =	sdelay $0x4  }
0x57: {  	[tilespmem:$0x1FDD0] =	vst v0;
	v0 =	vld [tilespmem:s29+$0x540];
	_ =	sdelay $0x2  }
0x58: {  	v2 =	vld [tilespmem:s29+$0x180]  }
0x59: {  	v4 =	vld [tilespmem:s29+$0x190]  }
0x5a: {  	s0 =	simm.s32 $0x0;
	[tilespmem:$0x1FDE0] =	vst v0;
	v0 =	vld [tilespmem:s29+$0x550]  }
0x5b: {  	s0 =	sand.u32 $0x3FFFFFF0, s0;
	v6 =	vld [tilespmem:s29+$0x1A0]  }
0x5c: {  	v29 =	vld [tilespmem:s0+$0x100]  }
0x5d: {  	v7 =	vld [tilespmem:s29+$0x1B0]  }
0x5e: {  	v9 =	vld [tilespmem:s29+$0x1C0]  }
0x5f: {  	[tilespmem:$0x1FDF0] =	vst v0;
	v0 =	vld [tilespmem:s29+$0x560]  }
0x60: {  	v11 =	vld [tilespmem:s29+$0x1D0]  }
0x61: {  	v12 =	vld [tilespmem:s29+$0x1E0];
	v30 =	vbroadcast v29, $0x0  }
0x62: {  	v14 =	vld [tilespmem:s29+$0x1F0]  }
0x63: {  	v15 =	vld [tilespmem:s29+$0x200];
	v41 =	vmul.f32 v30, v2  }
0x64: {  	v4 =	vmul.f32 v4, v30;
	v6 =	vmul.f32 v6, v30;
	[tilespmem:$0x1FE00] =	vst v0;
	v0 =	vld [tilespmem:s29+$0x580]  }
0x65: {  	v7 =	vmul.f32 v7, v30;
	v9 =	vmul.f32 v9, v30  }
0x66: {  	v17 =	vld [tilespmem:s29+$0x220];
	v11 =	vmul.f32 v11, v30;
	v12 =	vmul.f32 v12, v30  }
0x67: {  	v14 =	vmul.f32 v14, v30;
	v30 =	vbroadcast v29, $0x1  }
0x68: {  	v18 =	vld [tilespmem:s29+$0x230];
	[tilespmem:s29+$0x29B0] =	vst v7  }
0x69: {  	v7 =	vmul.f32 v15, v30;
	[tilespmem:$0x1FE10] =	vst v0;
	v0 =	vld [tilespmem:s29+$0x590];
	_ =	sdelay $0x1  }
0x6a: {  	v19 =	vld [tilespmem:s29+$0x240];
	[tilespmem:s29+$0x2A00] =	vst v7;
	v7 =	vmul.f32 v17, v30  }
0x6b: {  	v20 =	vld [tilespmem:s29+$0x250]  }
0x6c: {  	v22 =	vld [tilespmem:s29+$0x270];
	[tilespmem:s29+$0x2A20] =	vst v7  }
0x6d: {  	v7 =	vmul.f32 v18, v30;
	[tilespmem:$0x1FE20] =	vst v0;
	v0 =	vld [tilespmem:s29+$0x5A0]  }
0x6e: {  	v23 =	vld [tilespmem:s29+$0x280]  }
0x6f: {  	v26 =	vld [tilespmem:s29+$0x2B0];
	[tilespmem:s29+$0x2A30] =	vst v7;
	v7 =	vmul.f32 v19, v30  }
0x70: {  	v32 =	vld [tilespmem:s29+$0x2E0]  }
0x71: {  	[tilespmem:s29+$0x2A40] =	vst v7;
	v7 =	vmul.f32 v20, v30  }
0x72: {  	v20 =	vmul.f32 v22, v30;
	[tilespmem:$0x1FE30] =	vst v0;
	v0 =	vbroadcast v29, $0x2;
	_ =	sdelay $0x1  }
0x73: {  	v1 =	vld [tilespmem:s29+$0x310];
	[tilespmem:s29+$0x2A70] =	vst v20;
	v20 =	vmul.f32 v23, v0  }
0x74: {  	v23 =	vmul.f32 v26, v0;
	v26 =	vmul.f32 v32, v0  }
0x75: {  	v3 =	vld [tilespmem:s29+$0x320]  }
0x76: {  	[tilespmem:s29+$0x2AE0] =	vst v26;
	v26 =	vbroadcast v29, $0x3  }
0x77: {  	v5 =	vld [tilespmem:s29+$0x330]  }
0x78: {  	v1 =	vmul.f32 v1, v26  }
0x79: {  	v8 =	vld [tilespmem:s29+$0x340]  }
0x7a: {  	[tilespmem:s29+$0x2B10] =	vst v1;
	v1 =	vmul.f32 v3, v26;
	v3 =	vld [tilespmem:s29+$0x730];
	_ =	sdelay $0x1  }
0x7b: {  	v34 =	vld [tilespmem:s29+$0x350];
	[tilespmem:s29+$0x2B20] =	vst v1;
	v1 =	vmul.f32 v5, v26;
	_ =	sdelay $0x1  }
0x7c: {  	v35 =	vld [tilespmem:s29+$0x360];
	[tilespmem:s29+$0x2B30] =	vst v1  }
0x7d: {  	v1 =	vmul.f32 v8, v26;
	[tilespmem:$0x1FE40] =	vst v3;
	v3 =	vld [tilespmem:s29+$0x760]  }
0x7e: {  	v38 =	vld [tilespmem:s29+$0x370]  }
0x7f: {  	[tilespmem:s29+$0x2B40] =	vst v1;
	v1 =	vmul.f32 v34, v26  }
0x80: {  	v36 =	vld [tilespmem:s29+$0x380]  }
0x81: {  	[tilespmem:s29+$0x2B50] =	vst v1;
	v1 =	vmul.f32 v35, v26  }
0x82: {  	v37 =	vld [tilespmem:s29+$0x390];
	[tilespmem:$0x1FE50] =	vst v3  }
0x83: {  	v3 =	vmul.f32 v38, v26;
	[tilespmem:s29+$0x2B60] =	vst v1;
	v1 =	vbroadcast v29, $0x4  }
0x84: {  	v39 =	vld [tilespmem:s29+$0x3A0]  }
0x85: {  	[tilespmem:s29+$0x2B70] =	vst v3;
	v3 =	vmul.f32 v36, v1  }
0x86: {  	v40 =	vld [tilespmem:s29+$0x3B0]  }
0x87: {  	[tilespmem:s29+$0x2B80] =	vst v3;
	v3 =	vmul.f32 v37, v1  }
0x88: {  	v44 =	vld [tilespmem:s29+$0x3C0]  }
0x89: {  	[tilespmem:s29+$0x2B90] =	vst v3;
	v3 =	vmul.f32 v39, v1  }
0x8a: {  	v46 =	vld [tilespmem:s29+$0x3D0]  }
0x8b: {  	[tilespmem:s29+$0x2BA0] =	vst v3;
	v3 =	vmul.f32 v40, v1  }
0x8c: {  	v54 =	vld [tilespmem:s29+$0x3E0]  }
0x8d: {  	[tilespmem:s29+$0x2BB0] =	vst v3;
	v3 =	vmul.f32 v44, v1  }
0x8e: {  	v13 =	vld [tilespmem:s29+$0x3F0]  }
0x8f: {  	[tilespmem:s29+$0x2BC0] =	vst v3;
	v3 =	vmul.f32 v46, v1  }
0x90: {  	v49 =	vld [tilespmem:s29+$0x400]  }
0x91: {  	[tilespmem:s29+$0x2BD0] =	vst v3;
	v3 =	vmul.f32 v54, v1  }
0x92: {  	v50 =	vld [tilespmem:s29+$0x410]  }
0x93: {  	v1 =	vmul.f32 v13, v1;
	[tilespmem:s29+$0x2BE0] =	vst v3;
	v3 =	vbroadcast v29, $0x5  }
0x94: {  	v51 =	vld [tilespmem:s29+$0x420]  }
0x95: {  	[tilespmem:s29+$0x2BF0] =	vst v1;
	v1 =	vmul.f32 v49, v3  }
0x96: {  	v52 =	vld [tilespmem:s29+$0x430]  }
0x97: {  	[tilespmem:s29+$0x2C00] =	vst v1;
	v1 =	vmul.f32 v50, v3  }
0x98: {  	v53 =	vld [tilespmem:s29+$0x440]  }
0x99: {  	[tilespmem:s29+$0x2C10] =	vst v1;
	v1 =	vmul.f32 v51, v3  }
0x9a: {  	v55 =	vld [tilespmem:s29+$0x450]  }
0x9b: {  	[tilespmem:s29+$0x2C20] =	vst v1;
	v1 =	vmul.f32 v52, v3  }
0x9c: {  	v28 =	vld [tilespmem:s29+$0x460]  }
0x9d: {  	[tilespmem:s29+$0x2C30] =	vst v1;
	v1 =	vmul.f32 v53, v3  }
0x9e: {  	v10 =	vld [tilespmem:s29+$0x470]  }
0x9f: {  	[tilespmem:s29+$0x2C40] =	vst v1;
	v1 =	vmul.f32 v55, v3  }
0xa0: {  	v63 =	vld [tilespmem:s29+$0x480]  }
0xa1: {  	[tilespmem:s29+$0x2C50] =	vst v1;
	v1 =	vmul.f32 v28, v3  }
0xa2: {  	v58 =	vld [tilespmem:s29+$0x490]  }
0xa3: {  	v3 =	vmul.f32 v10, v3;
	[tilespmem:s29+$0x2C60] =	vst v1;
	v1 =	vbroadcast v29, $0x6  }
0xa4: {  	v59 =	vld [tilespmem:s29+$0x4A0]  }
0xa5: {  	[tilespmem:s29+$0x2C70] =	vst v3;
	v3 =	vmul.f32 v63, v1  }
0xa6: {  	v60 =	vld [tilespmem:s29+$0x4B0]  }
0xa7: {  	[tilespmem:s29+$0x2C80] =	vst v3;
	v3 =	vmul.f32 v58, v1  }
0xa8: {  	v61 =	vld [tilespmem:s29+$0x4C0]  }
0xa9: {  	[tilespmem:s29+$0x2C90] =	vst v3;
	v3 =	vmul.f32 v59, v1  }
0xaa: {  	v62 =	vld [tilespmem:s29+$0x4D0]  }
0xab: {  	[tilespmem:s29+$0x2CA0] =	vst v3;
	v3 =	vmul.f32 v60, v1  }
0xac: {  	v47 =	vld [tilespmem:s29+$0x4E0]  }
0xad: {  	[tilespmem:s29+$0x2CB0] =	vst v3;
	v3 =	vmul.f32 v61, v1  }
0xae: {  	v43 =	vld [tilespmem:s29+$0x4F0]  }
0xaf: {  	[tilespmem:s29+$0x2CC0] =	vst v3;
	v3 =	vmul.f32 v62, v1  }
0xb0: {  	v57 =	vld [tilespmem:s29+$0x500]  }
0xb1: {  	[tilespmem:s29+$0x2CD0] =	vst v3;
	v3 =	vmul.f32 v47, v1  }
0xb2: {  	v56 =	vld [tilespmem:s29+$0x510]  }
0xb3: {  	v1 =	vmul.f32 v43, v1;
	[tilespmem:s29+$0x2CE0] =	vst v3;
	v3 =	vbroadcast v29, $0x7  }
0xb4: {  	v48 =	vld [tilespmem:s29+$0x520]  }
0xb5: {  	[tilespmem:s29+$0x2CF0] =	vst v1;
	v1 =	vmul.f32 v57, v3;
	_ =	sdelay $0x1  }
0xb6: {  	[tilespmem:s29+$0x2D00] =	vst v1;
	v1 =	vmul.f32 v56, v3;
	_ =	sdelay $0x1  }
0xb7: {  	[tilespmem:s29+$0x2D10] =	vst v1;
	v1 =	vmul.f32 v48, v3  }
0xb8: {  	v16 =	vld [tilespmem:s29+$0x210]  }
0xb9: {  	[tilespmem:s29+$0x2D20] =	vst v1;
	v1 =	vld [tilespmem:$0x1FDD0]  }
0xba: {  	v21 =	vld [tilespmem:s29+$0x260]  }
0xbb: {  	v24 =	vld [tilespmem:s29+$0x290]  }
0xbc: {  	v25 =	vld [tilespmem:s29+$0x2A0]  }
0xbd: {  	v27 =	vld [tilespmem:s29+$0x2C0]  }
0xbe: {  	v31 =	vld [tilespmem:s29+$0x2D0];
	v1 =	vmul.f32 v1, v3  }
0xbf: {  	v33 =	vld [tilespmem:s29+$0x2F0]  }
0xc0: {  	[tilespmem:s29+$0x2D30] =	vst v1;
	v1 =	vld [tilespmem:$0x1FDE0]  }
0xc1: {  	v42 =	vld [tilespmem:s29+$0x300]  }
0xc2: {  	v45 =	vld [tilespmem:s29+$0x5F0]  }
0xc3: {  	v2 =	vld [tilespmem:s29+$0x570];
	[tilespmem:s29+$0x2980] =	vst v41  }
0xc4: {  	[tilespmem:s29+$0x29A0] =	vst v6;
	v6 =	vld [tilespmem:s29+$0x5B0]  }
0xc5: {  	[tilespmem:s29+$0x2990] =	vst v4;
	v4 =	vld [tilespmem:s29+$0x5C0];
	v1 =	vmul.f32 v1, v3  }
0xc6: {  	[tilespmem:s29+$0x29C0] =	vst v9;
	v9 =	vld [tilespmem:s29+$0x5D0]  }
0xc7: {  	[tilespmem:s29+$0x2D40] =	vst v1;
	v1 =	vld [tilespmem:$0x1FDF0]  }
0xc8: {  	[tilespmem:s29+$0x29D0] =	vst v11;
	v11 =	vld [tilespmem:s29+$0x5E0]  }
0xc9: {  	[tilespmem:s29+$0x29E0] =	vst v12;
	v12 =	vld [tilespmem:s29+$0x600]  }
0xca: {  	[tilespmem:s29+$0x29F0] =	vst v14;
	v16 =	vmul.f32 v16, v30;
	v41 =	vld [tilespmem:s29+$0x610]  }
0xcb: {  	v14 =	vld [tilespmem:s29+$0x620];
	[tilespmem:s29+$0x2A50] =	vst v7;
	v7 =	vmul.f32 v21, v30  }
0xcc: {  	v15 =	vld [tilespmem:s29+$0x630];
	[tilespmem:s29+$0x2A10] =	vst v16;
	v1 =	vmul.f32 v1, v3  }
0xcd: {  	v16 =	vld [tilespmem:s29+$0x640];
	[tilespmem:s29+$0x2A60] =	vst v7  }
0xce: {  	v21 =	vmul.f32 v24, v0;
	[tilespmem:s29+$0x2D50] =	vst v1;
	v1 =	vld [tilespmem:$0x1FE00]  }
0xcf: {  	v17 =	vld [tilespmem:s29+$0x650];
	v22 =	vmul.f32 v25, v0;
	[tilespmem:s29+$0x2A80] =	vst v20  }
0xd0: {  	v18 =	vld [tilespmem:s29+$0x660];
	[tilespmem:s29+$0x2A90] =	vst v21  }
0xd1: {  	v19 =	vld [tilespmem:s29+$0x680];
	v24 =	vmul.f32 v27, v0;
	[tilespmem:s29+$0x2AA0] =	vst v22  }
0xd2: {  	v25 =	vmul.f32 v31, v0;
	[tilespmem:s29+$0x2AB0] =	vst v23;
	v36 =	vld [tilespmem:s29+$0x790]  }
0xd3: {  	[tilespmem:s29+$0x2AC0] =	vst v24;
	v40 =	vld [tilespmem:s29+$0x860];
	v1 =	vmul.f32 v1, v3  }
0xd4: {  	v0 =	vmul.f32 v33, v0;
	[tilespmem:s29+$0x2AD0] =	vst v25;
	v8 =	vld [tilespmem:s29+$0x920]  }
0xd5: {  	[tilespmem:s29+$0x2D60] =	vst v1;
	v1 =	vld [tilespmem:$0x1FE10]  }
0xd6: {  	[tilespmem:s29+$0x2AF0] =	vst v0;
	v35 =	vld [tilespmem:s29+$0x940]  }
0xd7: {  	v27 =	vmul.f32 v42, v26;
	[tilespmem:$0x1FE60] =	vst v36;
	v36 =	vld [tilespmem:s29+$0x950]  }
0xd8: {  	[tilespmem:$0x1FEA0] =	vst v40;
	v40 =	vbroadcast v29, $0x8;
	v49 =	vld [tilespmem:s29+$0x880]  }
0xd9: {  	[tilespmem:s29+$0x2B00] =	vst v27;
	v50 =	vld [tilespmem:s29+$0x900];
	v2 =	vmul.f32 v2, v3  }
0xda: {  	[tilespmem:$0x1FFA0] =	vst v8;
	v10 =	vld [tilespmem:s29+$0x930];
	v1 =	vmul.f32 v1, v40  }
0xdb: {  	[tilespmem:s29+$0x2D70] =	vst v2;
	v2 =	vld [tilespmem:$0x1FE20]  }
0xdc: {  	[tilespmem:s29+$0x2D80] =	vst v1;
	v1 =	vld [tilespmem:$0x1FE30]  }
0xdd: {  	v30 =	vld [tilespmem:s29+$0x670];
	[tilespmem:$0x1FFD0] =	vst v35  }
0xde: {  	v33 =	vld [tilespmem:s29+$0x6F0];
	[tilespmem:$0x1FFE0] =	vst v36  }
0xdf: {  	v20 =	vld [tilespmem:s29+$0x690];
	[tilespmem:$0x1FED0] =	vst v49  }
0xe0: {  	v21 =	vld [tilespmem:s29+$0x6A0];
	[tilespmem:$0x1FF60] =	vst v50;
	v2 =	vmul.f32 v2, v40  }
0xe1: {  	v22 =	vld [tilespmem:s29+$0x6B0];
	[tilespmem:$0x1FFB0] =	vst v10;
	v1 =	vmul.f32 v1, v40  }
0xe2: {  	v23 =	vld [tilespmem:s29+$0x6C0];
	[tilespmem:s29+$0x2D90] =	vst v2;
	v2 =	vmul.f32 v6, v40  }
0xe3: {  	v24 =	vld [tilespmem:s29+$0x6D0];
	[tilespmem:s29+$0x2DA0] =	vst v1;
	v1 =	vmul.f32 v4, v40  }
0xe4: {  	v25 =	vld [tilespmem:s29+$0x6E0];
	[tilespmem:s29+$0x2DB0] =	vst v2;
	v2 =	vmul.f32 v9, v40  }
0xe5: {  	v0 =	vld [tilespmem:s29+$0x700];
	v43 =	vbroadcast v29, $0x9;
	[tilespmem:s29+$0x2DC0] =	vst v1;
	v1 =	vmul.f32 v11, v40  }
0xe6: {  	v42 =	vld [tilespmem:s29+$0x720];
	[tilespmem:s29+$0x2DD0] =	vst v2;
	v2 =	vmul.f32 v45, v40  }
0xe7: {  	s30 =	simm.s32 $0x800;
	v27 =	vld [tilespmem:s29+$0x710];
	[tilespmem:s29+$0x2DE0] =	vst v1;
	v1 =	vmul.f32 v12, v43  }
0xe8: {  	v10 =	vld [tilespmem:s30+$0x180];
	[tilespmem:s29+$0x2DF0] =	vst v2;
	v2 =	vmul.f32 v41, v43  }
0xe9: {  	v45 =	vmul.f32 v14, v43;
	v3 =	vld [tilespmem:s30+$0x190];
	[tilespmem:s29+$0x2E00] =	vst v1  }
0xea: {  	v1 =	vld [tilespmem:s30+$0x1A0];
	[tilespmem:s29+$0x2E10] =	vst v2;
	v2 =	vmul.f32 v15, v43  }
0xeb: {  	v48 =	vmul.f32 v16, v43;
	v11 =	vld [tilespmem:s30+$0x1B0];
	[tilespmem:s29+$0x2E20] =	vst v45  }
0xec: {  	v4 =	vld [tilespmem:s30+$0x1C0];
	[tilespmem:s29+$0x2E30] =	vst v2;
	v2 =	vmul.f32 v17, v43  }
0xed: {  	v50 =	vbroadcast v29, $0xA;
	v49 =	vmul.f32 v18, v43;
	v14 =	vld [tilespmem:s30+$0x1D0];
	[tilespmem:s29+$0x2E40] =	vst v48  }
0xee: {  	v6 =	vld [tilespmem:s30+$0x1E0];
	[tilespmem:s29+$0x2E50] =	vst v2;
	v2 =	vmul.f32 v30, v43  }
0xef: {  	v35 =	vmul.f32 v19, v50;
	v17 =	vld [tilespmem:s30+$0x1F0];
	[tilespmem:s29+$0x2E60] =	vst v49  }
0xf0: {  	v8 =	vld [tilespmem:s30+$0x200];
	[tilespmem:s29+$0x2E70] =	vst v2;
	v2 =	vmul.f32 v20, v50  }
0xf1: {  	v36 =	vmul.f32 v21, v50;
	v18 =	vld [tilespmem:s30+$0x210];
	[tilespmem:s29+$0x2E80] =	vst v35  }
0xf2: {  	v9 =	vld [tilespmem:s30+$0x220];
	[tilespmem:s29+$0x2E90] =	vst v2;
	v2 =	vmul.f32 v22, v50  }
0xf3: {  	v41 =	vmul.f32 v23, v50;
	v40 =	vld [tilespmem:s30+$0x230];
	[tilespmem:s29+$0x2EA0] =	vst v36  }
0xf4: {  	v22 =	vmov v4;
	v4 =	vld [tilespmem:s30+$0x240];
	[tilespmem:s29+$0x2EB0] =	vst v2;
	v2 =	vmul.f32 v24, v50  }
0xf5: {  	v45 =	vbroadcast v29, $0xB;
	v43 =	vmul.f32 v25, v50;
	v19 =	vld [tilespmem:s30+$0x250];
	[tilespmem:s29+$0x2EC0] =	vst v41  }
0xf6: {  	v12 =	vld [tilespmem:s30+$0x260];
	[tilespmem:s29+$0x2ED0] =	vst v2;
	v2 =	vmul.f32 v33, v50  }
0xf7: {  	v0 =	vmul.f32 v0, v45;
	v26 =	vld [tilespmem:s30+$0x270];
	[tilespmem:s29+$0x2EE0] =	vst v43  }
0xf8: {  	v15 =	vld [tilespmem:s30+$0x280];
	[tilespmem:s29+$0x2EF0] =	vst v2  }
0xf9: {  	v2 =	vmul.f32 v27, v45;
	v50 =	vld [tilespmem:s30+$0x290];
	[tilespmem:s29+$0x2F00] =	vst v0  }
0xfa: {  	v27 =	vmov v3;
	v3 =	vld [tilespmem:s30+$0x2A0]  }
0xfb: {  	[tilespmem:s29+$0x2F10] =	vst v2;
	v2 =	vld [tilespmem:$0x1FE40];
	_ =	sdelay $0x1  }
0xfc: {  	v32 =	vld [tilespmem:s29+$0x740];
	_ =	sdelay $0x1  }
0xfd: {  	v0 =	vmul.f32 v42, v45  }
0xfe: {  	v34 =	vld [tilespmem:s29+$0x750];
	v2 =	vmul.f32 v2, v45  }
0xff: {  	v30 =	vld [tilespmem:s30+$0x2B0];
	[tilespmem:s29+$0x2F20] =	vst v0  }
0x100: {  	v0 =	vmul.f32 v32, v45;
	v33 =	vld [tilespmem:s30+$0x2C0];
	[tilespmem:s29+$0x2F30] =	vst v2  }
0x101: {  	v32 =	vld [tilespmem:s30+$0x2D0]  }
0x102: {  	[tilespmem:s29+$0x2F40] =	vst v0;
	v0 =	vld [tilespmem:$0x1FE50];
	_ =	sdelay $0x1  }
0x103: {  	v38 =	vld [tilespmem:s29+$0x770]  }
0x104: {  	v7 =	vld [tilespmem:s29+$0x7B0]  }
0x105: {  	v31 =	vld [tilespmem:s29+$0x780];
	v2 =	vmul.f32 v34, v45  }
0x106: {  	v37 =	vld [tilespmem:s29+$0x800];
	v0 =	vmul.f32 v0, v45  }
0x107: {  	v35 =	vld [tilespmem:s30+$0x2E0];
	[tilespmem:s29+$0x2F50] =	vst v2  }
0x108: {  	v2 =	vmul.f32 v38, v45;
	v36 =	vld [tilespmem:s30+$0x2F0];
	[tilespmem:s29+$0x2F60] =	vst v0  }
0x109: {  	v49 =	vld [tilespmem:s30+$0x300]  }
0x10a: {  	[tilespmem:s29+$0x2F70] =	vst v2;
	v2 =	vld [tilespmem:$0x1FE60]  }
0x10b: {  	v39 =	vld [tilespmem:s29+$0x7A0]  }
0x10c: {  	v44 =	vld [tilespmem:s29+$0x7C0];
	v34 =	vbroadcast v29, $0xC  }
0x10d: {  	v46 =	vld [tilespmem:s29+$0x7D0]  }
0x10e: {  	v54 =	vld [tilespmem:s29+$0x7E0];
	v0 =	vmul.f32 v31, v34  }
0x10f: {  	v13 =	vld [tilespmem:s29+$0x7F0];
	v2 =	vmul.f32 v2, v34  }
0x110: {  	v42 =	vld [tilespmem:s30+$0x310];
	[tilespmem:s29+$0x2F80] =	vst v0;
	v0 =	vmul.f32 v39, v34  }
0x111: {  	v38 =	vld [tilespmem:s30+$0x320];
	[tilespmem:s29+$0x2F90] =	vst v2;
	v2 =	vmul.f32 v7, v34  }
0x112: {  	v45 =	vld [tilespmem:s30+$0x330];
	[tilespmem:s29+$0x2FA0] =	vst v0;
	v0 =	vmul.f32 v44, v34  }
0x113: {  	v43 =	vld [tilespmem:s30+$0x340];
	[tilespmem:s29+$0x2FB0] =	vst v2;
	v2 =	vmul.f32 v46, v34  }
0x114: {  	v48 =	vld [tilespmem:s30+$0x350];
	[tilespmem:s29+$0x2FC0] =	vst v0  }
0x115: {  	v0 =	vmul.f32 v54, v34;
	v46 =	vld [tilespmem:s30+$0x360];
	[tilespmem:s29+$0x2FD0] =	vst v2  }
0x116: {  	[tilespmem:$0x1FE70] =	vst v37;
	v54 =	vld [tilespmem:s30+$0x370]  }
0x117: {  	[tilespmem:s29+$0x2FE0] =	vst v0;
	v0 =	vld [tilespmem:$0x1FE70]  }
0x118: {  	v37 =	vld [tilespmem:s29+$0x810]  }
0x119: {  	v51 =	vld [tilespmem:s29+$0x820]  }
0x11a: {  	v52 =	vld [tilespmem:s29+$0x830];
	v41 =	vbroadcast v29, $0xD  }
0x11b: {  	v53 =	vld [tilespmem:s29+$0x840];
	v2 =	vmul.f32 v13, v34  }
0x11c: {  	v0 =	vmul.f32 v0, v41  }
0x11d: {  	v24 =	vld [tilespmem:s30+$0x380];
	[tilespmem:s29+$0x2FF0] =	vst v2;
	v2 =	vmul.f32 v37, v41  }
0x11e: {  	v25 =	vld [tilespmem:s30+$0x390];
	[tilespmem:s29+$0x3000] =	vst v0;
	v0 =	vmul.f32 v51, v41  }
0x11f: {  	v37 =	vld [tilespmem:s30+$0x3A0];
	[tilespmem:s29+$0x3010] =	vst v2;
	v2 =	vmul.f32 v52, v41  }
0x120: {  	v23 =	vld [tilespmem:s30+$0x3B0];
	[tilespmem:s29+$0x3020] =	vst v0;
	v0 =	vmul.f32 v53, v41  }
0x121: {  	v31 =	vmov v3;
	v3 =	vld [tilespmem:s30+$0x3C0];
	[tilespmem:s29+$0x3030] =	vst v2  }
0x122: {  	v2 =	vld [tilespmem:s30+$0x3D0];
	[tilespmem:s29+$0x3040] =	vst v0  }
0x123: {  	v0 =	vld [tilespmem:s30+$0x3E0];
	_ =	sdelay $0x3  }
0x124: {  	v55 =	vld [tilespmem:s29+$0x850]  }
0x125: {  	[tilespmem:$0x1FE90] =	vst v0;
	v0 =	vld [tilespmem:$0x1FEA0];
	_ =	sdelay $0x3  }
0x126: {  	[tilespmem:$0x1FE80] =	vst v2;
	v2 =	vmul.f32 v55, v41  }
0x127: {  	v0 =	vmul.f32 v0, v41  }
0x128: {  	[tilespmem:s29+$0x3050] =	vst v2  }
0x129: {  	v2 =	vld [tilespmem:s30+$0x3F0];
	[tilespmem:s29+$0x3060] =	vst v0  }
0x12a: {  	v0 =	vld [tilespmem:s30+$0x400];
	_ =	sdelay $0x3  }
0x12b: {  	v28 =	vld [tilespmem:s29+$0x870]  }
0x12c: {  	[tilespmem:$0x1FEC0] =	vst v0;
	v0 =	vld [tilespmem:$0x1FED0];
	_ =	sdelay $0x2  }
0x12d: {  	v44 =	vbroadcast v29, $0xE  }
0x12e: {  	[tilespmem:$0x1FEB0] =	vst v2;
	v2 =	vmul.f32 v28, v41  }
0x12f: {  	v58 =	vld [tilespmem:s29+$0x890];
	v0 =	vmul.f32 v0, v44  }
0x130: {  	v59 =	vld [tilespmem:s29+$0x8A0];
	[tilespmem:s29+$0x3070] =	vst v2  }
0x131: {  	v2 =	vld [tilespmem:s30+$0x410];
	[tilespmem:s29+$0x3080] =	vst v0  }
0x132: {  	v0 =	vld [tilespmem:s30+$0x420];
	_ =	sdelay $0x3  }
0x133: {  	[tilespmem:$0x1FEE0] =	vst v2;
	v2 =	vmul.f32 v58, v44  }
0x134: {  	v60 =	vld [tilespmem:s29+$0x8B0];
	[tilespmem:$0x1FEF0] =	vst v0;
	v0 =	vmul.f32 v59, v44  }
0x135: {  	v61 =	vld [tilespmem:s29+$0x8C0];
	[tilespmem:s29+$0x3090] =	vst v2  }
0x136: {  	v2 =	vld [tilespmem:s30+$0x430];
	[tilespmem:s29+$0x30A0] =	vst v0  }
0x137: {  	v0 =	vld [tilespmem:s30+$0x440];
	_ =	sdelay $0x3  }
0x138: {  	[tilespmem:$0x1FF00] =	vst v2;
	v2 =	vmul.f32 v60, v44  }
0x139: {  	v63 =	vld [tilespmem:s29+$0x8E0];
	[tilespmem:$0x1FF10] =	vst v0;
	v0 =	vmul.f32 v61, v44  }
0x13a: {  	v62 =	vld [tilespmem:s29+$0x8D0];
	[tilespmem:s29+$0x30B0] =	vst v2  }
0x13b: {  	v2 =	vld [tilespmem:s30+$0x450];
	[tilespmem:s29+$0x30C0] =	vst v0  }
0x13c: {  	v0 =	vld [tilespmem:s30+$0x460];
	_ =	sdelay $0x3  }
0x13d: {  	[tilespmem:$0x1FF20] =	vst v2;
	v2 =	vmul.f32 v62, v44  }
0x13e: {  	[tilespmem:$0x1FF30] =	vst v0;
	v0 =	vmul.f32 v63, v44  }
0x13f: {  	[tilespmem:s29+$0x30D0] =	vst v2  }
0x140: {  	v2 =	vld [tilespmem:s30+$0x470];
	[tilespmem:s29+$0x30E0] =	vst v0  }
0x141: {  	v0 =	vld [tilespmem:s30+$0x480];
	_ =	sdelay $0x3  }
0x142: {  	v47 =	vld [tilespmem:s29+$0x8F0]  }
0x143: {  	[tilespmem:$0x1FF50] =	vst v0;
	v0 =	vld [tilespmem:$0x1FF60];
	_ =	sdelay $0x2  }
0x144: {  	v63 =	vmov v3;
	v3 =	vbroadcast v29, $0xF  }
0x145: {  	[tilespmem:$0x1FF40] =	vst v2;
	v2 =	vmul.f32 v47, v44  }
0x146: {  	v0 =	vmul.f32 v0, v3  }
0x147: {  	v57 =	vld [tilespmem:s29+$0x910];
	[tilespmem:s29+$0x30F0] =	vst v2  }
0x148: {  	v29 =	vmov v1;
	v1 =	vld [tilespmem:s30+$0x490];
	[tilespmem:s29+$0x3100] =	vst v0  }
0x149: {  	v0 =	vld [tilespmem:s30+$0x4A0];
	_ =	sdelay $0x2  }
0x14a: {  	[tilespmem:$0x1FF80] =	vst v57  }
0x14b: {  	[tilespmem:$0x1FF70] =	vst v1;
	v1 =	vld [tilespmem:$0x1FF80]  }
0x14c: {  	[tilespmem:$0x1FF90] =	vst v0;
	v0 =	vld [tilespmem:$0x1FFA0];
	_ =	sdelay $0x3  }
0x14d: {  	v2 =	vmul.f32 v1, v3  }
0x14e: {  	v0 =	vmul.f32 v0, v3  }
0x14f: {  	[tilespmem:s29+$0x3110] =	vst v2  }
0x150: {  	v39 =	vld [tilespmem:s30+$0x4B0];
	[tilespmem:s29+$0x3120] =	vst v0  }
0x151: {  	v0 =	vld [tilespmem:s30+$0x4C0];
	_ =	sdelay $0x3  }
0x152: {  	v1 =	vld [tilespmem:$0x1FFB0]  }
0x153: {  	[tilespmem:$0x1FFC0] =	vst v0;
	v0 =	vld [tilespmem:$0x1FFD0];
	_ =	sdelay $0x3  }
0x154: {  	v2 =	vmul.f32 v1, v3  }
0x155: {  	v56 =	vld [tilespmem:s29+$0x960];
	v0 =	vmul.f32 v0, v3  }
0x156: {  	v1 =	vld [tilespmem:$0x1FFE0];
	[tilespmem:s29+$0x3130] =	vst v2  }
0x157: {  	v44 =	vld [tilespmem:s30+$0x4D0];
	[tilespmem:s29+$0x3140] =	vst v0  }
0x158: {  	v0 =	vld [tilespmem:s30+$0x4E0]  }
0x159: {  	v57 =	vld [tilespmem:s29+$0x970];
	_ =	sdelay $0x1  }
0x15a: {  	v2 =	vmul.f32 v1, v3;
	_ =	sdelay $0x1  }
0x15b: {  	v51 =	vmovc v6;
	v52 =	vmov v14;
	v53 =	vmov v8;
	[tilespmem:$0x1FFF0] =	vst v0;
	v0 =	vmul.f32 v56, v3  }
0x15c: {  	v55 =	vmovc v12;
	v28 =	vmovc v4;
	v58 =	vmov v9;
	v59 =	vmov v17;
	v57 =	vmul.f32 v57, v3;
	[tilespmem:s29+$0x3150] =	vst v2  }
0x15d: {  	s31 =	simm.s32 $0x2;
	s0 =	simm.s32 $0x10;
	v60 =	vmovc v19;
	v61 =	vmovc v18;
	v47 =	vmov v11;
	v2 =	vmov v10;
	v1 =	vld [tilespmem:s30+$0x4F0];
	v56 =	vmov v15;
	[tilespmem:s29+$0x3160] =	vst v0  }
.LBB2_5:
0x15e: {  	v62 =	vld [tilespmem:s30+$0x500];
	[tilespmem:s29+$0x3170] =	vst v57;
	s29 =	smov.u32 s30  }
0x15f: {  	v3 =	vld [tilespmem:s29+$0x530];
	_ =	sdelay $0x2  }
0x160: {  	s0 =	sand.u32 $0x3FFFFFF0, s0  }
0x161: {  	v57 =	vld [tilespmem:s0+$0x100]  }
0x162: {  	[tilespmem:$0x1FC30] =	vst v3;
	v3 =	vld [tilespmem:s29+$0x540];
	_ =	sdelay $0x4  }
0x163: {  	[tilespmem:$0x1FC40] =	vst v3;
	v3 =	vbroadcast v57, $0x0;
	_ =	sdelay $0x1  }
0x164: {  	v2 =	vmul.f32 v3, v2;
	_ =	sdelay $0x1  }
0x165: {  	[tilespmem:s29+$0x2980] =	vst v2;
	v2 =	vld [tilespmem:s29+$0x590];
	_ =	sdelay $0x4  }
0x166: {  	[tilespmem:$0x1FC90] =	vst v2;
	v2 =	vld [tilespmem:s29+$0x5A0];
	_ =	sdelay $0x4  }
0x167: {  	v8 =	vbroadcast v57, $0x1;
	[tilespmem:$0x1FCA0] =	vst v2;
	v2 =	vld [tilespmem:s29+$0x5B0]  }
0x168: {  	v34 =	vld [tilespmem:s29+$0x560]  }
0x169: {  	v11 =	vmul.f32 v22, v3;
	v22 =	vmul.f32 v55, v8;
	_ =	sdelay $0x1  }
0x16a: {  	v13 =	vbroadcast v57, $0x3;
	[tilespmem:s29+$0x2A60] =	vst v22;
	v22 =	vbroadcast v57, $0x4  }
0x16b: {  	[tilespmem:$0x1FCB0] =	vst v2;
	v2 =	vmov v23  }
0x16c: {  	[tilespmem:$0x1FC60] =	vst v34;
	v34 =	vmul.f32 v49, v13;
	v49 =	vmul.f32 v2, v22;
	v2 =	vld [tilespmem:$0x1FE80];
	_ =	sdelay $0x2  }
0x16d: {  	v12 =	vld [tilespmem:s29+$0x580]  }
0x16e: {  	v10 =	vbroadcast v57, $0x2  }
0x16f: {  	v16 =	vmul.f32 v53, v8;
	v53 =	vmul.f32 v2, v22;
	v2 =	vld [tilespmem:$0x1FE90];
	_ =	sdelay $0x1  }
0x170: {  	v30 =	vmul.f32 v30, v10  }
0x171: {  	[tilespmem:$0x1FC80] =	vst v12;
	v41 =	vmul.f32 v27, v3  }
0x172: {  	[tilespmem:s29+$0x2AB0] =	vst v30;
	v9 =	vmul.f32 v47, v3;
	v12 =	vmul.f32 v52, v3  }
0x173: {  	[tilespmem:s29+$0x2990] =	vst v41;
	v41 =	vmul.f32 v42, v13;
	v30 =	vmul.f32 v2, v22;
	v2 =	vld [tilespmem:$0x1FEB0]  }
0x174: {  	v42 =	vmul.f32 v45, v13;
	v45 =	vmul.f32 v46, v13  }
0x175: {  	v46 =	vmul.f32 v54, v13;
	v54 =	vmul.f32 v25, v22  }
0x176: {  	v23 =	vmul.f32 v26, v8;
	v26 =	vmul.f32 v56, v10  }
0x177: {  	v5 =	vld [tilespmem:s29+$0x570];
	v47 =	vmul.f32 v37, v22;
	v52 =	vmul.f32 v63, v22  }
0x178: {  	[tilespmem:s29+$0x2A80] =	vst v26;
	v26 =	vmul.f32 v24, v22;
	v22 =	vmul.f32 v2, v22;
	v2 =	vld [tilespmem:$0x1FEC0]  }
0x179: {  	v18 =	vmul.f32 v58, v8;
	_ =	sdelay $0x1  }
0x17a: {  	[tilespmem:s29+$0x2A20] =	vst v18;
	v18 =	vbroadcast v57, $0x5;
	_ =	sdelay $0x1  }
0x17b: {  	[tilespmem:$0x1FC70] =	vst v5;
	v5 =	vmul.f32 v2, v18;
	v2 =	vld [tilespmem:$0x1FEE0];
	_ =	sdelay $0x1  }
0x17c: {  	v0 =	vld [tilespmem:s29+$0x510]  }
0x17d: {  	v6 =	vld [tilespmem:s29+$0x520];
	v15 =	vmul.f32 v59, v3  }
0x17e: {  	v4 =	vld [tilespmem:s29+$0x550]  }
0x17f: {  	[tilespmem:s29+$0x29F0] =	vst v15;
	v15 =	vmul.f32 v2, v18;
	v2 =	vld [tilespmem:$0x1FEF0]  }
0x180: {  	v17 =	vmul.f32 v61, v8;
	v61 =	vld [tilespmem:s29+$0x660]  }
0x181: {  	v58 =	vld [tilespmem:s29+$0x670]  }
0x182: {  	v20 =	vmul.f32 v28, v8;
	v21 =	vmul.f32 v60, v8;
	v60 =	vld [tilespmem:s29+$0x690]  }
0x183: {  	v28 =	vmul.f32 v31, v10;
	v31 =	vmul.f32 v35, v10;
	v35 =	vld [tilespmem:s29+$0x6E0];
	[tilespmem:s29+$0x2A00] =	vst v16  }
0x184: {  	v19 =	vmul.f32 v40, v8;
	[tilespmem:s29+$0x2A10] =	vst v17;
	v40 =	vmul.f32 v2, v18;
	v2 =	vld [tilespmem:$0x1FF00]  }
0x185: {  	[tilespmem:s29+$0x2A50] =	vst v21;
	v21 =	vld [tilespmem:s29+$0x730]  }
0x186: {  	[tilespmem:s29+$0x2A30] =	vst v19;
	v19 =	vmul.f32 v38, v13;
	v16 =	vld [tilespmem:s29+$0x760]  }
0x187: {  	[tilespmem:s29+$0x2A40] =	vst v20;
	v17 =	vld [tilespmem:s29+$0x7B0]  }
0x188: {  	v20 =	vmul.f32 v43, v13;
	[tilespmem:s29+$0x2B20] =	vst v19;
	v19 =	vld [tilespmem:s29+$0x740]  }
0x189: {  	[tilespmem:s29+$0x2AA0] =	vst v28;
	v28 =	vmul.f32 v2, v18;
	v2 =	vld [tilespmem:$0x1FF10]  }
0x18a: {  	v43 =	vmul.f32 v48, v13;
	v48 =	vbroadcast v57, $0x7;
	[tilespmem:s29+$0x2B40] =	vst v20;
	v20 =	vld [tilespmem:s29+$0x790]  }
0x18b: {  	v7 =	vmul.f32 v29, v3;
	v14 =	vmul.f32 v51, v3;
	v3 =	vld [tilespmem:s29+$0x5E0]  }
0x18c: {  	v59 =	vld [tilespmem:s29+$0x650]  }
0x18d: {  	v63 =	vmul.f32 v0, v48;
	v0 =	vld [tilespmem:$0x1FC30]  }
0x18e: {  	[tilespmem:$0x1FC50] =	vst v4;
	v4 =	vmul.f32 v2, v18;
	v2 =	vld [tilespmem:$0x1FF20]  }
0x18f: {  	v51 =	vld [tilespmem:s29+$0x680]  }
0x190: {  	v27 =	vmul.f32 v50, v10;
	v50 =	vld [tilespmem:s29+$0x6A0]  }
0x191: {  	[tilespmem:s29+$0x2AE0] =	vst v31;
	v55 =	vld [tilespmem:s29+$0x6B0]  }
0x192: {  	[tilespmem:s29+$0x2B00] =	vst v34;
	v29 =	vld [tilespmem:s29+$0x700]  }
0x193: {  	[tilespmem:s29+$0x2A90] =	vst v27;
	v0 =	vmul.f32 v0, v48;
	v27 =	vmul.f32 v2, v18;
	v2 =	vld [tilespmem:$0x1FF30]  }
0x194: {  	[tilespmem:s29+$0x29B0] =	vst v9;
	v9 =	vld [tilespmem:s29+$0x5C0]  }
0x195: {  	[tilespmem:$0x1FD00] =	vst v0;
	v0 =	vld [tilespmem:$0x1FC40]  }
0x196: {  	[tilespmem:$0x1FCC0] =	vst v3;
	v3 =	vld [tilespmem:s29+$0x5F0]  }
0x197: {  	[tilespmem:s29+$0x29C0] =	vst v11;
	v11 =	vld [tilespmem:s29+$0x5D0]  }
0x198: {  	[tilespmem:s29+$0x29A0] =	vst v7;
	v31 =	vmul.f32 v2, v18;
	v2 =	vld [tilespmem:$0x1FF40]  }
0x199: {  	[tilespmem:s29+$0x29E0] =	vst v14;
	v14 =	vmul.f32 v33, v10;
	v7 =	vld [tilespmem:s29+$0x630]  }
0x19a: {  	[tilespmem:s29+$0x29D0] =	vst v12;
	v33 =	vmul.f32 v32, v10;
	v32 =	vld [tilespmem:s29+$0x6F0];
	v0 =	vmul.f32 v0, v48  }
0x19b: {  	[tilespmem:$0x1FCD0] =	vst v3;
	v3 =	vld [tilespmem:s29+$0x600]  }
0x19c: {  	[tilespmem:$0x1FD10] =	vst v0;
	v0 =	vld [tilespmem:$0x1FC50]  }
0x19d: {  	[tilespmem:s29+$0x2AD0] =	vst v33;
	v33 =	vmul.f32 v2, v18;
	v2 =	vld [tilespmem:$0x1FF50]  }
0x19e: {  	v12 =	vld [tilespmem:s29+$0x770];
	[tilespmem:s29+$0x2B70] =	vst v46  }
0x19f: {  	v46 =	vld [tilespmem:$0x1FC80];
	[tilespmem:s29+$0x2BA0] =	vst v47  }
0x1a0: {  	v47 =	vld [tilespmem:$0x1FC90];
	[tilespmem:s29+$0x2A70] =	vst v23;
	v23 =	vbroadcast v57, $0x6  }
0x1a1: {  	[tilespmem:$0x1FCE0] =	vst v3;
	v3 =	vld [tilespmem:s29+$0x610]  }
0x1a2: {  	[tilespmem:s29+$0x2B50] =	vst v43;
	v0 =	vmul.f32 v0, v48;
	v34 =	vmul.f32 v2, v23;
	v2 =	vld [tilespmem:$0x1FF70]  }
0x1a3: {  	[tilespmem:s29+$0x2AC0] =	vst v14;
	v8 =	vld [tilespmem:s29+$0x620]  }
0x1a4: {  	[tilespmem:$0x1FD20] =	vst v0;
	v0 =	vld [tilespmem:$0x1FC60]  }
0x1a5: {  	[tilespmem:s29+$0x2B10] =	vst v41;
	v10 =	vmul.f32 v36, v10;
	v56 =	vld [tilespmem:s29+$0x6C0]  }
0x1a6: {  	[tilespmem:s29+$0x2B90] =	vst v54;
	v36 =	vld [tilespmem:s29+$0x6D0]  }
0x1a7: {  	[tilespmem:s29+$0x2AF0] =	vst v10;
	v37 =	vmul.f32 v2, v23;
	v2 =	vld [tilespmem:$0x1FF90]  }
0x1a8: {  	v62 =	vmul.f32 v62, v48;
	v54 =	vbroadcast v57, $0xA;
	[tilespmem:s29+$0x2BB0] =	vst v49;
	v49 =	vld [tilespmem:$0x1FCA0]  }
0x1a9: {  	v43 =	vmul.f32 v6, v48;
	v10 =	vld [tilespmem:$0x1FCB0];
	[tilespmem:$0x1FCF0] =	vst v3;
	v0 =	vmul.f32 v0, v48  }
0x1aa: {  	v60 =	vmul.f32 v60, v54;
	v3 =	vld [tilespmem:s29+$0x640];
	[tilespmem:s29+$0x2B80] =	vst v26;
	v26 =	vbroadcast v57, $0x8  }
0x1ab: {  	v55 =	vmul.f32 v55, v54;
	v35 =	vmul.f32 v35, v54;
	[tilespmem:$0x1FD30] =	vst v0;
	v0 =	vld [tilespmem:$0x1FC70]  }
0x1ac: {  	[tilespmem:s29+$0x2B60] =	vst v45;
	v45 =	vmul.f32 v46, v26;
	v38 =	vmul.f32 v2, v23;
	v2 =	vld [tilespmem:$0x1FFC0]  }
0x1ad: {  	[tilespmem:s29+$0x2B30] =	vst v42;
	v46 =	vmul.f32 v47, v26;
	v47 =	vmul.f32 v49, v26;
	v49 =	vld [tilespmem:$0x1FCC0]  }
0x1ae: {  	v39 =	vmul.f32 v39, v23;
	v13 =	vmul.f32 v11, v26;
	[tilespmem:s29+$0x2BD0] =	vst v53;
	v53 =	vld [tilespmem:$0x1FCD0]  }
0x1af: {  	[tilespmem:s29+$0x2BC0] =	vst v52;
	v52 =	vmul.f32 v9, v26;
	v9 =	vld [tilespmem:$0x1FCE0];
	v6 =	vmul.f32 v10, v26  }
0x1b0: {  	v44 =	vmul.f32 v44, v23;
	v10 =	vld [tilespmem:$0x1FCF0];
	[tilespmem:$0x1FD60] =	vst v13;
	v0 =	vmul.f32 v0, v48  }
0x1b1: {  	v56 =	vmul.f32 v56, v54;
	[tilespmem:$0x1FD50] =	vst v6;
	v41 =	vmul.f32 v2, v23;
	v2 =	vld [tilespmem:$0x1FFF0]  }
0x1b2: {  	v25 =	vld [tilespmem:s29+$0x710];
	v36 =	vmul.f32 v36, v54;
	[tilespmem:$0x1FD40] =	vst v0;
	v0 =	vbroadcast v57, $0x9  }
0x1b3: {  	v14 =	vld [tilespmem:s29+$0x7C0];
	v49 =	vmul.f32 v49, v26;
	v53 =	vmul.f32 v53, v26;
	[tilespmem:s29+$0x2BE0] =	vst v30  }
0x1b4: {  	v24 =	vld [tilespmem:s29+$0x720];
	[tilespmem:s29+$0x2BF0] =	vst v22;
	v30 =	vmul.f32 v9, v0;
	v9 =	vmul.f32 v7, v0  }
0x1b5: {  	v11 =	vld [tilespmem:s29+$0x7E0];
	[tilespmem:s29+$0x2C00] =	vst v5;
	v26 =	vmul.f32 v10, v0;
	v22 =	vmul.f32 v8, v0  }
0x1b6: {  	v3 =	vmul.f32 v3, v0;
	[tilespmem:$0x1FD70] =	vst v9;
	v42 =	vmul.f32 v2, v23;
	v2 =	vld [tilespmem:s29+$0x750]  }
0x1b7: {  	v13 =	vld [tilespmem:s29+$0x7D0];
	v59 =	vmul.f32 v59, v0;
	v61 =	vmul.f32 v61, v0;
	[tilespmem:s29+$0x2C10] =	vst v15  }
0x1b8: {  	v6 =	vld [tilespmem:s29+$0x830];
	[tilespmem:s29+$0x2C20] =	vst v40;
	v23 =	vmul.f32 v1, v23;
	v1 =	vbroadcast v57, $0xB  }
0x1b9: {  	v48 =	vld [tilespmem:s29+$0x780];
	v58 =	vmul.f32 v58, v0;
	[tilespmem:s29+$0x2C30] =	vst v28;
	v28 =	vmul.f32 v50, v54  }
0x1ba: {  	v5 =	vld [tilespmem:s29+$0x860];
	v50 =	vmul.f32 v32, v54;
	[tilespmem:s29+$0x2C60] =	vst v31;
	v31 =	vmul.f32 v29, v1  }
0x1bb: {  	v10 =	vld [tilespmem:s29+$0x7F0];
	[tilespmem:s29+$0x2C70] =	vst v33;
	v32 =	vmul.f32 v25, v1;
	v0 =	vmul.f32 v2, v1  }
0x1bc: {  	v18 =	vld [tilespmem:s29+$0x7A0];
	[tilespmem:s29+$0x2C90] =	vst v37;
	v33 =	vmul.f32 v24, v1;
	v24 =	vmul.f32 v21, v1  }
0x1bd: {  	v8 =	vld [tilespmem:s29+$0x810];
	v25 =	vmul.f32 v19, v1;
	[tilespmem:$0x1FD90] =	vst v0;
	v0 =	vmul.f32 v12, v1  }
0x1be: {  	v7 =	vld [tilespmem:s29+$0x820];
	[tilespmem:s29+$0x2CA0] =	vst v38;
	v37 =	vmul.f32 v16, v1;
	v1 =	vbroadcast v57, $0xC  }
0x1bf: {  	v9 =	vld [tilespmem:s29+$0x800];
	v40 =	vmul.f32 v51, v54;
	[tilespmem:$0x1FDA0] =	vst v0;
	v0 =	vbroadcast v57, $0xD  }
0x1c0: {  	v15 =	vld [tilespmem:s29+$0x840];
	[tilespmem:s29+$0x2CC0] =	vst v41;
	v38 =	vmul.f32 v48, v1;
	v41 =	vmul.f32 v20, v1  }
0x1c1: {  	v51 =	vld [tilespmem:s29+$0x850];
	[tilespmem:s29+$0x2C80] =	vst v34;
	v48 =	vmul.f32 v18, v1;
	v34 =	vmul.f32 v17, v1  }
0x1c2: {  	[tilespmem:s29+$0x2C40] =	vst v4;
	v4 =	vld [tilespmem:s29+$0x870];
	v21 =	vmul.f32 v14, v1;
	v54 =	vmul.f32 v13, v1  }
0x1c3: {  	[tilespmem:s29+$0x2CF0] =	vst v23;
	v23 =	vmul.f32 v11, v1;
	v17 =	vmul.f32 v10, v1;
	v1 =	vld [tilespmem:$0x1FD00];
	_ =	sdelay $0x1  }
0x1c4: {  	[tilespmem:s29+$0x2CB0] =	vst v39;
	v39 =	vmul.f32 v9, v0;
	v13 =	vmul.f32 v8, v0  }
0x1c5: {  	[tilespmem:s29+$0x2D00] =	vst v62;
	v62 =	vmul.f32 v7, v0;
	v18 =	vmul.f32 v6, v0  }
0x1c6: {  	[tilespmem:s29+$0x2D10] =	vst v63;
	v63 =	vld [tilespmem:s29+$0x920];
	v11 =	vmul.f32 v15, v0;
	v15 =	vmul.f32 v51, v0  }
0x1c7: {  	v6 =	vmul.f32 v5, v0;
	[tilespmem:s29+$0x2D30] =	vst v1;
	v1 =	vmul.f32 v4, v0;
	v0 =	vld [tilespmem:$0x1FD10]  }
0x1c8: {  	[tilespmem:s29+$0x2D20] =	vst v43;
	v43 =	vld [tilespmem:s29+$0x930]  }
0x1c9: {  	[tilespmem:$0x1FD80] =	vst v3;
	v3 =	vld [tilespmem:s29+$0x8C0]  }
0x1ca: {  	[tilespmem:s29+$0x2C50] =	vst v27;
	v27 =	vld [tilespmem:s29+$0x880]  }
0x1cb: {  	v19 =	vld [tilespmem:s29+$0x890]  }
0x1cc: {  	[tilespmem:s29+$0x2D40] =	vst v0;
	v0 =	vld [tilespmem:$0x1FD20]  }
0x1cd: {  	v29 =	vbroadcast v57, $0xE;
	v2 =	vld [tilespmem:s29+$0x8D0]  }
0x1ce: {  	v12 =	vld [tilespmem:s29+$0x8A0]  }
0x1cf: {  	v9 =	vmul.f32 v27, v29;
	v27 =	vld [tilespmem:s29+$0x950]  }
0x1d0: {  	[tilespmem:s29+$0x2CD0] =	vst v44;
	v8 =	vmul.f32 v19, v29;
	v19 =	vld [tilespmem:$0x1FD30]  }
0x1d1: {  	[tilespmem:s29+$0x2D50] =	vst v0;
	v0 =	vld [tilespmem:s29+$0x960]  }
0x1d2: {  	[tilespmem:s29+$0x2D80] =	vst v45;
	v20 =	vld [tilespmem:s29+$0x8E0]  }
0x1d3: {  	[tilespmem:s29+$0x2D90] =	vst v46;
	v57 =	vbroadcast v57, $0xF;
	v14 =	vld [tilespmem:s29+$0x900]  }
0x1d4: {  	[tilespmem:s29+$0x2DC0] =	vst v52;
	v10 =	vld [tilespmem:s29+$0x910]  }
0x1d5: {  	[tilespmem:s29+$0x2DA0] =	vst v47;
	v51 =	vld [tilespmem:s29+$0x940];
	v27 =	vmul.f32 v27, v57  }
0x1d6: {  	[tilespmem:s29+$0x2D60] =	vst v19;
	v19 =	vmul.f32 v3, v29;
	v3 =	vld [tilespmem:$0x1FD40];
	v0 =	vmul.f32 v0, v57  }
0x1d7: {  	[tilespmem:$0x1FDB0] =	vst v27;
	v27 =	vld [tilespmem:$0x1FD50]  }
0x1d8: {  	[tilespmem:$0x1FDC0] =	vst v0;
	v0 =	vld [tilespmem:$0x1FD60]  }
0x1d9: {  	[tilespmem:s29+$0x2DE0] =	vst v49;
	v5 =	vmul.f32 v2, v29;
	v2 =	vld [tilespmem:s29+$0x970]  }
0x1da: {  	v16 =	vld [tilespmem:s29+$0x8B0];
	[tilespmem:s29+$0x2CE0] =	vst v42  }
0x1db: {  	v42 =	vld [tilespmem:s29+$0x8F0];
	v44 =	vmul.f32 v12, v29;
	v4 =	vmul.f32 v20, v29;
	[tilespmem:s29+$0x2D70] =	vst v3  }
0x1dc: {  	v12 =	vmul.f32 v14, v57;
	v20 =	vmul.f32 v10, v57;
	[tilespmem:s29+$0x2DB0] =	vst v27  }
0x1dd: {  	s30 =	sshll.u32 s31, $0xB;
	v10 =	vmul.f32 v43, v57;
	v14 =	vmul.f32 v51, v57;
	[tilespmem:s29+$0x2DD0] =	vst v0;
	v0 =	vld [tilespmem:$0x1FD70]  }
0x1de: {  	v3 =	vmul.f32 v63, v57;
	v57 =	vmul.f32 v2, v57;
	v2 =	vld [tilespmem:s30+$0x180];
	[tilespmem:s29+$0x2DF0] =	vst v53  }
0x1df: {  	v27 =	vld [tilespmem:s30+$0x190];
	[tilespmem:s29+$0x2E00] =	vst v30  }
0x1e0: {  	v16 =	vmul.f32 v16, v29;
	v7 =	vmul.f32 v42, v29;
	v29 =	vld [tilespmem:s30+$0x1A0];
	[tilespmem:s29+$0x2E10] =	vst v26  }
0x1e1: {  	v47 =	vld [tilespmem:s30+$0x1B0];
	[tilespmem:s29+$0x2E20] =	vst v22  }
0x1e2: {  	v22 =	vld [tilespmem:s30+$0x1C0]  }
0x1e3: {  	[tilespmem:s29+$0x2E30] =	vst v0;
	v0 =	vld [tilespmem:$0x1FD80];
	_ =	sdelay $0x3  }
0x1e4: {  	v52 =	vld [tilespmem:s30+$0x1D0]  }
0x1e5: {  	[tilespmem:s29+$0x2E40] =	vst v0;
	v0 =	vld [tilespmem:$0x1FD90]  }
0x1e6: {  	v51 =	vld [tilespmem:s30+$0x1E0];
	[tilespmem:s29+$0x2E50] =	vst v59  }
0x1e7: {  	v59 =	vld [tilespmem:s30+$0x1F0];
	[tilespmem:s29+$0x2E60] =	vst v61  }
0x1e8: {  	v53 =	vld [tilespmem:s30+$0x200];
	[tilespmem:s29+$0x2E70] =	vst v58  }
0x1e9: {  	v61 =	vld [tilespmem:s30+$0x210];
	[tilespmem:s29+$0x2E80] =	vst v40  }
0x1ea: {  	v58 =	vld [tilespmem:s30+$0x220];
	[tilespmem:s29+$0x2E90] =	vst v60  }
0x1eb: {  	v40 =	vld [tilespmem:s30+$0x230];
	[tilespmem:s29+$0x2EA0] =	vst v28  }
0x1ec: {  	v28 =	vld [tilespmem:s30+$0x240];
	[tilespmem:s29+$0x2EB0] =	vst v55  }
0x1ed: {  	v60 =	vld [tilespmem:s30+$0x250];
	[tilespmem:s29+$0x2EC0] =	vst v56  }
0x1ee: {  	v55 =	vld [tilespmem:s30+$0x260];
	[tilespmem:s29+$0x2ED0] =	vst v36  }
0x1ef: {  	v26 =	vld [tilespmem:s30+$0x270];
	[tilespmem:s29+$0x2EE0] =	vst v35  }
0x1f0: {  	v56 =	vld [tilespmem:s30+$0x280];
	[tilespmem:s29+$0x2EF0] =	vst v50  }
0x1f1: {  	v50 =	vld [tilespmem:s30+$0x290];
	[tilespmem:s29+$0x2F00] =	vst v31  }
0x1f2: {  	v31 =	vld [tilespmem:s30+$0x2A0];
	[tilespmem:s29+$0x2F10] =	vst v32  }
0x1f3: {  	v30 =	vld [tilespmem:s30+$0x2B0];
	[tilespmem:s29+$0x2F20] =	vst v33  }
0x1f4: {  	v33 =	vld [tilespmem:s30+$0x2C0];
	[tilespmem:s29+$0x2F30] =	vst v24  }
0x1f5: {  	v32 =	vld [tilespmem:s30+$0x2D0];
	[tilespmem:s29+$0x2F40] =	vst v25  }
0x1f6: {  	v35 =	vld [tilespmem:s30+$0x2E0]  }
0x1f7: {  	[tilespmem:s29+$0x2F50] =	vst v0;
	v0 =	vld [tilespmem:$0x1FDA0];
	_ =	sdelay $0x3  }
0x1f8: {  	v36 =	vld [tilespmem:s30+$0x2F0];
	[tilespmem:s29+$0x2F60] =	vst v37  }
0x1f9: {  	v49 =	vld [tilespmem:s30+$0x300];
	[tilespmem:s29+$0x2F70] =	vst v0  }
0x1fa: {  	v42 =	vld [tilespmem:s30+$0x310];
	[tilespmem:s29+$0x2F80] =	vst v38  }
0x1fb: {  	v38 =	vld [tilespmem:s30+$0x320];
	[tilespmem:s29+$0x2F90] =	vst v41  }
0x1fc: {  	v45 =	vld [tilespmem:s30+$0x330];
	[tilespmem:s29+$0x2FA0] =	vst v48  }
0x1fd: {  	v43 =	vld [tilespmem:s30+$0x340];
	[tilespmem:s29+$0x2FB0] =	vst v34  }
0x1fe: {  	v48 =	vld [tilespmem:s30+$0x350];
	[tilespmem:s29+$0x2FC0] =	vst v21  }
0x1ff: {  	v46 =	vld [tilespmem:s30+$0x360];
	[tilespmem:s29+$0x2FD0] =	vst v54  }
0x200: {  	v54 =	vld [tilespmem:s30+$0x370];
	[tilespmem:s29+$0x2FE0] =	vst v23  }
0x201: {  	v24 =	vld [tilespmem:s30+$0x380];
	[tilespmem:s29+$0x2FF0] =	vst v17  }
0x202: {  	v25 =	vld [tilespmem:s30+$0x390];
	[tilespmem:s29+$0x3000] =	vst v39  }
0x203: {  	v37 =	vld [tilespmem:s30+$0x3A0];
	[tilespmem:s29+$0x3010] =	vst v13  }
0x204: {  	v23 =	vld [tilespmem:s30+$0x3B0];
	[tilespmem:s29+$0x3020] =	vst v62  }
0x205: {  	v63 =	vld [tilespmem:s30+$0x3C0];
	[tilespmem:s29+$0x3030] =	vst v18  }
0x206: {  	v0 =	vld [tilespmem:s30+$0x3D0];
	_ =	sdelay $0x3  }
0x207: {  	[tilespmem:s29+$0x3040] =	vst v11  }
0x208: {  	[tilespmem:$0x1FE80] =	vst v0;
	v0 =	vld [tilespmem:s30+$0x3E0];
	_ =	sdelay $0x3  }
0x209: {  	[tilespmem:s29+$0x3050] =	vst v15  }
0x20a: {  	[tilespmem:$0x1FE90] =	vst v0;
	v0 =	vld [tilespmem:s30+$0x3F0];
	_ =	sdelay $0x3  }
0x20b: {  	[tilespmem:s29+$0x3060] =	vst v6  }
0x20c: {  	[tilespmem:$0x1FEB0] =	vst v0;
	v0 =	vld [tilespmem:s30+$0x400];
	_ =	sdelay $0x3  }
0x20d: {  	[tilespmem:s29+$0x3070] =	vst v1  }
0x20e: {  	[tilespmem:$0x1FEC0] =	vst v0;
	v0 =	vld [tilespmem:s30+$0x410];
	_ =	sdelay $0x3  }
0x20f: {  	[tilespmem:s29+$0x3080] =	vst v9  }
0x210: {  	[tilespmem:$0x1FEE0] =	vst v0;
	v0 =	vld [tilespmem:s30+$0x420];
	_ =	sdelay $0x3  }
0x211: {  	[tilespmem:s29+$0x3090] =	vst v8  }
0x212: {  	[tilespmem:$0x1FEF0] =	vst v0;
	v0 =	vld [tilespmem:s30+$0x430];
	_ =	sdelay $0x3  }
0x213: {  	[tilespmem:s29+$0x30A0] =	vst v44  }
0x214: {  	[tilespmem:$0x1FF00] =	vst v0;
	v0 =	vld [tilespmem:s30+$0x440];
	_ =	sdelay $0x3  }
0x215: {  	[tilespmem:s29+$0x30B0] =	vst v16  }
0x216: {  	[tilespmem:$0x1FF10] =	vst v0;
	v0 =	vld [tilespmem:s30+$0x450];
	_ =	sdelay $0x3  }
0x217: {  	[tilespmem:s29+$0x30C0] =	vst v19  }
0x218: {  	[tilespmem:$0x1FF20] =	vst v0;
	v0 =	vld [tilespmem:s30+$0x460];
	_ =	sdelay $0x3  }
0x219: {  	[tilespmem:s29+$0x30D0] =	vst v5  }
0x21a: {  	[tilespmem:$0x1FF30] =	vst v0;
	v0 =	vld [tilespmem:s30+$0x470];
	_ =	sdelay $0x3  }
0x21b: {  	[tilespmem:s29+$0x30E0] =	vst v4  }
0x21c: {  	[tilespmem:$0x1FF40] =	vst v0;
	v0 =	vld [tilespmem:s30+$0x480];
	_ =	sdelay $0x3  }
0x21d: {  	[tilespmem:s29+$0x30F0] =	vst v7  }
0x21e: {  	[tilespmem:$0x1FF50] =	vst v0;
	v0 =	vld [tilespmem:s30+$0x490];
	_ =	sdelay $0x3  }
0x21f: {  	[tilespmem:s29+$0x3100] =	vst v12  }
0x220: {  	[tilespmem:$0x1FF70] =	vst v0;
	v0 =	vld [tilespmem:s30+$0x4A0];
	_ =	sdelay $0x2  }
0x221: {  	[tilespmem:s29+$0x3110] =	vst v20  }
0x222: {  	v39 =	vld [tilespmem:s30+$0x4B0];
	[tilespmem:s29+$0x3120] =	vst v3  }
0x223: {  	[tilespmem:$0x1FF90] =	vst v0;
	v0 =	vld [tilespmem:s30+$0x4C0];
	_ =	sdelay $0x2  }
0x224: {  	[tilespmem:s29+$0x3130] =	vst v10  }
0x225: {  	v44 =	vld [tilespmem:s30+$0x4D0];
	[tilespmem:s29+$0x3140] =	vst v14  }
0x226: {  	[tilespmem:$0x1FFC0] =	vst v0;
	v0 =	vld [tilespmem:s30+$0x4E0];
	_ =	sdelay $0x4  }
0x227: {  	[tilespmem:$0x1FFF0] =	vst v0;
	v0 =	vld [tilespmem:$0x1FDB0];
	_ =	sdelay $0x4  }
0x228: {  	p0 =	sne.s32 s31, $0x4;
	[tilespmem:s29+$0x3150] =	vst v0;
	v0 =	vld [tilespmem:$0x1FDC0]  }
.Ltmp1:
0x229: {  	_ = 	snop;
	(pc) =	sbr.rel @p0 .LBB2_5-.Ltmp1, $2  }
0x22a: {  	_ =	sdelay $0x2  }
0x22b: {  	s0 =	sshll.u32 s31, $0x4;
	s31 =	sadd.s32 $0x1, s31;
	v1 =	vld [tilespmem:s30+$0x4F0];
	[tilespmem:s29+$0x3160] =	vst v0  }
0x22c: {  	v4 =	vmov v59;
	v59 =	vld [tilespmem:s30+$0x500];
	s0 =	sand.u32 $0x3FFFFFF0, s0;
	[tilespmem:s29+$0x3170] =	vst v57  }
0x22d: {  	v57 =	vld [tilespmem:s0+$0x100]  }
0x22e: {  	v7 =	vld [tilespmem:s30+$0x560]  }
0x22f: {  	v13 =	vld [tilespmem:s30+$0x570]  }
0x230: {  	v14 =	vld [tilespmem:s30+$0x580]  }
0x231: {  	v16 =	vld [tilespmem:s30+$0x590]  }
0x232: {  	v18 =	vld [tilespmem:s30+$0x5A0]  }
0x233: {  	v21 =	vld [tilespmem:s30+$0x5B0];
	[tilespmem:$0x1FB90] =	vst v7  }
0x234: {  	v41 =	vld [tilespmem:s30+$0x5D0];
	[tilespmem:$0x1FBA0] =	vst v13  }
0x235: {  	[tilespmem:$0x1FBB0] =	vst v14  }
0x236: {  	v0 =	vbroadcast v57, $0x0;
	[tilespmem:$0x1FBC0] =	vst v16  }
0x237: {  	[tilespmem:$0x1FBD0] =	vst v18  }
0x238: {  	[tilespmem:$0x1FBE0] =	vst v21;
	v2 =	vmul.f32 v0, v2  }
0x239: {  	[tilespmem:$0x1FC00] =	vst v41;
	v15 =	vmul.f32 v27, v0  }
0x23a: {  	v17 =	vmul.f32 v29, v0;
	[tilespmem:s30+$0x2980] =	vst v2  }
0x23b: {  	v19 =	vmul.f32 v47, v0;
	[tilespmem:s30+$0x2990] =	vst v15  }
0x23c: {  	v27 =	vmul.f32 v22, v0;
	[tilespmem:s30+$0x29A0] =	vst v17  }
0x23d: {  	v34 =	vmul.f32 v52, v0;
	[tilespmem:s30+$0x29B0] =	vst v19  }
0x23e: {  	v47 =	vmul.f32 v51, v0;
	v52 =	vbroadcast v57, $0x1;
	[tilespmem:s30+$0x29C0] =	vst v27  }
0x23f: {  	v0 =	vmul.f32 v4, v0;
	[tilespmem:s30+$0x29D0] =	vst v34  }
0x240: {  	v5 =	vmov v61;
	[tilespmem:s30+$0x29E0] =	vst v47;
	v21 =	vmul.f32 v53, v52  }
0x241: {  	[tilespmem:s30+$0x29F0] =	vst v0;
	v27 =	vmul.f32 v5, v52  }
0x242: {  	v34 =	vmul.f32 v40, v52;
	[tilespmem:s30+$0x2A00] =	vst v21  }
0x243: {  	v6 =	vmov v60;
	v40 =	vmul.f32 v28, v52;
	[tilespmem:s30+$0x2A10] =	vst v27  }
0x244: {  	v29 =	vld [tilespmem:s30+$0x5C0];
	v41 =	vmul.f32 v6, v52;
	[tilespmem:s30+$0x2A30] =	vst v34  }
0x245: {  	v51 =	vld [tilespmem:s30+$0x5E0];
	v47 =	vmul.f32 v55, v52;
	[tilespmem:s30+$0x2A40] =	vst v40  }
0x246: {  	v22 =	vld [tilespmem:s30+$0x600];
	v2 =	vmul.f32 v26, v52;
	[tilespmem:s30+$0x2A50] =	vst v41  }
0x247: {  	[tilespmem:s30+$0x2A60] =	vst v47  }
0x248: {  	v19 =	vbroadcast v57, $0x3;
	[tilespmem:s30+$0x2A70] =	vst v2  }
0x249: {  	[tilespmem:$0x1FBF0] =	vst v29  }
0x24a: {  	v27 =	vmul.f32 v42, v19;
	[tilespmem:$0x1FC10] =	vst v51  }
0x24b: {  	v28 =	vmul.f32 v38, v19;
	[tilespmem:$0x1FC20] =	vst v22  }
0x24c: {  	v3 =	vmov v58;
	v2 =	vmul.f32 v54, v19;
	[tilespmem:s30+$0x2B10] =	vst v27  }
0x24d: {  	v40 =	vbroadcast v57, $0x4;
	v29 =	vmul.f32 v3, v52;
	[tilespmem:s30+$0x2B20] =	vst v28  }
0x24e: {  	v52 =	vmov v24;
	v22 =	vmul.f32 v49, v19;
	[tilespmem:s30+$0x2B70] =	vst v2  }
0x24f: {  	v20 =	vmov v63;
	v51 =	vbroadcast v57, $0x2;
	v47 =	vmul.f32 v52, v40;
	[tilespmem:s30+$0x2A20] =	vst v29  }
0x250: {  	v52 =	vmul.f32 v20, v40;
	[tilespmem:s30+$0x2B00] =	vst v22  }
0x251: {  	v53 =	vmul.f32 v56, v51;
	[tilespmem:s30+$0x2B80] =	vst v47  }
0x252: {  	v55 =	vmul.f32 v50, v51;
	[tilespmem:s30+$0x2BC0] =	vst v52  }
0x253: {  	v6 =	vmul.f32 v31, v51;
	[tilespmem:s30+$0x2A80] =	vst v53  }
0x254: {  	v7 =	vmul.f32 v30, v51;
	[tilespmem:s30+$0x2A90] =	vst v55;
	v53 =	vld [tilespmem:$0x1FE80]  }
0x255: {  	v0 =	vmul.f32 v36, v51;
	v36 =	vmul.f32 v46, v19;
	[tilespmem:s30+$0x2AA0] =	vst v6;
	v55 =	vld [tilespmem:$0x1FEB0]  }
0x256: {  	v54 =	vld [tilespmem:$0x1FE90];
	v8 =	vmul.f32 v33, v51;
	[tilespmem:s30+$0x2AB0] =	vst v7  }
0x257: {  	v13 =	vmul.f32 v32, v51;
	[tilespmem:s30+$0x2B60] =	vst v36;
	v36 =	vld [tilespmem:$0x1FEC0]  }
0x258: {  	v56 =	vmov v25;
	v16 =	vmul.f32 v35, v51;
	v50 =	vmul.f32 v37, v40;
	[tilespmem:s30+$0x2AC0] =	vst v8  }
0x259: {  	v37 =	vld [tilespmem:$0x1FEE0];
	v49 =	vmul.f32 v56, v40;
	[tilespmem:s30+$0x2AF0] =	vst v0;
	v2 =	vmul.f32 v53, v40  }
0x25a: {  	v56 =	vbroadcast v57, $0x5;
	v47 =	vld [tilespmem:$0x1FF00];
	[tilespmem:s30+$0x2BA0] =	vst v50;
	v0 =	vmul.f32 v55, v40  }
0x25b: {  	v51 =	vmul.f32 v23, v40;
	[tilespmem:s30+$0x2BD0] =	vst v2;
	v2 =	vmul.f32 v54, v40;
	v40 =	vld [tilespmem:$0x1FEF0]  }
0x25c: {  	v52 =	vld [tilespmem:$0x1FF30];
	[tilespmem:s30+$0x2BF0] =	vst v0;
	v0 =	vmul.f32 v36, v56  }
0x25d: {  	v50 =	vld [tilespmem:$0x1FF20];
	[tilespmem:s30+$0x2B90] =	vst v49  }
0x25e: {  	v49 =	vld [tilespmem:$0x1FF10];
	[tilespmem:s30+$0x2C00] =	vst v0;
	v0 =	vmul.f32 v37, v56  }
0x25f: {  	[tilespmem:s30+$0x2AD0] =	vst v13;
	v54 =	vld [tilespmem:$0x1FF40]  }
0x260: {  	[tilespmem:s30+$0x2C10] =	vst v0;
	v0 =	vmul.f32 v40, v56  }
0x261: {  	v29 =	vmul.f32 v45, v19;
	[tilespmem:s30+$0x2AE0] =	vst v16  }
0x262: {  	v32 =	vmul.f32 v43, v19;
	v55 =	vld [tilespmem:$0x1FF50];
	[tilespmem:s30+$0x2C20] =	vst v0;
	v0 =	vmul.f32 v47, v56  }
0x263: {  	[tilespmem:s30+$0x2BB0] =	vst v51;
	v51 =	vmul.f32 v50, v56;
	v53 =	vmul.f32 v52, v56  }
0x264: {  	v5 =	vmul.f32 v54, v56;
	[tilespmem:s30+$0x2C30] =	vst v0;
	v0 =	vmul.f32 v49, v56;
	v56 =	vld [tilespmem:$0x1FF70]  }
0x265: {  	[tilespmem:s30+$0x2B30] =	vst v29;
	v36 =	vbroadcast v57, $0x6  }
0x266: {  	v35 =	vmul.f32 v48, v19;
	[tilespmem:s30+$0x2B40] =	vst v32;
	v37 =	vld [tilespmem:$0x1FF90]  }
0x267: {  	[tilespmem:s30+$0x2C70] =	vst v5;
	v5 =	vmul.f32 v55, v36  }
0x268: {  	[tilespmem:s30+$0x2B50] =	vst v35;
	v40 =	vld [tilespmem:$0x1FFC0]  }
0x269: {  	[tilespmem:s30+$0x2C80] =	vst v5;
	v5 =	vmul.f32 v56, v36  }
0x26a: {  	[tilespmem:s30+$0x2C50] =	vst v51;
	v56 =	vld [tilespmem:$0x1FFF0]  }
0x26b: {  	[tilespmem:s30+$0x2C90] =	vst v5;
	v5 =	vmul.f32 v37, v36  }
0x26c: {  	[tilespmem:s30+$0x2C60] =	vst v53  }
0x26d: {  	v58 =	vld [tilespmem:s30+$0x510];
	[tilespmem:s30+$0x2CA0] =	vst v5;
	v5 =	vmul.f32 v40, v36  }
0x26e: {  	v62 =	vld [tilespmem:s30+$0x530];
	[tilespmem:s30+$0x2BE0] =	vst v2;
	v39 =	vmul.f32 v39, v36  }
0x26f: {  	v63 =	vld [tilespmem:s30+$0x520];
	[tilespmem:s30+$0x2CC0] =	vst v5;
	v5 =	vmul.f32 v56, v36  }
0x270: {  	v60 =	vld [tilespmem:s30+$0x550];
	v44 =	vmul.f32 v44, v36;
	[tilespmem:s30+$0x2CB0] =	vst v39  }
0x271: {  	v61 =	vld [tilespmem:s30+$0x540];
	v1 =	vmul.f32 v1, v36;
	[tilespmem:s30+$0x2CE0] =	vst v5;
	v5 =	vbroadcast v57, $0x7  }
0x272: {  	[tilespmem:s30+$0x2CD0] =	vst v44  }
0x273: {  	[tilespmem:s30+$0x2CF0] =	vst v1;
	v39 =	vmul.f32 v62, v5;
	v62 =	vld [tilespmem:$0x1FB90]  }
0x274: {  	v10 =	vld [tilespmem:s30+$0x5F0];
	[tilespmem:s30+$0x2C40] =	vst v0;
	v36 =	vmul.f32 v58, v5  }
0x275: {  	v44 =	vmul.f32 v60, v5;
	[tilespmem:s30+$0x2D30] =	vst v39;
	v39 =	vld [tilespmem:$0x1FBB0]  }
0x276: {  	v37 =	vmul.f32 v63, v5;
	v40 =	vmul.f32 v61, v5;
	v63 =	vld [tilespmem:$0x1FBA0];
	[tilespmem:s30+$0x2D10] =	vst v36  }
0x277: {  	v59 =	vmul.f32 v59, v5;
	[tilespmem:s30+$0x2D50] =	vst v44;
	v44 =	vld [tilespmem:$0x1FBD0]  }
0x278: {  	[tilespmem:s30+$0x2D40] =	vst v40;
	v36 =	vbroadcast v57, $0x8;
	v40 =	vld [tilespmem:$0x1FBC0];
	v1 =	vmul.f32 v62, v5  }
0x279: {  	[tilespmem:s30+$0x2D00] =	vst v59  }
0x27a: {  	[tilespmem:s30+$0x2D60] =	vst v1;
	v1 =	vmul.f32 v39, v36;
	v39 =	vld [tilespmem:$0x1FBF0]  }
0x27b: {  	[tilespmem:s30+$0x2D20] =	vst v37;
	v37 =	vld [tilespmem:$0x1FBE0];
	v5 =	vmul.f32 v63, v5  }
0x27c: {  	v10 =	vmul.f32 v10, v36;
	[tilespmem:s30+$0x2D80] =	vst v1;
	v1 =	vmul.f32 v44, v36;
	v44 =	vld [tilespmem:$0x1FC10]  }
0x27d: {  	[tilespmem:s30+$0x2D70] =	vst v5;
	v5 =	vmul.f32 v40, v36;
	v40 =	vld [tilespmem:$0x1FC00]  }
0x27e: {  	v11 =	vld [tilespmem:s30+$0x610];
	[tilespmem:s30+$0x2DF0] =	vst v10  }
0x27f: {  	v9 =	vld [tilespmem:s30+$0x620];
	[tilespmem:s30+$0x2DA0] =	vst v1;
	v1 =	vmul.f32 v39, v36  }
0x280: {  	v14 =	vld [tilespmem:s30+$0x630];
	[tilespmem:s30+$0x2D90] =	vst v5;
	v5 =	vmul.f32 v37, v36  }
0x281: {  	v12 =	vld [tilespmem:s30+$0x640];
	[tilespmem:s30+$0x2DC0] =	vst v1;
	v1 =	vbroadcast v57, $0x9;
	v37 =	vmul.f32 v44, v36  }
0x282: {  	v17 =	vld [tilespmem:s30+$0x650];
	[tilespmem:s30+$0x2DB0] =	vst v5;
	v5 =	vmul.f32 v40, v36  }
0x283: {  	v15 =	vld [tilespmem:s30+$0x660];
	[tilespmem:s30+$0x2DE0] =	vst v37;
	v37 =	vmul.f32 v11, v1  }
0x284: {  	v25 =	vld [tilespmem:s30+$0x690];
	[tilespmem:s30+$0x2DD0] =	vst v5;
	v39 =	vmul.f32 v9, v1  }
0x285: {  	v30 =	vld [tilespmem:s30+$0x6B0];
	v40 =	vmul.f32 v14, v1;
	[tilespmem:s30+$0x2E10] =	vst v37  }
0x286: {  	v26 =	vld [tilespmem:s30+$0x6C0];
	v44 =	vmul.f32 v12, v1;
	[tilespmem:s30+$0x2E20] =	vst v39  }
0x287: {  	v33 =	vld [tilespmem:s30+$0x6D0];
	v12 =	vmul.f32 v17, v1;
	v14 =	vbroadcast v57, $0xA;
	[tilespmem:s30+$0x2E30] =	vst v40  }
0x288: {  	v31 =	vld [tilespmem:s30+$0x6E0];
	v17 =	vmul.f32 v15, v1;
	[tilespmem:s30+$0x2E40] =	vst v44  }
0x289: {  	v36 =	vld [tilespmem:$0x1FC20];
	[tilespmem:s30+$0x2E50] =	vst v12;
	v25 =	vmul.f32 v25, v14  }
0x28a: {  	v24 =	vld [tilespmem:s30+$0x670];
	[tilespmem:s30+$0x2E60] =	vst v17;
	v37 =	vmul.f32 v30, v14  }
0x28b: {  	v18 =	vld [tilespmem:s30+$0x680];
	v39 =	vmul.f32 v26, v14;
	[tilespmem:s30+$0x2E90] =	vst v25  }
0x28c: {  	v21 =	vld [tilespmem:s30+$0x6A0];
	v40 =	vmul.f32 v33, v14;
	[tilespmem:s30+$0x2EB0] =	vst v37  }
0x28d: {  	v42 =	vld [tilespmem:s30+$0x710];
	v12 =	vmul.f32 v31, v14;
	[tilespmem:s30+$0x2EC0] =	vst v39  }
0x28e: {  	v38 =	vld [tilespmem:s30+$0x720];
	v5 =	vmul.f32 v36, v1;
	[tilespmem:s30+$0x2ED0] =	vst v40  }
0x28f: {  	v45 =	vld [tilespmem:s30+$0x730];
	v1 =	vmul.f32 v24, v1;
	[tilespmem:s30+$0x2EE0] =	vst v12  }
0x290: {  	v43 =	vld [tilespmem:s30+$0x740];
	v44 =	vbroadcast v57, $0xB;
	v24 =	vmul.f32 v18, v14;
	[tilespmem:s30+$0x2E00] =	vst v5  }
0x291: {  	v46 =	vld [tilespmem:s30+$0x760];
	v36 =	vmul.f32 v21, v14;
	[tilespmem:s30+$0x2E70] =	vst v1  }
0x292: {  	v8 =	vld [tilespmem:s30+$0x770];
	v15 =	vmul.f32 v42, v44;
	[tilespmem:s30+$0x2E80] =	vst v24  }
0x293: {  	v13 =	vld [tilespmem:s30+$0x780];
	v17 =	vmul.f32 v38, v44;
	[tilespmem:s30+$0x2EA0] =	vst v36  }
0x294: {  	v19 =	vld [tilespmem:s30+$0x790];
	v18 =	vmul.f32 v45, v44;
	[tilespmem:s30+$0x2F10] =	vst v15  }
0x295: {  	v16 =	vld [tilespmem:s30+$0x7A0];
	v21 =	vmul.f32 v43, v44;
	[tilespmem:s30+$0x2F20] =	vst v17  }
0x296: {  	v7 =	vld [tilespmem:s30+$0x7B0];
	v26 =	vbroadcast v57, $0xC;
	v25 =	vmul.f32 v46, v44;
	[tilespmem:s30+$0x2F30] =	vst v18  }
0x297: {  	v23 =	vld [tilespmem:s30+$0x7E0];
	v8 =	vmul.f32 v8, v44;
	[tilespmem:s30+$0x2F40] =	vst v21  }
0x298: {  	v41 =	vld [tilespmem:s30+$0x6F0];
	v30 =	vmul.f32 v13, v26;
	[tilespmem:s30+$0x2F60] =	vst v25  }
0x299: {  	v34 =	vld [tilespmem:s30+$0x700];
	v31 =	vmul.f32 v19, v26;
	[tilespmem:s30+$0x2F70] =	vst v8  }
0x29a: {  	v48 =	vld [tilespmem:s30+$0x750];
	v33 =	vmul.f32 v16, v26;
	[tilespmem:s30+$0x2F80] =	vst v30  }
0x29b: {  	v20 =	vld [tilespmem:s30+$0x7C0];
	v7 =	vmul.f32 v7, v26;
	[tilespmem:s30+$0x2F90] =	vst v31  }
0x29c: {  	v22 =	vld [tilespmem:s30+$0x7D0];
	v38 =	vmul.f32 v23, v26;
	[tilespmem:s30+$0x2FA0] =	vst v33  }
0x29d: {  	v27 =	vld [tilespmem:s30+$0x7F0];
	v5 =	vmul.f32 v41, v14;
	[tilespmem:s30+$0x2FB0] =	vst v7  }
0x29e: {  	v28 =	vld [tilespmem:s30+$0x800];
	v14 =	vmul.f32 v34, v44;
	[tilespmem:s30+$0x2FE0] =	vst v38  }
0x29f: {  	v6 =	vld [tilespmem:s30+$0x810];
	v24 =	vmul.f32 v48, v44;
	[tilespmem:s30+$0x2EF0] =	vst v5  }
0x2a0: {  	v35 =	vld [tilespmem:s30+$0x820];
	v34 =	vmul.f32 v20, v26;
	[tilespmem:s30+$0x2F00] =	vst v14  }
0x2a1: {  	v4 =	vld [tilespmem:s30+$0x830];
	v37 =	vbroadcast v57, $0xD;
	v36 =	vmul.f32 v22, v26;
	[tilespmem:s30+$0x2F50] =	vst v24  }
0x2a2: {  	v3 =	vld [tilespmem:s30+$0x840];
	v1 =	vmul.f32 v27, v26;
	[tilespmem:s30+$0x2FC0] =	vst v34  }
0x2a3: {  	v0 =	vld [tilespmem:s30+$0x850];
	v39 =	vmul.f32 v28, v37;
	[tilespmem:s30+$0x2FD0] =	vst v36  }
0x2a4: {  	v2 =	vld [tilespmem:s30+$0x860];
	v40 =	vmul.f32 v6, v37;
	[tilespmem:s30+$0x2FF0] =	vst v1  }
0x2a5: {  	v32 =	vld [tilespmem:s30+$0x870];
	v41 =	vmul.f32 v35, v37;
	[tilespmem:s30+$0x3000] =	vst v39  }
0x2a6: {  	v29 =	vld [tilespmem:s30+$0x880];
	v42 =	vmul.f32 v4, v37;
	[tilespmem:s30+$0x3010] =	vst v40  }
0x2a7: {  	v49 =	vld [tilespmem:s30+$0x890];
	v3 =	vmul.f32 v3, v37;
	[tilespmem:s30+$0x3020] =	vst v41  }
0x2a8: {  	v47 =	vld [tilespmem:s30+$0x8A0];
	v0 =	vmul.f32 v0, v37;
	[tilespmem:s30+$0x3030] =	vst v42  }
0x2a9: {  	v50 =	vld [tilespmem:s30+$0x8B0];
	v43 =	vbroadcast v57, $0xE;
	v2 =	vmul.f32 v2, v37;
	[tilespmem:s30+$0x3040] =	vst v3  }
0x2aa: {  	v51 =	vld [tilespmem:s30+$0x8C0];
	v44 =	vmul.f32 v32, v37;
	[tilespmem:s30+$0x3050] =	vst v0  }
0x2ab: {  	v52 =	vld [tilespmem:s30+$0x8D0];
	v45 =	vmul.f32 v29, v43;
	[tilespmem:s30+$0x3060] =	vst v2  }
0x2ac: {  	v53 =	vld [tilespmem:s30+$0x8E0];
	v46 =	vmul.f32 v49, v43;
	[tilespmem:s30+$0x3070] =	vst v44  }
0x2ad: {  	v54 =	vld [tilespmem:s30+$0x8F0];
	v48 =	vmul.f32 v47, v43;
	[tilespmem:s30+$0x3080] =	vst v45  }
0x2ae: {  	v55 =	vld [tilespmem:s30+$0x900];
	v49 =	vmul.f32 v50, v43;
	[tilespmem:s30+$0x3090] =	vst v46  }
0x2af: {  	v56 =	vld [tilespmem:s30+$0x910];
	v50 =	vmul.f32 v51, v43;
	[tilespmem:s30+$0x30A0] =	vst v48  }
0x2b0: {  	v58 =	vld [tilespmem:s30+$0x920];
	v51 =	vmul.f32 v52, v43;
	[tilespmem:s30+$0x30B0] =	vst v49  }
0x2b1: {  	v59 =	vld [tilespmem:s30+$0x930];
	v52 =	vbroadcast v57, $0xF;
	v53 =	vmul.f32 v53, v43;
	[tilespmem:s30+$0x30C0] =	vst v50  }
0x2b2: {  	v61 =	vld [tilespmem:s30+$0x940];
	v1 =	vmul.f32 v54, v43;
	[tilespmem:s30+$0x30D0] =	vst v51  }
0x2b3: {  	v60 =	vld [tilespmem:s30+$0x950];
	[tilespmem:s30+$0x30E0] =	vst v53;
	v55 =	vmul.f32 v55, v52  }
0x2b4: {  	v62 =	vld [tilespmem:s30+$0x960];
	v56 =	vmul.f32 v56, v52;
	[tilespmem:s30+$0x30F0] =	vst v1  }
0x2b5: {  	v63 =	vld [tilespmem:s30+$0x970];
	v57 =	vmul.f32 v58, v52;
	[tilespmem:s30+$0x3100] =	vst v55  }
0x2b6: {  	v58 =	vmul.f32 v59, v52;
	[tilespmem:s30+$0x3110] =	vst v56  }
0x2b7: {  	v59 =	vmul.f32 v61, v52;
	[tilespmem:s30+$0x3120] =	vst v57  }
0x2b8: {  	v61 =	vmul.f32 v60, v52;
	[tilespmem:s30+$0x3130] =	vst v58  }
0x2b9: {  	v62 =	vmul.f32 v62, v52;
	[tilespmem:s30+$0x3140] =	vst v59  }
0x2ba: {  	s28 =	sadd.s32 $0x1, s28;
	v0 =	vmul.f32 v63, v52;
	[tilespmem:s30+$0x3150] =	vst v61  }
0x2bb: {  	p0 =	sne.s32 s28, $0x7D;
	[tilespmem:s30+$0x3160] =	vst v62  }
.Ltmp2:
0x2bc: {  	[tilespmem:s30+$0x3170] =	vst v0;
	(pc) =	sbr.rel @p0 .LBB2_4-.Ltmp2, $4  }
0x2bd: {  	[spmem:s2] =	stream.indirect.scatter.add.f32 [tilespmem:s19], [sflag:$0x2], $0x80, s21, s23, $0xb8;
	[tilespmem:$0x18A00] =	vst v63  }
0x2be: {  	_ =	swait.ge [sflag:s20], $0x2800  }
0x2bf: {  	[sflag:s20] =	ssyncset.done $0x0  }
0x2c0: {  	[sflag:s20] =	ssyncadd.s32 $0xFFFFD800  }
0x2c1: {  	s4 =	sadd.s32 $0x1, s4  }
0x2c2: {  	s0 =	sshll.u32 s3, $0x6;
	[bflag:$0x0] =	sbarrier.arrive $0xFFFF;
	p0 =	sne.s32 s4, s18  }
.Ltmp3:
0x2c3: {  	s26 =	sshrl.u32 s8, $0x3;
	s0 =	sor.u32 $0x1C02, s0;
	(pc) =	sbr.rel @p0 .LBB2_1-.Ltmp3, $4  }
0x2c4: {  	[hbm:s17], [sflag:s0] =	dma.local [spmem:s26], $0x2800  }
0x2c5: {  	_ =	swait.ge [sflag:s20], $0x2800  }
0x2c6: {  	[sflag:s20] =	ssyncset.done $0x0  }
0x2c7: {  	v0 =	vimm.f32 $0.0e+00;
	[sflag:s20] =	ssyncadd.s32 $0xFFFFD800  }
0x2c8: {  	_ =	sfence.sel $0x180000  }
0x2c9: {  	[bflag:$0x0] =	sbarrier.arrive $0xFFFF  }
0x2ca: {  	_ =	strace $0x9000004A  }
0x2cb: {  	[bflag:$0x2] =	sbarrier.arrive $0xFFFF  }
0x2cc: {  	p0 =	sne.s32 s3, $0x0;
	s0 =	rddreg [dreg:$0x3]  }
0x2cd: {  	s0 =	sadd.s32 @!p0 $0x100000, s0  }
0x2ce: {  	[sflag:s0] =	ssyncadd.tile.s32 @!p0 $0x1;
	_ =	shalt  }
.Lfunc_end2:
_tile_overlayer_lowered:
.L_overlay_start_2:
0x2cf: {  	(tag) =	ssettag $0x2  }
0x2d0: {  	s0 =	rddreg [dreg:$0x0];
	s2 =	stileid.u32  }
0x2d1: {  	s1 =	rddreg [dreg:$0x1];
	p0 =	sne.s32 s2, $0x0  }
0x2d2: {  	s3 =	rddreg [dreg:$0x2];
	[bflag:$0x3] =	sbarrier.arrive $0xFFFF;
	s2 =	simm.s32 @!p0 $0x1C02  }
0x2d3: {  	[timem:s3], [sflag:s2] =	dma.local @!p0 [hbm:s0], s1  }
0x2d4: {  	s0 =	simm.s32 @!p0 $0x2  }
0x2d5: {  	_ =	swait.ge @!p0 [sflag:s0], s1  }
0x2d6: {  	s1 =	ssub.s32 @!p0 $0x0, s1;
	[sflag:s0] =	ssyncset.done @!p0 $0x0  }
0x2d7: {  	[sflag:s0] =	ssyncadd.s32 @!p0 s1  }
0x2d8: {  	[bflag:$0x3] =	sbarrier.arrive $0xFFFF  }
0x2d9: {  	_ =	shalt  }

</sc_bundles>
